<compile_context>
chip_gen: v7x
topology: tpu7x:2x2x1
jax: 0.10.2.dev20260603
libtpu: 0.0.44.dev20260713+nightly
codegen_flags: <defaults>
</compile_context>

<pallas_src>
import jax
import jax.numpy as jnp
import numpy as np
from jax import lax
from jax.experimental import pallas as pl
from jax.experimental.pallas import tpu as pltpu
from jax.experimental.pallas import tpu_sc as plsc

NUM_SAMPLES_ = 32

_NC = 2
_NS = 16
_L = 16

_B, _CX, _N = 16, 3, 4096
_C = 256
_S = NUM_SAMPLES_
_G = _N // _S
_GS = _G * _S

_TILES = _NC * _NS
_CPT = _C // (_TILES // _B)
_TR = 8
_NGROUPS = _CPT // _TR
_HG = 4


def _sc_body(ptile_hbm, xyz_hbm, idx2_hbm, idx1_hbm, idxrep_hbm,
             gpts_hbm, nxyz_hbm, gxyz_hbm,
             idx_v, in0, in1, out0, out1, idx1_v,
             nxyz_v, sin0, sin1, sout0, sout1):
    cid = lax.axis_index("c")
    sid = lax.axis_index("s")
    wid = sid * _NC + cid
    b = wid // 2
    tr0 = (wid % 2) * _NGROUPS
    c0 = (wid % 2) * _CPT

    ins, outs = [in0, in1], [out0, out1]
    sins, souts = [sin0, sin1], [sout0, sout1]

    def start_in(g, bb):
        pltpu.async_copy(ptile_hbm.at[b, tr0 + g], ins[bb], sins[bb])

    def wait_in(g, bb):
        pltpu.make_async_copy(ptile_hbm.at[b, tr0 + g], ins[bb],
                              sins[bb]).wait()

    def start_out(g, h, ob):
        for r in range(_HG):
            c = c0 + g * _TR + h * _HG + r
            pltpu.async_copy(outs[ob].at[pl.ds(r * _S, _S), :],
                             gpts_hbm.at[b, c], souts[ob])

    def wait_out(g, h, ob):
        for r in range(_HG):
            c = c0 + g * _TR + h * _HG + r
            pltpu.make_async_copy(outs[ob].at[pl.ds(r * _S, _S), :],
                                  gpts_hbm.at[b, c], souts[ob]).wait()

    start_in(0, 0)
    start_in(1, 1)
    pltpu.sync_copy(idx2_hbm.at[b], idx_v)

    def pipe(i, carry):
        for bb in range(2):
            g = 2 * i + bb
            wait_in(g, bb)
            for h in range(2):
                @pl.when(g >= 1)
                def _(g=g, h=h):
                    wait_out(g - 1, h, h)

                srcs = [
                    ins[bb].at[pl.ds(cs * 128, _TR * _N - cs * 128)]
                    for cs in range(h * _HG, (h + 1) * _HG)
                ]

                @plsc.parallel_loop(0, _GS // _L, unroll=8)
                def _(j, h=h, srcs=srcs):
                    idxv = idx_v[pl.ds(j * _L, _L)]
                    row = j // (_G // _L)
                    g0 = (j % (_G // _L)) * _L
                    for r in range(_HG):
                        outs[h][r * _S + row, pl.ds(g0, _L)] = (
                            plsc.load_gather(srcs[r], [idxv]))

                start_out(g, h, h)

            @pl.when(g + 2 < _NGROUPS)
            def _(bb=bb, g=g):
                start_in(g + 2, bb)
        return carry

    lax.fori_loop(0, _NGROUPS // 2, pipe, 0)
    wait_out(_NGROUPS - 1, 0, 0)
    wait_out(_NGROUPS - 1, 1, 1)

    @pl.when(wid < _B)
    def _():
        b2 = wid
        for k in range(_CX):
            pltpu.sync_copy(xyz_hbm.at[b2, k], in0.at[pl.ds(k * _N, _N)])
        pltpu.sync_copy(idx1_hbm.at[b2], idx1_v)
        pltpu.sync_copy(idxrep_hbm.at[b2], idx_v)
        xsrcs = [in0.at[pl.ds(k * _N, _N)] for k in range(_CX)]
        for j in range(_G // _L):
            idxv = idx1_v[pl.ds(j * _L, _L)]
            for k in range(_CX):
                nxyz_v[pl.ds(k * _G + j * _L, _L)] = plsc.load_gather(
                    xsrcs[k], [idxv])
        for k in range(_CX):
            pltpu.sync_copy(nxyz_v.at[pl.ds(k * _G, _G)], nxyz_hbm.at[b2, k])

        @plsc.parallel_loop(0, _GS // _L, unroll=8)
        def _(j):
            idxv = idx_v[pl.ds(j * _L, _L)]
            row = j // (_G // _L)
            g0 = (j % (_G // _L)) * _L
            for k in range(_CX):
                out0[k * _S + row, pl.ds(g0, _L)] = plsc.load_gather(
                    xsrcs[k], [idxv])
        for k in range(_CX):
            pltpu.sync_copy(out0.at[pl.ds(k * _S, _S), :],
                            gxyz_hbm.at[b2, k])




def _rotl(x, d):
    return ((x << np.uint32(d)) | (x >> np.uint32(32 - d))).astype(np.uint32)


def _tf_block(k0, k1, x0, x1):
    x0 = x0.astype(np.uint32).copy()
    x1 = x1.astype(np.uint32).copy()
    rotations = ((13, 15, 26, 6), (17, 29, 16, 24))
    ks = (np.uint32(k0), np.uint32(k1),
          np.uint32(np.uint32(k0) ^ np.uint32(k1) ^ np.uint32(0x1BD11BDA)))
    x0 += ks[0]
    x1 += ks[1]
    for i in range(5):
        for d in rotations[i % 2]:
            x0 += x1
            x1 = _rotl(x1, d)
            x1 ^= x0
        x0 += ks[(i + 1) % 3]
        x1 += ks[(i + 2) % 3] + np.uint32(i + 1)
    return x0, x1


def _np_split2(keypair):
    b1, b2 = _tf_block(keypair[0], keypair[1],
                       np.zeros(2, np.uint32), np.arange(2, dtype=np.uint32))
    return np.stack([b1, b2], axis=1)


def _np_random_bits32(keypair, shape):
    n = int(np.prod(shape))
    b1, b2 = _tf_block(keypair[0], keypair[1],
                       np.zeros(n, np.uint32), np.arange(n, dtype=np.uint32))
    return (b1 ^ b2).reshape(shape)


def _np_randint(keypair, shape, minval, maxval):
    k1, k2 = _np_split2(keypair)
    higher = _np_random_bits32(k1, shape)
    lower = _np_random_bits32(k2, shape)
    span = np.uint64(maxval - minval)
    multiplier = np.uint64(2 ** 16) % span
    multiplier = (multiplier * multiplier) % span
    offset = ((np.uint64(higher) % span) * multiplier
              + (np.uint64(lower) % span)) % span
    return (np.int64(minval) + offset.astype(np.int64)).astype(np.int32)


def _host_indices():
    base = np.array([0, 42], np.uint32)
    nk1, nk2 = _np_split2(base)
    idx1 = _np_randint(nk1, (_B, _G), 0, _N)
    idx2 = _np_randint(nk2, (_B, _G, _S), 0, _N)
    idxT = idx2.transpose(0, 2, 1).reshape(_B, _GS)
    idx2f = ((idxT >> 7) << 10) + (idxT & 127)
    idxrep = np.tile(idx1, (1, _S))
    return idx1, idx2f.astype(np.int32), idxrep.astype(np.int32)


_IDX1_NP, _IDX2F_NP, _IDXREP_NP = _host_indices()


@jax.jit
def kernel(xyz, points):
    B, C, N = points.shape
    idx1 = jnp.asarray(_IDX1_NP)
    idx2f = jnp.asarray(_IDX2F_NP)
    idxrep = jnp.asarray(_IDXREP_NP)

    ptile = points.reshape(B, _C // _TR, _TR, _N // 128, 128)
    ptile = ptile.transpose(0, 1, 3, 2, 4).reshape(B, _C // _TR, _TR * _N)

    mesh = plsc.VectorSubcoreMesh(
        core_axis_name="c", subcore_axis_name="s",
        num_cores=_NC, num_subcores=_NS)
    run = pl.kernel(
        _sc_body,
        out_type=(
            jax.ShapeDtypeStruct((B, C, _S, _G), jnp.float32),
            jax.ShapeDtypeStruct((B, _CX, _G), jnp.float32),
            jax.ShapeDtypeStruct((B, _CX, _S, _G), jnp.float32),
        ),
        mesh=mesh,
        compiler_params=pltpu.CompilerParams(
            needs_layout_passes=False, use_tc_tiling_on_sc=False),
        scratch_types=[
            pltpu.VMEM((_GS,), jnp.int32),
            pltpu.VMEM((_TR * _N,), jnp.float32),
            pltpu.VMEM((_TR * _N,), jnp.float32),
            pltpu.VMEM((_HG * _S, _G), jnp.float32),
            pltpu.VMEM((_HG * _S, _G), jnp.float32),
            pltpu.VMEM((_G,), jnp.int32),
            pltpu.VMEM((_CX * _G,), jnp.float32),
            pltpu.SemaphoreType.DMA,
            pltpu.SemaphoreType.DMA,
            pltpu.SemaphoreType.DMA,
            pltpu.SemaphoreType.DMA,
        ],
    )
    gpts_t, new_xyz, gxyz_t = run(ptile, xyz, idx2f, idx1, idxrep)
    grouped_points = gpts_t.transpose(0, 1, 3, 2)
    grouped_xyz = gxyz_t.transpose(0, 1, 3, 2)
    return (new_xyz, grouped_xyz, grouped_points)

# --- scband reference (transcript-rebuilt; emitter-appended) ---
"""Pipeline reference for scband-local-grouper-34187939676657 (READ-ONLY COPY).

The authoritative reference and input builder live on the scoring server;
editing this copy changes nothing except your own understanding.
"""

import jax, jax.numpy as jnp
import numpy as np

NUM_SAMPLES = 32

def setup_inputs(seed: int = 0) -> dict:
    key = jax.random.key(seed)
    k1, k2 = jax.random.split(key)
    xyz = jax.random.normal(k1, (16, 3, 4096), dtype=jnp.float32)
    points = jax.random.normal(k2, (16, 256, 4096), dtype=jnp.float32)
    return {"xyz": xyz, "points": points}

def reference(xyz, points):
    B, C, N = points.shape
    num_samples = NUM_SAMPLES
    num_new_points = max(1, N // num_samples)
    idx_key = jax.random.key(42)
    k1, k2 = jax.random.split(idx_key)
    new_xyz_indices = jax.random.randint(k1, (B, num_new_points), 0, N)
    new_xyz = jnp.take_along_axis(
        xyz,
        jnp.broadcast_to(new_xyz_indices[:, None, :], (B, 3, num_new_points)),
        axis=2,
    )
    grouped_xyz = jnp.broadcast_to(
        new_xyz[..., None], (B, 3, num_new_points, num_samples)
    )
    feature_indices = jax.random.randint(k2, (B, num_new_points, num_samples), 0, N)
    points_transposed = jnp.transpose(points, (0, 2, 1))  # [B, N, C]
    flat_feature_indices = feature_indices.reshape(B, -1)
    expanded_feature_indices = jnp.broadcast_to(
        flat_feature_indices[:, :, None], (B, num_new_points * num_samples, C)
    )
    gathered_features_flat = jnp.take_along_axis(
        points_transposed, expanded_feature_indices, axis=1
    )
    grouped_points = gathered_features_flat.reshape(
        B, num_new_points, num_samples, C
    ).transpose(0, 3, 1, 2)
    return (new_xyz, grouped_xyz, grouped_points)

if __name__ == "__main__":
    import jax
    _d = setup_inputs()
    print(jax.jit(kernel)(*tuple(_d.values())))

</pallas_src>

<mosaic_0001>
#map = affine_map<(d0, d1) -> (0, 0, 0)>
#map1 = affine_map<(d0, d1) -> (0, 0)>
#map2 = affine_map<(d0, d1) -> (0, 0, 0, 0)>
module attributes {stable_mosaic.version = 14 : i64} {
  func.func @_sc_body(%arg0: i32, %arg1: i32, %arg2: memref<16x32x32768xf32, #tpu.memory_space<hbm>>, %arg3: memref<16x3x4096xf32, #tpu.memory_space<hbm>>, %arg4: memref<16x4096xi32, #tpu.memory_space<hbm>>, %arg5: memref<16x128xi32, #tpu.memory_space<hbm>>, %arg6: memref<16x4096xi32, #tpu.memory_space<hbm>>, %arg7: memref<16x256x32x128xf32, #tpu.memory_space<hbm>>, %arg8: memref<16x3x128xf32, #tpu.memory_space<hbm>>, %arg9: memref<16x3x32x128xf32, #tpu.memory_space<hbm>>, %arg10: memref<4096xi32, #tpu.memory_space<vmem>>, %arg11: memref<32768xf32, #tpu.memory_space<vmem>>, %arg12: memref<32768xf32, #tpu.memory_space<vmem>>, %arg13: memref<128x128xf32, #tpu.memory_space<vmem>>, %arg14: memref<128x128xf32, #tpu.memory_space<vmem>>, %arg15: memref<128xi32, #tpu.memory_space<vmem>>, %arg16: memref<384xf32, #tpu.memory_space<vmem>>, %arg17: memref<!tpu.dma_semaphore, #tpu.memory_space<semaphore_mem>>, %arg18: memref<!tpu.dma_semaphore, #tpu.memory_space<semaphore_mem>>, %arg19: memref<!tpu.dma_semaphore, #tpu.memory_space<semaphore_mem>>, %arg20: memref<!tpu.dma_semaphore, #tpu.memory_space<semaphore_mem>>) attributes {dimension_semantics = [#tpu.dimension_semantics<core_parallel>, #tpu.dimension_semantics<subcore_parallel>], iteration_bounds = array<i64: 2, 16>, scalar_prefetch = 0 : i64, scratch_operands = 11 : i64, tpu.core_type = #tpu.core_type<sc_vector_subcore>, window_params = [{transform_indices = #map}, {transform_indices = #map}, {transform_indices = #map1}, {transform_indices = #map1}, {transform_indices = #map1}, {transform_indices = #map2}, {transform_indices = #map}, {transform_indices = #map2}]} {
    %mul3A = arith.constant 2 : i32
    %mul3A_0 = arith.muli %arg1, %mul3A : i32
    %add3A = arith.addi %mul3A_0, %arg0 : i32
    %jit3A = arith.constant 2 : i32
    %div3A = arith.divsi %add3A, %jit3A : i32
    %sign3A = arith.constant 0 : i32
    %sign3A_1 = arith.cmpi sgt, %add3A, %sign3A : i32
    %sign3A_2 = arith.extui %sign3A_1 : i1 to i32
    %sign3A_3 = arith.constant 0 : i32
    %sign3A_4 = arith.cmpi slt, %add3A, %sign3A_3 : i32
    %sign3A_5 = arith.extui %sign3A_4 : i1 to i32
    %sign3A_6 = arith.subi %sign3A_2, %sign3A_5 : i32
    %sign3A_7 = arith.constant 0 : i32
    %sign3A_8 = arith.cmpi sgt, %jit3A, %sign3A_7 : i32
    %sign3A_9 = arith.extui %sign3A_8 : i1 to i32
    %sign3A_10 = arith.constant 0 : i32
    %sign3A_11 = arith.cmpi slt, %jit3A, %sign3A_10 : i32
    %sign3A_12 = arith.extui %sign3A_11 : i1 to i32
    %sign3A_13 = arith.subi %sign3A_9, %sign3A_12 : i32
    %ne3A = arith.cmpi ne, %sign3A_6, %sign3A_13 : i32
    %rem3A = arith.remsi %add3A, %jit3A : i32
    %ne3A_14 = arith.constant 0 : i32
    %ne3A_15 = arith.cmpi ne, %rem3A, %ne3A_14 : i32
    %and3A = arith.andi %ne3A, %ne3A_15 : i1
    %sub3A = arith.constant 1 : i32
    %sub3A_16 = arith.subi %div3A, %sub3A : i32
    %select_n3A = arith.select %and3A, %sub3A_16, %div3A : i32
    %jit3A_17 = arith.constant 2 : i32
    %eq3A = arith.constant 0 : i32
    %eq3A_18 = arith.cmpi eq, %jit3A_17, %eq3A : i32
    %jit3A_19 = arith.constant 1 : i32
    %select_n3A_20 = arith.select %eq3A_18, %jit3A_19, %jit3A_17 : i32
    %rem3A_21 = arith.remsi %add3A, %select_n3A_20 : i32
    %ne3A_22 = arith.constant 0 : i32
    %ne3A_23 = arith.cmpi ne, %rem3A_21, %ne3A_22 : i32
    %lt3A = arith.constant 0 : i32
    %lt3A_24 = arith.cmpi slt, %rem3A_21, %lt3A : i32
    %lt3A_25 = arith.constant 0 : i32
    %lt3A_26 = arith.cmpi slt, %select_n3A_20, %lt3A_25 : i32
    %ne3A_27 = arith.xori %lt3A_24, %lt3A_26 : i1
    %and3A_28 = arith.andi %ne3A_27, %ne3A_23 : i1
    %add3A_29 = arith.addi %rem3A_21, %select_n3A_20 : i32
    %select_n3A_30 = arith.select %and3A_28, %add3A_29, %rem3A_21 : i32
    %mul3A_31 = arith.constant 16 : i32
    %mul3A_32 = arith.muli %select_n3A_30, %mul3A_31 : i32
    %jit3A_33 = arith.constant 2 : i32
    %eq3A_34 = arith.constant 0 : i32
    %eq3A_35 = arith.cmpi eq, %jit3A_33, %eq3A_34 : i32
    %jit3A_36 = arith.constant 1 : i32
    %select_n3A_37 = arith.select %eq3A_35, %jit3A_36, %jit3A_33 : i32
    %rem3A_38 = arith.remsi %add3A, %select_n3A_37 : i32
    %ne3A_39 = arith.constant 0 : i32
    %ne3A_40 = arith.cmpi ne, %rem3A_38, %ne3A_39 : i32
    %lt3A_41 = arith.constant 0 : i32
    %lt3A_42 = arith.cmpi slt, %rem3A_38, %lt3A_41 : i32
    %lt3A_43 = arith.constant 0 : i32
    %lt3A_44 = arith.cmpi slt, %select_n3A_37, %lt3A_43 : i32
    %ne3A_45 = arith.xori %lt3A_42, %lt3A_44 : i1
    %and3A_46 = arith.andi %ne3A_45, %ne3A_40 : i1
    %add3A_47 = arith.addi %rem3A_38, %select_n3A_37 : i32
    %select_n3A_48 = arith.select %and3A_46, %add3A_47, %rem3A_38 : i32
    %mul3A_49 = arith.constant 128 : i32
    %mul3A_50 = arith.muli %select_n3A_48, %mul3A_49 : i32
    %add3A_51 = arith.constant 0 : i32
    %add3A_52 = arith.addi %mul3A_32, %add3A_51 : i32
    %dma_start3A = arith.constant 0 : i32
    %dma_start3A_53 = tpu.memref_slice %arg2[%select_n3A, %add3A_52, %dma_start3A] : memref<16x32x32768xf32, #tpu.memory_space<hbm>> -> memref<1x1x32768xf32, #tpu.memory_space<hbm>>
    %dma_start3A_54 = tpu.memref_squeeze %dma_start3A_53 : memref<1x1x32768xf32, #tpu.memory_space<hbm>> -> memref<32768xf32, #tpu.memory_space<hbm>>
    %dma_start3A_55 = arith.constant 0 : i32
    %dma_start3A_56 = tpu.memref_slice %arg2[%select_n3A, %add3A_52, %dma_start3A_55] : memref<16x32x32768xf32, #tpu.memory_space<hbm>> -> memref<1x1x32768xf32, #tpu.memory_space<hbm>>
    %dma_start3A_57 = tpu.memref_squeeze %dma_start3A_56 : memref<1x1x32768xf32, #tpu.memory_space<hbm>> -> memref<32768xf32, #tpu.memory_space<hbm>>
    tpu.enqueue_dma source(%dma_start3A_57 : memref<32768xf32, #tpu.memory_space<hbm>>) target(%arg11 : memref<32768xf32, #tpu.memory_space<vmem>>) target_semaphore(%arg17 : memref<!tpu.dma_semaphore, #tpu.memory_space<semaphore_mem>>)
    %add3A_58 = arith.constant 1 : i32
    %add3A_59 = arith.addi %mul3A_32, %add3A_58 : i32
    %dma_start3A_60 = arith.constant 0 : i32
    %dma_start3A_61 = tpu.memref_slice %arg2[%select_n3A, %add3A_59, %dma_start3A_60] : memref<16x32x32768xf32, #tpu.memory_space<hbm>> -> memref<1x1x32768xf32, #tpu.memory_space<hbm>>
    %dma_start3A_62 = tpu.memref_squeeze %dma_start3A_61 : memref<1x1x32768xf32, #tpu.memory_space<hbm>> -> memref<32768xf32, #tpu.memory_space<hbm>>
    %dma_start3A_63 = arith.constant 0 : i32
    %dma_start3A_64 = tpu.memref_slice %arg2[%select_n3A, %add3A_59, %dma_start3A_63] : memref<16x32x32768xf32, #tpu.memory_space<hbm>> -> memref<1x1x32768xf32, #tpu.memory_space<hbm>>
    %dma_start3A_65 = tpu.memref_squeeze %dma_start3A_64 : memref<1x1x32768xf32, #tpu.memory_space<hbm>> -> memref<32768xf32, #tpu.memory_space<hbm>>
    tpu.enqueue_dma source(%dma_start3A_65 : memref<32768xf32, #tpu.memory_space<hbm>>) target(%arg12 : memref<32768xf32, #tpu.memory_space<vmem>>) target_semaphore(%arg18 : memref<!tpu.dma_semaphore, #tpu.memory_space<semaphore_mem>>)
    "tpu.region"() ({
      %run_scoped3A = tpu.sem_alloc : memref<!tpu.dma_semaphore, #tpu.memory_space<semaphore_mem>>
      %dma_start3A_233 = arith.constant 0 : i32
      %dma_start3A_234 = tpu.memref_slice %arg4[%select_n3A, %dma_start3A_233] : memref<16x4096xi32, #tpu.memory_space<hbm>> -> memref<1x4096xi32, #tpu.memory_space<hbm>>
      %dma_start3A_235 = tpu.memref_squeeze %dma_start3A_234 : memref<1x4096xi32, #tpu.memory_space<hbm>> -> memref<4096xi32, #tpu.memory_space<hbm>>
      %dma_start3A_236 = arith.constant 0 : i32
      %dma_start3A_237 = tpu.memref_slice %arg4[%select_n3A, %dma_start3A_236] : memref<16x4096xi32, #tpu.memory_space<hbm>> -> memref<1x4096xi32, #tpu.memory_space<hbm>>
      %dma_start3A_238 = tpu.memref_squeeze %dma_start3A_237 : memref<1x4096xi32, #tpu.memory_space<hbm>> -> memref<4096xi32, #tpu.memory_space<hbm>>
      tpu.enqueue_dma source(%dma_start3A_238 : memref<4096xi32, #tpu.memory_space<hbm>>) target(%arg10 : memref<4096xi32, #tpu.memory_space<vmem>>) target_semaphore(%run_scoped3A : memref<!tpu.dma_semaphore, #tpu.memory_space<semaphore_mem>>)
      %dma_wait3A_239 = arith.constant 0 : i32
      %dma_wait3A_240 = tpu.memref_slice %arg4[%select_n3A, %dma_wait3A_239] : memref<16x4096xi32, #tpu.memory_space<hbm>> -> memref<1x4096xi32, #tpu.memory_space<hbm>>
      %dma_wait3A_241 = tpu.memref_squeeze %dma_wait3A_240 : memref<1x4096xi32, #tpu.memory_space<hbm>> -> memref<4096xi32, #tpu.memory_space<hbm>>
      %dma_wait3A_242 = arith.constant 0 : i32
      %dma_wait3A_243 = tpu.memref_slice %arg4[%select_n3A, %dma_wait3A_242] : memref<16x4096xi32, #tpu.memory_space<hbm>> -> memref<1x4096xi32, #tpu.memory_space<hbm>>
      %dma_wait3A_244 = tpu.memref_squeeze %dma_wait3A_243 : memref<1x4096xi32, #tpu.memory_space<hbm>> -> memref<4096xi32, #tpu.memory_space<hbm>>
      tpu.wait_dma2 semaphore(%run_scoped3A : memref<!tpu.dma_semaphore, #tpu.memory_space<semaphore_mem>>) src(%dma_wait3A_244 : memref<4096xi32, #tpu.memory_space<hbm>>) dst(%arg10 : memref<4096xi32, #tpu.memory_space<vmem>>)
      tpu.yield
    }) : () -> ()
    %scan3A = arith.constant 0 : i32
    %scan3A_66 = arith.constant 0 : i32
    %scan3A_67 = arith.constant 8 : i32
    %scan3A_68 = arith.addi %scan3A_66, %scan3A_67 : i32
    %scan3A_69 = arith.constant 1 : i32
    scf.for %scan3A_233 = %scan3A_66 to %scan3A_68 step %scan3A_69  : i32 {
      %mul3A_234 = arith.constant 2 : i32
      %mul3A_235 = arith.muli %mul3A_234, %scan3A_233 : i32
      %add3A_236 = arith.constant 0 : i32
      %add3A_237 = arith.addi %mul3A_235, %add3A_236 : i32
      %add3A_238 = arith.addi %mul3A_32, %add3A_237 : i32
      %dma_wait3A_239 = arith.constant 0 : i32
      %dma_wait3A_240 = tpu.memref_slice %arg2[%select_n3A, %add3A_238, %dma_wait3A_239] : memref<16x32x32768xf32, #tpu.memory_space<hbm>> -> memref<1x1x32768xf32, #tpu.memory_space<hbm>>
      %dma_wait3A_241 = tpu.memref_squeeze %dma_wait3A_240 : memref<1x1x32768xf32, #tpu.memory_space<hbm>> -> memref<32768xf32, #tpu.memory_space<hbm>>
      %dma_wait3A_242 = arith.constant 0 : i32
      %dma_wait3A_243 = tpu.memref_slice %arg2[%select_n3A, %add3A_238, %dma_wait3A_242] : memref<16x32x32768xf32, #tpu.memory_space<hbm>> -> memref<1x1x32768xf32, #tpu.memory_space<hbm>>
      %dma_wait3A_244 = tpu.memref_squeeze %dma_wait3A_243 : memref<1x1x32768xf32, #tpu.memory_space<hbm>> -> memref<32768xf32, #tpu.memory_space<hbm>>
      tpu.wait_dma2 semaphore(%arg17 : memref<!tpu.dma_semaphore, #tpu.memory_space<semaphore_mem>>) src(%dma_wait3A_244 : memref<32768xf32, #tpu.memory_space<hbm>>) dst(%arg11 : memref<32768xf32, #tpu.memory_space<vmem>>)
      %ge3A = arith.constant 1 : i32
      %ge3A_245 = arith.cmpi sge, %add3A_237, %ge3A : i32
      %convert_element_type3A_246 = arith.extui %ge3A_245 : i1 to i32
      %cond3A_247 = arith.constant 0 : i32
      %cond3A_248 = arith.cmpi ne, %convert_element_type3A_246, %cond3A_247 : i32
      scf.if %cond3A_248 {
        %sub3A_636 = arith.constant 1 : i32
        %sub3A_637 = arith.subi %add3A_237, %sub3A_636 : i32
        %mul3A_638 = arith.constant 8 : i32
        %mul3A_639 = arith.muli %sub3A_637, %mul3A_638 : i32
        %add3A_640 = arith.addi %mul3A_50, %mul3A_639 : i32
        %add3A_641 = arith.constant 0 : i32
        %add3A_642 = arith.addi %add3A_640, %add3A_641 : i32
        %add3A_643 = arith.constant 0 : i32
        %add3A_644 = arith.addi %add3A_642, %add3A_643 : i32
        %dma_wait3A_645 = arith.constant 0 : i32
        %dma_wait3A_646 = arith.constant 0 : i32
        %dma_wait3A_647 = tpu.memref_slice %arg13[%dma_wait3A_645, %dma_wait3A_646] : memref<128x128xf32, #tpu.memory_space<vmem>> -> memref<32x128xf32, #tpu.memory_space<vmem>>
        %dma_wait3A_648 = arith.constant 0 : i32
        %dma_wait3A_649 = arith.constant 0 : i32
        %dma_wait3A_650 = tpu.memref_slice %arg7[%select_n3A, %add3A_644, %dma_wait3A_648, %dma_wait3A_649] : memref<16x256x32x128xf32, #tpu.memory_space<hbm>> -> memref<1x1x32x128xf32, #tpu.memory_space<hbm>>
        %dma_wait3A_651 = tpu.memref_squeeze %dma_wait3A_650 : memref<1x1x32x128xf32, #tpu.memory_space<hbm>> -> memref<32x128xf32, #tpu.memory_space<hbm>>
        %dma_wait3A_652 = arith.constant 0 : i32
        %dma_wait3A_653 = arith.constant 0 : i32
        %dma_wait3A_654 = tpu.memref_slice %arg7[%select_n3A, %add3A_644, %dma_wait3A_652, %dma_wait3A_653] : memref<16x256x32x128xf32, #tpu.memory_space<hbm>> -> memref<1x1x32x128xf32, #tpu.memory_space<hbm>>
        %dma_wait3A_655 = tpu.memref_squeeze %dma_wait3A_654 : memref<1x1x32x128xf32, #tpu.memory_space<hbm>> -> memref<32x128xf32, #tpu.memory_space<hbm>>
        %dma_wait3A_656 = arith.constant 0 : i32
        %dma_wait3A_657 = arith.constant 0 : i32
        %dma_wait3A_658 = tpu.memref_slice %arg13[%dma_wait3A_656, %dma_wait3A_657] : memref<128x128xf32, #tpu.memory_space<vmem>> -> memref<32x128xf32, #tpu.memory_space<vmem>>
        tpu.wait_dma2 semaphore(%arg19 : memref<!tpu.dma_semaphore, #tpu.memory_space<semaphore_mem>>) src(%dma_wait3A_658 : memref<32x128xf32, #tpu.memory_space<vmem>>) dst(%dma_wait3A_655 : memref<32x128xf32, #tpu.memory_space<hbm>>)
        %mul3A_659 = arith.constant 8 : i32
        %mul3A_660 = arith.muli %sub3A_637, %mul3A_659 : i32
        %add3A_661 = arith.addi %mul3A_50, %mul3A_660 : i32
        %add3A_662 = arith.constant 0 : i32
        %add3A_663 = arith.addi %add3A_661, %add3A_662 : i32
        %add3A_664 = arith.constant 1 : i32
        %add3A_665 = arith.addi %add3A_663, %add3A_664 : i32
        %dma_wait3A_666 = arith.constant 32 : i32
        %dma_wait3A_667 = arith.constant 0 : i32
        %dma_wait3A_668 = tpu.memref_slice %arg13[%dma_wait3A_666, %dma_wait3A_667] : memref<128x128xf32, #tpu.memory_space<vmem>> -> memref<32x128xf32, #tpu.memory_space<vmem>>
        %dma_wait3A_669 = arith.constant 0 : i32
        %dma_wait3A_670 = arith.constant 0 : i32
        %dma_wait3A_671 = tpu.memref_slice %arg7[%select_n3A, %add3A_665, %dma_wait3A_669, %dma_wait3A_670] : memref<16x256x32x128xf32, #tpu.memory_space<hbm>> -> memref<1x1x32x128xf32, #tpu.memory_space<hbm>>
        %dma_wait3A_672 = tpu.memref_squeeze %dma_wait3A_671 : memref<1x1x32x128xf32, #tpu.memory_space<hbm>> -> memref<32x128xf32, #tpu.memory_space<hbm>>
        %dma_wait3A_673 = arith.constant 0 : i32
        %dma_wait3A_674 = arith.constant 0 : i32
        %dma_wait3A_675 = tpu.memref_slice %arg7[%select_n3A, %add3A_665, %dma_wait3A_673, %dma_wait3A_674] : memref<16x256x32x128xf32, #tpu.memory_space<hbm>> -> memref<1x1x32x128xf32, #tpu.memory_space<hbm>>
        %dma_wait3A_676 = tpu.memref_squeeze %dma_wait3A_675 : memref<1x1x32x128xf32, #tpu.memory_space<hbm>> -> memref<32x128xf32, #tpu.memory_space<hbm>>
        %dma_wait3A_677 = arith.constant 32 : i32
        %dma_wait3A_678 = arith.constant 0 : i32
        %dma_wait3A_679 = tpu.memref_slice %arg13[%dma_wait3A_677, %dma_wait3A_678] : memref<128x128xf32, #tpu.memory_space<vmem>> -> memref<32x128xf32, #tpu.memory_space<vmem>>
        tpu.wait_dma2 semaphore(%arg19 : memref<!tpu.dma_semaphore, #tpu.memory_space<semaphore_mem>>) src(%dma_wait3A_679 : memref<32x128xf32, #tpu.memory_space<vmem>>) dst(%dma_wait3A_676 : memref<32x128xf32, #tpu.memory_space<hbm>>)
        %mul3A_680 = arith.constant 8 : i32
        %mul3A_681 = arith.muli %sub3A_637, %mul3A_680 : i32
        %add3A_682 = arith.addi %mul3A_50, %mul3A_681 : i32
        %add3A_683 = arith.constant 0 : i32
        %add3A_684 = arith.addi %add3A_682, %add3A_683 : i32
        %add3A_685 = arith.constant 2 : i32
        %add3A_686 = arith.addi %add3A_684, %add3A_685 : i32
        %dma_wait3A_687 = arith.constant 64 : i32
        %dma_wait3A_688 = arith.constant 0 : i32
        %dma_wait3A_689 = tpu.memref_slice %arg13[%dma_wait3A_687, %dma_wait3A_688] : memref<128x128xf32, #tpu.memory_space<vmem>> -> memref<32x128xf32, #tpu.memory_space<vmem>>
        %dma_wait3A_690 = arith.constant 0 : i32
        %dma_wait3A_691 = arith.constant 0 : i32
        %dma_wait3A_692 = tpu.memref_slice %arg7[%select_n3A, %add3A_686, %dma_wait3A_690, %dma_wait3A_691] : memref<16x256x32x128xf32, #tpu.memory_space<hbm>> -> memref<1x1x32x128xf32, #tpu.memory_space<hbm>>
        %dma_wait3A_693 = tpu.memref_squeeze %dma_wait3A_692 : memref<1x1x32x128xf32, #tpu.memory_space<hbm>> -> memref<32x128xf32, #tpu.memory_space<hbm>>
        %dma_wait3A_694 = arith.constant 0 : i32
        %dma_wait3A_695 = arith.constant 0 : i32
        %dma_wait3A_696 = tpu.memref_slice %arg7[%select_n3A, %add3A_686, %dma_wait3A_694, %dma_wait3A_695] : memref<16x256x32x128xf32, #tpu.memory_space<hbm>> -> memref<1x1x32x128xf32, #tpu.memory_space<hbm>>
        %dma_wait3A_697 = tpu.memref_squeeze %dma_wait3A_696 : memref<1x1x32x128xf32, #tpu.memory_space<hbm>> -> memref<32x128xf32, #tpu.memory_space<hbm>>
        %dma_wait3A_698 = arith.constant 64 : i32
        %dma_wait3A_699 = arith.constant 0 : i32
        %dma_wait3A_700 = tpu.memref_slice %arg13[%dma_wait3A_698, %dma_wait3A_699] : memref<128x128xf32, #tpu.memory_space<vmem>> -> memref<32x128xf32, #tpu.memory_space<vmem>>
        tpu.wait_dma2 semaphore(%arg19 : memref<!tpu.dma_semaphore, #tpu.memory_space<semaphore_mem>>) src(%dma_wait3A_700 : memref<32x128xf32, #tpu.memory_space<vmem>>) dst(%dma_wait3A_697 : memref<32x128xf32, #tpu.memory_space<hbm>>)
        %mul3A_701 = arith.constant 8 : i32
        %mul3A_702 = arith.muli %sub3A_637, %mul3A_701 : i32
        %add3A_703 = arith.addi %mul3A_50, %mul3A_702 : i32
        %add3A_704 = arith.constant 0 : i32
        %add3A_705 = arith.addi %add3A_703, %add3A_704 : i32
        %add3A_706 = arith.constant 3 : i32
        %add3A_707 = arith.addi %add3A_705, %add3A_706 : i32
        %dma_wait3A_708 = arith.constant 96 : i32
        %dma_wait3A_709 = arith.constant 0 : i32
        %dma_wait3A_710 = tpu.memref_slice %arg13[%dma_wait3A_708, %dma_wait3A_709] : memref<128x128xf32, #tpu.memory_space<vmem>> -> memref<32x128xf32, #tpu.memory_space<vmem>>
        %dma_wait3A_711 = arith.constant 0 : i32
        %dma_wait3A_712 = arith.constant 0 : i32
        %dma_wait3A_713 = tpu.memref_slice %arg7[%select_n3A, %add3A_707, %dma_wait3A_711, %dma_wait3A_712] : memref<16x256x32x128xf32, #tpu.memory_space<hbm>> -> memref<1x1x32x128xf32, #tpu.memory_space<hbm>>
        %dma_wait3A_714 = tpu.memref_squeeze %dma_wait3A_713 : memref<1x1x32x128xf32, #tpu.memory_space<hbm>> -> memref<32x128xf32, #tpu.memory_space<hbm>>
        %dma_wait3A_715 = arith.constant 0 : i32
        %dma_wait3A_716 = arith.constant 0 : i32
        %dma_wait3A_717 = tpu.memref_slice %arg7[%select_n3A, %add3A_707, %dma_wait3A_715, %dma_wait3A_716] : memref<16x256x32x128xf32, #tpu.memory_space<hbm>> -> memref<1x1x32x128xf32, #tpu.memory_space<hbm>>
        %dma_wait3A_718 = tpu.memref_squeeze %dma_wait3A_717 : memref<1x1x32x128xf32, #tpu.memory_space<hbm>> -> memref<32x128xf32, #tpu.memory_space<hbm>>
        %dma_wait3A_719 = arith.constant 96 : i32
        %dma_wait3A_720 = arith.constant 0 : i32
        %dma_wait3A_721 = tpu.memref_slice %arg13[%dma_wait3A_719, %dma_wait3A_720] : memref<128x128xf32, #tpu.memory_space<vmem>> -> memref<32x128xf32, #tpu.memory_space<vmem>>
        tpu.wait_dma2 semaphore(%arg19 : memref<!tpu.dma_semaphore, #tpu.memory_space<semaphore_mem>>) src(%dma_wait3A_721 : memref<32x128xf32, #tpu.memory_space<vmem>>) dst(%dma_wait3A_718 : memref<32x128xf32, #tpu.memory_space<hbm>>)
      } else {
      }
      %parallel_loop3A = arith.constant 0 : i32
      %parallel_loop3A_249 = arith.constant 256 : i32
      %parallel_loop3A_250 = arith.constant 1 : i32
      scf.for %parallel_loop3A_636 = %parallel_loop3A to %parallel_loop3A_249 step %parallel_loop3A_250  : i32 {
        %parallel_loop3A_637 = arith.constant 16 : i32
        %parallel_loop3A_638 = arith.muli %parallel_loop3A_636, %parallel_loop3A_637 : i32
        %parallel_loop3A_639 = arith.index_cast %parallel_loop3A_638 : i32 to index
        %parallel_loop3A_640 = tpu.vector_load %arg10[%parallel_loop3A_639] {strides = array<i32>} : memref<4096xi32, #tpu.memory_space<vmem>>, vector<16xi32>,
        %parallel_loop3A_641 = arith.constant 8 : i32
        %parallel_loop3A_642 = arith.divsi %parallel_loop3A_636, %parallel_loop3A_641 : i32
        %parallel_loop3A_643 = arith.constant 0 : i32
        %parallel_loop3A_644 = arith.cmpi sgt, %parallel_loop3A_636, %parallel_loop3A_643 : i32
        %parallel_loop3A_645 = arith.extui %parallel_loop3A_644 : i1 to i32
        %parallel_loop3A_646 = arith.constant 0 : i32
        %parallel_loop3A_647 = arith.cmpi slt, %parallel_loop3A_636, %parallel_loop3A_646 : i32
        %parallel_loop3A_648 = arith.extui %parallel_loop3A_647 : i1 to i32
        %parallel_loop3A_649 = arith.subi %parallel_loop3A_645, %parallel_loop3A_648 : i32
        %parallel_loop3A_650 = arith.constant 0 : i32
        %parallel_loop3A_651 = arith.cmpi sgt, %parallel_loop3A_641, %parallel_loop3A_650 : i32
        %parallel_loop3A_652 = arith.extui %parallel_loop3A_651 : i1 to i32
        %parallel_loop3A_653 = arith.constant 0 : i32
        %parallel_loop3A_654 = arith.cmpi slt, %parallel_loop3A_641, %parallel_loop3A_653 : i32
        %parallel_loop3A_655 = arith.extui %parallel_loop3A_654 : i1 to i32
        %parallel_loop3A_656 = arith.subi %parallel_loop3A_652, %parallel_loop3A_655 : i32
        %parallel_loop3A_657 = arith.cmpi ne, %parallel_loop3A_649, %parallel_loop3A_656 : i32
        %parallel_loop3A_658 = arith.remsi %parallel_loop3A_636, %parallel_loop3A_641 : i32
        %parallel_loop3A_659 = arith.constant 0 : i32
        %parallel_loop3A_660 = arith.cmpi ne, %parallel_loop3A_658, %parallel_loop3A_659 : i32
        %parallel_loop3A_661 = arith.andi %parallel_loop3A_657, %parallel_loop3A_660 : i1
        %parallel_loop3A_662 = arith.constant 1 : i32
        %parallel_loop3A_663 = arith.subi %parallel_loop3A_642, %parallel_loop3A_662 : i32
        %parallel_loop3A_664 = arith.select %parallel_loop3A_661, %parallel_loop3A_663, %parallel_loop3A_642 : i32
        %parallel_loop3A_665 = arith.constant 8 : i32
        %parallel_loop3A_666 = arith.constant 0 : i32
        %parallel_loop3A_667 = arith.cmpi eq, %parallel_loop3A_665, %parallel_loop3A_666 : i32
        %parallel_loop3A_668 = arith.constant 1 : i32
        %parallel_loop3A_669 = arith.select %parallel_loop3A_667, %parallel_loop3A_668, %parallel_loop3A_665 : i32
        %parallel_loop3A_670 = arith.remsi %parallel_loop3A_636, %parallel_loop3A_669 : i32
        %parallel_loop3A_671 = arith.constant 0 : i32
        %parallel_loop3A_672 = arith.cmpi ne, %parallel_loop3A_670, %parallel_loop3A_671 : i32
        %parallel_loop3A_673 = arith.constant 0 : i32
        %parallel_loop3A_674 = arith.cmpi slt, %parallel_loop3A_670, %parallel_loop3A_673 : i32
        %parallel_loop3A_675 = arith.constant 0 : i32
        %parallel_loop3A_676 = arith.cmpi slt, %parallel_loop3A_669, %parallel_loop3A_675 : i32
        %parallel_loop3A_677 = arith.xori %parallel_loop3A_674, %parallel_loop3A_676 : i1
        %parallel_loop3A_678 = arith.andi %parallel_loop3A_677, %parallel_loop3A_672 : i1
        %parallel_loop3A_679 = arith.addi %parallel_loop3A_670, %parallel_loop3A_669 : i32
        %parallel_loop3A_680 = arith.select %parallel_loop3A_678, %parallel_loop3A_679, %parallel_loop3A_670 : i32
        %parallel_loop3A_681 = arith.constant 16 : i32
        %parallel_loop3A_682 = arith.muli %parallel_loop3A_680, %parallel_loop3A_681 : i32
        %parallel_loop3A_683 = arith.constant 0 : i32
        %parallel_loop3A_684 = tpu.memref_slice %arg11[%parallel_loop3A_683] : memref<32768xf32, #tpu.memory_space<vmem>> -> memref<32768xf32, #tpu.memory_space<vmem>>
        %parallel_loop3A_685 = tpu.vector_load_idx %parallel_loop3A_684[%parallel_loop3A_640] : memref<32768xf32, #tpu.memory_space<vmem>>[vector<16xi32>], vector<16xf32>,
        %parallel_loop3A_686 = arith.constant 0 : i32
        %parallel_loop3A_687 = arith.addi %parallel_loop3A_686, %parallel_loop3A_664 : i32
        %parallel_loop3A_688 = arith.index_cast %parallel_loop3A_687 : i32 to index
        %parallel_loop3A_689 = arith.index_cast %parallel_loop3A_682 : i32 to index
        %parallel_loop3A_690 = tpu.vector_load %arg13[%parallel_loop3A_688, %parallel_loop3A_689] {strides = array<i32>} : memref<128x128xf32, #tpu.memory_space<vmem>>, vector<16xf32>,
        tpu.vector_store %arg13[%parallel_loop3A_688, %parallel_loop3A_689], %parallel_loop3A_685 {strides = array<i32>} : memref<128x128xf32, #tpu.memory_space<vmem>>, vector<16xf32>,
        %parallel_loop3A_691 = arith.constant 128 : i32
        %parallel_loop3A_692 = tpu.memref_slice %arg11[%parallel_loop3A_691] : memref<32768xf32, #tpu.memory_space<vmem>> -> memref<32640xf32, #tpu.memory_space<vmem>>
        %parallel_loop3A_693 = tpu.vector_load_idx %parallel_loop3A_692[%parallel_loop3A_640] : memref<32640xf32, #tpu.memory_space<vmem>>[vector<16xi32>], vector<16xf32>,
        %parallel_loop3A_694 = arith.constant 32 : i32
        %parallel_loop3A_695 = arith.addi %parallel_loop3A_694, %parallel_loop3A_664 : i32
        %parallel_loop3A_696 = arith.index_cast %parallel_loop3A_695 : i32 to index
        %parallel_loop3A_697 = arith.index_cast %parallel_loop3A_682 : i32 to index
        %parallel_loop3A_698 = tpu.vector_load %arg13[%parallel_loop3A_696, %parallel_loop3A_697] {strides = array<i32>} : memref<128x128xf32, #tpu.memory_space<vmem>>, vector<16xf32>,
        tpu.vector_store %arg13[%parallel_loop3A_696, %parallel_loop3A_697], %parallel_loop3A_693 {strides = array<i32>} : memref<128x128xf32, #tpu.memory_space<vmem>>, vector<16xf32>,
        %parallel_loop3A_699 = arith.constant 256 : i32
        %parallel_loop3A_700 = tpu.memref_slice %arg11[%parallel_loop3A_699] : memref<32768xf32, #tpu.memory_space<vmem>> -> memref<32512xf32, #tpu.memory_space<vmem>>
        %parallel_loop3A_701 = tpu.vector_load_idx %parallel_loop3A_700[%parallel_loop3A_640] : memref<32512xf32, #tpu.memory_space<vmem>>[vector<16xi32>], vector<16xf32>,
        %parallel_loop3A_702 = arith.constant 64 : i32
        %parallel_loop3A_703 = arith.addi %parallel_loop3A_702, %parallel_loop3A_664 : i32
        %parallel_loop3A_704 = arith.index_cast %parallel_loop3A_703 : i32 to index
        %parallel_loop3A_705 = arith.index_cast %parallel_loop3A_682 : i32 to index
        %parallel_loop3A_706 = tpu.vector_load %arg13[%parallel_loop3A_704, %parallel_loop3A_705] {strides = array<i32>} : memref<128x128xf32, #tpu.memory_space<vmem>>, vector<16xf32>,
        tpu.vector_store %arg13[%parallel_loop3A_704, %parallel_loop3A_705], %parallel_loop3A_701 {strides = array<i32>} : memref<128x128xf32, #tpu.memory_space<vmem>>, vector<16xf32>,
        %parallel_loop3A_707 = arith.constant 384 : i32
        %parallel_loop3A_708 = tpu.memref_slice %arg11[%parallel_loop3A_707] : memref<32768xf32, #tpu.memory_space<vmem>> -> memref<32384xf32, #tpu.memory_space<vmem>>
        %parallel_loop3A_709 = tpu.vector_load_idx %parallel_loop3A_708[%parallel_loop3A_640] : memref<32384xf32, #tpu.memory_space<vmem>>[vector<16xi32>], vector<16xf32>,
        %parallel_loop3A_710 = arith.constant 96 : i32
        %parallel_loop3A_711 = arith.addi %parallel_loop3A_710, %parallel_loop3A_664 : i32
        %parallel_loop3A_712 = arith.index_cast %parallel_loop3A_711 : i32 to index
        %parallel_loop3A_713 = arith.index_cast %parallel_loop3A_682 : i32 to index
        %parallel_loop3A_714 = tpu.vector_load %arg13[%parallel_loop3A_712, %parallel_loop3A_713] {strides = array<i32>} : memref<128x128xf32, #tpu.memory_space<vmem>>, vector<16xf32>,
        tpu.vector_store %arg13[%parallel_loop3A_712, %parallel_loop3A_713], %parallel_loop3A_709 {strides = array<i32>} : memref<128x128xf32, #tpu.memory_space<vmem>>, vector<16xf32>,
      } {sc.loop_unroll_factor = 8 : i64, sc.parallel_access}
      %mul3A_251 = arith.constant 8 : i32
      %mul3A_252 = arith.muli %add3A_237, %mul3A_251 : i32
      %add3A_253 = arith.addi %mul3A_50, %mul3A_252 : i32
      %add3A_254 = arith.constant 0 : i32
      %add3A_255 = arith.addi %add3A_253, %add3A_254 : i32
      %add3A_256 = arith.constant 0 : i32
      %add3A_257 = arith.addi %add3A_255, %add3A_256 : i32
      %dma_start3A_258 = arith.constant 0 : i32
      %dma_start3A_259 = arith.constant 0 : i32
      %dma_start3A_260 = tpu.memref_slice %arg13[%dma_start3A_258, %dma_start3A_259] : memref<128x128xf32, #tpu.memory_space<vmem>> -> memref<32x128xf32, #tpu.memory_space<vmem>>
      %dma_start3A_261 = arith.constant 0 : i32
      %dma_start3A_262 = arith.constant 0 : i32
      %dma_start3A_263 = tpu.memref_slice %arg7[%select_n3A, %add3A_257, %dma_start3A_261, %dma_start3A_262] : memref<16x256x32x128xf32, #tpu.memory_space<hbm>> -> memref<1x1x32x128xf32, #tpu.memory_space<hbm>>
      %dma_start3A_264 = tpu.memref_squeeze %dma_start3A_263 : memref<1x1x32x128xf32, #tpu.memory_space<hbm>> -> memref<32x128xf32, #tpu.memory_space<hbm>>
      %dma_start3A_265 = arith.constant 0 : i32
      %dma_start3A_266 = arith.constant 0 : i32
      %dma_start3A_267 = tpu.memref_slice %arg7[%select_n3A, %add3A_257, %dma_start3A_265, %dma_start3A_266] : memref<16x256x32x128xf32, #tpu.memory_space<hbm>> -> memref<1x1x32x128xf32, #tpu.memory_space<hbm>>
      %dma_start3A_268 = tpu.memref_squeeze %dma_start3A_267 : memref<1x1x32x128xf32, #tpu.memory_space<hbm>> -> memref<32x128xf32, #tpu.memory_space<hbm>>
      %dma_start3A_269 = arith.constant 0 : i32
      %dma_start3A_270 = arith.constant 0 : i32
      %dma_start3A_271 = tpu.memref_slice %arg13[%dma_start3A_269, %dma_start3A_270] : memref<128x128xf32, #tpu.memory_space<vmem>> -> memref<32x128xf32, #tpu.memory_space<vmem>>
      tpu.enqueue_dma source(%dma_start3A_271 : memref<32x128xf32, #tpu.memory_space<vmem>>) target(%dma_start3A_268 : memref<32x128xf32, #tpu.memory_space<hbm>>) target_semaphore(%arg19 : memref<!tpu.dma_semaphore, #tpu.memory_space<semaphore_mem>>)
      %mul3A_272 = arith.constant 8 : i32
      %mul3A_273 = arith.muli %add3A_237, %mul3A_272 : i32
      %add3A_274 = arith.addi %mul3A_50, %mul3A_273 : i32
      %add3A_275 = arith.constant 0 : i32
      %add3A_276 = arith.addi %add3A_274, %add3A_275 : i32
      %add3A_277 = arith.constant 1 : i32
      %add3A_278 = arith.addi %add3A_276, %add3A_277 : i32
      %dma_start3A_279 = arith.constant 32 : i32
      %dma_start3A_280 = arith.constant 0 : i32
      %dma_start3A_281 = tpu.memref_slice %arg13[%dma_start3A_279, %dma_start3A_280] : memref<128x128xf32, #tpu.memory_space<vmem>> -> memref<32x128xf32, #tpu.memory_space<vmem>>
      %dma_start3A_282 = arith.constant 0 : i32
      %dma_start3A_283 = arith.constant 0 : i32
      %dma_start3A_284 = tpu.memref_slice %arg7[%select_n3A, %add3A_278, %dma_start3A_282, %dma_start3A_283] : memref<16x256x32x128xf32, #tpu.memory_space<hbm>> -> memref<1x1x32x128xf32, #tpu.memory_space<hbm>>
      %dma_start3A_285 = tpu.memref_squeeze %dma_start3A_284 : memref<1x1x32x128xf32, #tpu.memory_space<hbm>> -> memref<32x128xf32, #tpu.memory_space<hbm>>
      %dma_start3A_286 = arith.constant 0 : i32
      %dma_start3A_287 = arith.constant 0 : i32
      %dma_start3A_288 = tpu.memref_slice %arg7[%select_n3A, %add3A_278, %dma_start3A_286, %dma_start3A_287] : memref<16x256x32x128xf32, #tpu.memory_space<hbm>> -> memref<1x1x32x128xf32, #tpu.memory_space<hbm>>
      %dma_start3A_289 = tpu.memref_squeeze %dma_start3A_288 : memref<1x1x32x128xf32, #tpu.memory_space<hbm>> -> memref<32x128xf32, #tpu.memory_space<hbm>>
      %dma_start3A_290 = arith.constant 32 : i32
      %dma_start3A_291 = arith.constant 0 : i32
      %dma_start3A_292 = tpu.memref_slice %arg13[%dma_start3A_290, %dma_start3A_291] : memref<128x128xf32, #tpu.memory_space<vmem>> -> memref<32x128xf32, #tpu.memory_space<vmem>>
      tpu.enqueue_dma source(%dma_start3A_292 : memref<32x128xf32, #tpu.memory_space<vmem>>) target(%dma_start3A_289 : memref<32x128xf32, #tpu.memory_space<hbm>>) target_semaphore(%arg19 : memref<!tpu.dma_semaphore, #tpu.memory_space<semaphore_mem>>)
      %mul3A_293 = arith.constant 8 : i32
      %mul3A_294 = arith.muli %add3A_237, %mul3A_293 : i32
      %add3A_295 = arith.addi %mul3A_50, %mul3A_294 : i32
      %add3A_296 = arith.constant 0 : i32
      %add3A_297 = arith.addi %add3A_295, %add3A_296 : i32
      %add3A_298 = arith.constant 2 : i32
      %add3A_299 = arith.addi %add3A_297, %add3A_298 : i32
      %dma_start3A_300 = arith.constant 64 : i32
      %dma_start3A_301 = arith.constant 0 : i32
      %dma_start3A_302 = tpu.memref_slice %arg13[%dma_start3A_300, %dma_start3A_301] : memref<128x128xf32, #tpu.memory_space<vmem>> -> memref<32x128xf32, #tpu.memory_space<vmem>>
      %dma_start3A_303 = arith.constant 0 : i32
      %dma_start3A_304 = arith.constant 0 : i32
      %dma_start3A_305 = tpu.memref_slice %arg7[%select_n3A, %add3A_299, %dma_start3A_303, %dma_start3A_304] : memref<16x256x32x128xf32, #tpu.memory_space<hbm>> -> memref<1x1x32x128xf32, #tpu.memory_space<hbm>>
      %dma_start3A_306 = tpu.memref_squeeze %dma_start3A_305 : memref<1x1x32x128xf32, #tpu.memory_space<hbm>> -> memref<32x128xf32, #tpu.memory_space<hbm>>
      %dma_start3A_307 = arith.constant 0 : i32
      %dma_start3A_308 = arith.constant 0 : i32
      %dma_start3A_309 = tpu.memref_slice %arg7[%select_n3A, %add3A_299, %dma_start3A_307, %dma_start3A_308] : memref<16x256x32x128xf32, #tpu.memory_space<hbm>> -> memref<1x1x32x128xf32, #tpu.memory_space<hbm>>
      %dma_start3A_310 = tpu.memref_squeeze %dma_start3A_309 : memref<1x1x32x128xf32, #tpu.memory_space<hbm>> -> memref<32x128xf32, #tpu.memory_space<hbm>>
      %dma_start3A_311 = arith.constant 64 : i32
      %dma_start3A_312 = arith.constant 0 : i32
      %dma_start3A_313 = tpu.memref_slice %arg13[%dma_start3A_311, %dma_start3A_312] : memref<128x128xf32, #tpu.memory_space<vmem>> -> memref<32x128xf32, #tpu.memory_space<vmem>>
      tpu.enqueue_dma source(%dma_start3A_313 : memref<32x128xf32, #tpu.memory_space<vmem>>) target(%dma_start3A_310 : memref<32x128xf32, #tpu.memory_space<hbm>>) target_semaphore(%arg19 : memref<!tpu.dma_semaphore, #tpu.memory_space<semaphore_mem>>)
      %mul3A_314 = arith.constant 8 : i32
      %mul3A_315 = arith.muli %add3A_237, %mul3A_314 : i32
      %add3A_316 = arith.addi %mul3A_50, %mul3A_315 : i32
      %add3A_317 = arith.constant 0 : i32
      %add3A_318 = arith.addi %add3A_316, %add3A_317 : i32
      %add3A_319 = arith.constant 3 : i32
      %add3A_320 = arith.addi %add3A_318, %add3A_319 : i32
      %dma_start3A_321 = arith.constant 96 : i32
      %dma_start3A_322 = arith.constant 0 : i32
      %dma_start3A_323 = tpu.memref_slice %arg13[%dma_start3A_321, %dma_start3A_322] : memref<128x128xf32, #tpu.memory_space<vmem>> -> memref<32x128xf32, #tpu.memory_space<vmem>>
      %dma_start3A_324 = arith.constant 0 : i32
      %dma_start3A_325 = arith.constant 0 : i32
      %dma_start3A_326 = tpu.memref_slice %arg7[%select_n3A, %add3A_320, %dma_start3A_324, %dma_start3A_325] : memref<16x256x32x128xf32, #tpu.memory_space<hbm>> -> memref<1x1x32x128xf32, #tpu.memory_space<hbm>>
      %dma_start3A_327 = tpu.memref_squeeze %dma_start3A_326 : memref<1x1x32x128xf32, #tpu.memory_space<hbm>> -> memref<32x128xf32, #tpu.memory_space<hbm>>
      %dma_start3A_328 = arith.constant 0 : i32
      %dma_start3A_329 = arith.constant 0 : i32
      %dma_start3A_330 = tpu.memref_slice %arg7[%select_n3A, %add3A_320, %dma_start3A_328, %dma_start3A_329] : memref<16x256x32x128xf32, #tpu.memory_space<hbm>> -> memref<1x1x32x128xf32, #tpu.memory_space<hbm>>
      %dma_start3A_331 = tpu.memref_squeeze %dma_start3A_330 : memref<1x1x32x128xf32, #tpu.memory_space<hbm>> -> memref<32x128xf32, #tpu.memory_space<hbm>>
      %dma_start3A_332 = arith.constant 96 : i32
      %dma_start3A_333 = arith.constant 0 : i32
      %dma_start3A_334 = tpu.memref_slice %arg13[%dma_start3A_332, %dma_start3A_333] : memref<128x128xf32, #tpu.memory_space<vmem>> -> memref<32x128xf32, #tpu.memory_space<vmem>>
      tpu.enqueue_dma source(%dma_start3A_334 : memref<32x128xf32, #tpu.memory_space<vmem>>) target(%dma_start3A_331 : memref<32x128xf32, #tpu.memory_space<hbm>>) target_semaphore(%arg19 : memref<!tpu.dma_semaphore, #tpu.memory_space<semaphore_mem>>)
      %ge3A_335 = arith.constant 1 : i32
      %ge3A_336 = arith.cmpi sge, %add3A_237, %ge3A_335 : i32
      %convert_element_type3A_337 = arith.extui %ge3A_336 : i1 to i32
      %cond3A_338 = arith.constant 0 : i32
      %cond3A_339 = arith.cmpi ne, %convert_element_type3A_337, %cond3A_338 : i32
      scf.if %cond3A_339 {
        %sub3A_636 = arith.constant 1 : i32
        %sub3A_637 = arith.subi %add3A_237, %sub3A_636 : i32
        %mul3A_638 = arith.constant 8 : i32
        %mul3A_639 = arith.muli %sub3A_637, %mul3A_638 : i32
        %add3A_640 = arith.addi %mul3A_50, %mul3A_639 : i32
        %add3A_641 = arith.constant 4 : i32
        %add3A_642 = arith.addi %add3A_640, %add3A_641 : i32
        %add3A_643 = arith.constant 0 : i32
        %add3A_644 = arith.addi %add3A_642, %add3A_643 : i32
        %dma_wait3A_645 = arith.constant 0 : i32
        %dma_wait3A_646 = arith.constant 0 : i32
        %dma_wait3A_647 = tpu.memref_slice %arg14[%dma_wait3A_645, %dma_wait3A_646] : memref<128x128xf32, #tpu.memory_space<vmem>> -> memref<32x128xf32, #tpu.memory_space<vmem>>
        %dma_wait3A_648 = arith.constant 0 : i32
        %dma_wait3A_649 = arith.constant 0 : i32
        %dma_wait3A_650 = tpu.memref_slice %arg7[%select_n3A, %add3A_644, %dma_wait3A_648, %dma_wait3A_649] : memref<16x256x32x128xf32, #tpu.memory_space<hbm>> -> memref<1x1x32x128xf32, #tpu.memory_space<hbm>>
        %dma_wait3A_651 = tpu.memref_squeeze %dma_wait3A_650 : memref<1x1x32x128xf32, #tpu.memory_space<hbm>> -> memref<32x128xf32, #tpu.memory_space<hbm>>
        %dma_wait3A_652 = arith.constant 0 : i32
        %dma_wait3A_653 = arith.constant 0 : i32
        %dma_wait3A_654 = tpu.memref_slice %arg7[%select_n3A, %add3A_644, %dma_wait3A_652, %dma_wait3A_653] : memref<16x256x32x128xf32, #tpu.memory_space<hbm>> -> memref<1x1x32x128xf32, #tpu.memory_space<hbm>>
        %dma_wait3A_655 = tpu.memref_squeeze %dma_wait3A_654 : memref<1x1x32x128xf32, #tpu.memory_space<hbm>> -> memref<32x128xf32, #tpu.memory_space<hbm>>
        %dma_wait3A_656 = arith.constant 0 : i32
        %dma_wait3A_657 = arith.constant 0 : i32
        %dma_wait3A_658 = tpu.memref_slice %arg14[%dma_wait3A_656, %dma_wait3A_657] : memref<128x128xf32, #tpu.memory_space<vmem>> -> memref<32x128xf32, #tpu.memory_space<vmem>>
        tpu.wait_dma2 semaphore(%arg20 : memref<!tpu.dma_semaphore, #tpu.memory_space<semaphore_mem>>) src(%dma_wait3A_658 : memref<32x128xf32, #tpu.memory_space<vmem>>) dst(%dma_wait3A_655 : memref<32x128xf32, #tpu.memory_space<hbm>>)
        %mul3A_659 = arith.constant 8 : i32
        %mul3A_660 = arith.muli %sub3A_637, %mul3A_659 : i32
        %add3A_661 = arith.addi %mul3A_50, %mul3A_660 : i32
        %add3A_662 = arith.constant 4 : i32
        %add3A_663 = arith.addi %add3A_661, %add3A_662 : i32
        %add3A_664 = arith.constant 1 : i32
        %add3A_665 = arith.addi %add3A_663, %add3A_664 : i32
        %dma_wait3A_666 = arith.constant 32 : i32
        %dma_wait3A_667 = arith.constant 0 : i32
        %dma_wait3A_668 = tpu.memref_slice %arg14[%dma_wait3A_666, %dma_wait3A_667] : memref<128x128xf32, #tpu.memory_space<vmem>> -> memref<32x128xf32, #tpu.memory_space<vmem>>
        %dma_wait3A_669 = arith.constant 0 : i32
        %dma_wait3A_670 = arith.constant 0 : i32
        %dma_wait3A_671 = tpu.memref_slice %arg7[%select_n3A, %add3A_665, %dma_wait3A_669, %dma_wait3A_670] : memref<16x256x32x128xf32, #tpu.memory_space<hbm>> -> memref<1x1x32x128xf32, #tpu.memory_space<hbm>>
        %dma_wait3A_672 = tpu.memref_squeeze %dma_wait3A_671 : memref<1x1x32x128xf32, #tpu.memory_space<hbm>> -> memref<32x128xf32, #tpu.memory_space<hbm>>
        %dma_wait3A_673 = arith.constant 0 : i32
        %dma_wait3A_674 = arith.constant 0 : i32
        %dma_wait3A_675 = tpu.memref_slice %arg7[%select_n3A, %add3A_665, %dma_wait3A_673, %dma_wait3A_674] : memref<16x256x32x128xf32, #tpu.memory_space<hbm>> -> memref<1x1x32x128xf32, #tpu.memory_space<hbm>>
        %dma_wait3A_676 = tpu.memref_squeeze %dma_wait3A_675 : memref<1x1x32x128xf32, #tpu.memory_space<hbm>> -> memref<32x128xf32, #tpu.memory_space<hbm>>
        %dma_wait3A_677 = arith.constant 32 : i32
        %dma_wait3A_678 = arith.constant 0 : i32
        %dma_wait3A_679 = tpu.memref_slice %arg14[%dma_wait3A_677, %dma_wait3A_678] : memref<128x128xf32, #tpu.memory_space<vmem>> -> memref<32x128xf32, #tpu.memory_space<vmem>>
        tpu.wait_dma2 semaphore(%arg20 : memref<!tpu.dma_semaphore, #tpu.memory_space<semaphore_mem>>) src(%dma_wait3A_679 : memref<32x128xf32, #tpu.memory_space<vmem>>) dst(%dma_wait3A_676 : memref<32x128xf32, #tpu.memory_space<hbm>>)
        %mul3A_680 = arith.constant 8 : i32
        %mul3A_681 = arith.muli %sub3A_637, %mul3A_680 : i32
        %add3A_682 = arith.addi %mul3A_50, %mul3A_681 : i32
        %add3A_683 = arith.constant 4 : i32
        %add3A_684 = arith.addi %add3A_682, %add3A_683 : i32
        %add3A_685 = arith.constant 2 : i32
        %add3A_686 = arith.addi %add3A_684, %add3A_685 : i32
        %dma_wait3A_687 = arith.constant 64 : i32
        %dma_wait3A_688 = arith.constant 0 : i32
        %dma_wait3A_689 = tpu.memref_slice %arg14[%dma_wait3A_687, %dma_wait3A_688] : memref<128x128xf32, #tpu.memory_space<vmem>> -> memref<32x128xf32, #tpu.memory_space<vmem>>
        %dma_wait3A_690 = arith.constant 0 : i32
        %dma_wait3A_691 = arith.constant 0 : i32
        %dma_wait3A_692 = tpu.memref_slice %arg7[%select_n3A, %add3A_686, %dma_wait3A_690, %dma_wait3A_691] : memref<16x256x32x128xf32, #tpu.memory_space<hbm>> -> memref<1x1x32x128xf32, #tpu.memory_space<hbm>>
        %dma_wait3A_693 = tpu.memref_squeeze %dma_wait3A_692 : memref<1x1x32x128xf32, #tpu.memory_space<hbm>> -> memref<32x128xf32, #tpu.memory_space<hbm>>
        %dma_wait3A_694 = arith.constant 0 : i32
        %dma_wait3A_695 = arith.constant 0 : i32
        %dma_wait3A_696 = tpu.memref_slice %arg7[%select_n3A, %add3A_686, %dma_wait3A_694, %dma_wait3A_695] : memref<16x256x32x128xf32, #tpu.memory_space<hbm>> -> memref<1x1x32x128xf32, #tpu.memory_space<hbm>>
        %dma_wait3A_697 = tpu.memref_squeeze %dma_wait3A_696 : memref<1x1x32x128xf32, #tpu.memory_space<hbm>> -> memref<32x128xf32, #tpu.memory_space<hbm>>
        %dma_wait3A_698 = arith.constant 64 : i32
        %dma_wait3A_699 = arith.constant 0 : i32
        %dma_wait3A_700 = tpu.memref_slice %arg14[%dma_wait3A_698, %dma_wait3A_699] : memref<128x128xf32, #tpu.memory_space<vmem>> -> memref<32x128xf32, #tpu.memory_space<vmem>>
        tpu.wait_dma2 semaphore(%arg20 : memref<!tpu.dma_semaphore, #tpu.memory_space<semaphore_mem>>) src(%dma_wait3A_700 : memref<32x128xf32, #tpu.memory_space<vmem>>) dst(%dma_wait3A_697 : memref<32x128xf32, #tpu.memory_space<hbm>>)
        %mul3A_701 = arith.constant 8 : i32
        %mul3A_702 = arith.muli %sub3A_637, %mul3A_701 : i32
        %add3A_703 = arith.addi %mul3A_50, %mul3A_702 : i32
        %add3A_704 = arith.constant 4 : i32
        %add3A_705 = arith.addi %add3A_703, %add3A_704 : i32
        %add3A_706 = arith.constant 3 : i32
        %add3A_707 = arith.addi %add3A_705, %add3A_706 : i32
        %dma_wait3A_708 = arith.constant 96 : i32
        %dma_wait3A_709 = arith.constant 0 : i32
        %dma_wait3A_710 = tpu.memref_slice %arg14[%dma_wait3A_708, %dma_wait3A_709] : memref<128x128xf32, #tpu.memory_space<vmem>> -> memref<32x128xf32, #tpu.memory_space<vmem>>
        %dma_wait3A_711 = arith.constant 0 : i32
        %dma_wait3A_712 = arith.constant 0 : i32
        %dma_wait3A_713 = tpu.memref_slice %arg7[%select_n3A, %add3A_707, %dma_wait3A_711, %dma_wait3A_712] : memref<16x256x32x128xf32, #tpu.memory_space<hbm>> -> memref<1x1x32x128xf32, #tpu.memory_space<hbm>>
        %dma_wait3A_714 = tpu.memref_squeeze %dma_wait3A_713 : memref<1x1x32x128xf32, #tpu.memory_space<hbm>> -> memref<32x128xf32, #tpu.memory_space<hbm>>
        %dma_wait3A_715 = arith.constant 0 : i32
        %dma_wait3A_716 = arith.constant 0 : i32
        %dma_wait3A_717 = tpu.memref_slice %arg7[%select_n3A, %add3A_707, %dma_wait3A_715, %dma_wait3A_716] : memref<16x256x32x128xf32, #tpu.memory_space<hbm>> -> memref<1x1x32x128xf32, #tpu.memory_space<hbm>>
        %dma_wait3A_718 = tpu.memref_squeeze %dma_wait3A_717 : memref<1x1x32x128xf32, #tpu.memory_space<hbm>> -> memref<32x128xf32, #tpu.memory_space<hbm>>
        %dma_wait3A_719 = arith.constant 96 : i32
        %dma_wait3A_720 = arith.constant 0 : i32
        %dma_wait3A_721 = tpu.memref_slice %arg14[%dma_wait3A_719, %dma_wait3A_720] : memref<128x128xf32, #tpu.memory_space<vmem>> -> memref<32x128xf32, #tpu.memory_space<vmem>>
        tpu.wait_dma2 semaphore(%arg20 : memref<!tpu.dma_semaphore, #tpu.memory_space<semaphore_mem>>) src(%dma_wait3A_721 : memref<32x128xf32, #tpu.memory_space<vmem>>) dst(%dma_wait3A_718 : memref<32x128xf32, #tpu.memory_space<hbm>>)
      } else {
      }
      %parallel_loop3A_340 = arith.constant 0 : i32
      %parallel_loop3A_341 = arith.constant 256 : i32
      %parallel_loop3A_342 = arith.constant 1 : i32
      scf.for %parallel_loop3A_636 = %parallel_loop3A_340 to %parallel_loop3A_341 step %parallel_loop3A_342  : i32 {
        %parallel_loop3A_637 = arith.constant 16 : i32
        %parallel_loop3A_638 = arith.muli %parallel_loop3A_636, %parallel_loop3A_637 : i32
        %parallel_loop3A_639 = arith.index_cast %parallel_loop3A_638 : i32 to index
        %parallel_loop3A_640 = tpu.vector_load %arg10[%parallel_loop3A_639] {strides = array<i32>} : memref<4096xi32, #tpu.memory_space<vmem>>, vector<16xi32>,
        %parallel_loop3A_641 = arith.constant 8 : i32
        %parallel_loop3A_642 = arith.divsi %parallel_loop3A_636, %parallel_loop3A_641 : i32
        %parallel_loop3A_643 = arith.constant 0 : i32
        %parallel_loop3A_644 = arith.cmpi sgt, %parallel_loop3A_636, %parallel_loop3A_643 : i32
        %parallel_loop3A_645 = arith.extui %parallel_loop3A_644 : i1 to i32
        %parallel_loop3A_646 = arith.constant 0 : i32
        %parallel_loop3A_647 = arith.cmpi slt, %parallel_loop3A_636, %parallel_loop3A_646 : i32
        %parallel_loop3A_648 = arith.extui %parallel_loop3A_647 : i1 to i32
        %parallel_loop3A_649 = arith.subi %parallel_loop3A_645, %parallel_loop3A_648 : i32
        %parallel_loop3A_650 = arith.constant 0 : i32
        %parallel_loop3A_651 = arith.cmpi sgt, %parallel_loop3A_641, %parallel_loop3A_650 : i32
        %parallel_loop3A_652 = arith.extui %parallel_loop3A_651 : i1 to i32
        %parallel_loop3A_653 = arith.constant 0 : i32
        %parallel_loop3A_654 = arith.cmpi slt, %parallel_loop3A_641, %parallel_loop3A_653 : i32
        %parallel_loop3A_655 = arith.extui %parallel_loop3A_654 : i1 to i32
        %parallel_loop3A_656 = arith.subi %parallel_loop3A_652, %parallel_loop3A_655 : i32
        %parallel_loop3A_657 = arith.cmpi ne, %parallel_loop3A_649, %parallel_loop3A_656 : i32
        %parallel_loop3A_658 = arith.remsi %parallel_loop3A_636, %parallel_loop3A_641 : i32
        %parallel_loop3A_659 = arith.constant 0 : i32
        %parallel_loop3A_660 = arith.cmpi ne, %parallel_loop3A_658, %parallel_loop3A_659 : i32
        %parallel_loop3A_661 = arith.andi %parallel_loop3A_657, %parallel_loop3A_660 : i1
        %parallel_loop3A_662 = arith.constant 1 : i32
        %parallel_loop3A_663 = arith.subi %parallel_loop3A_642, %parallel_loop3A_662 : i32
        %parallel_loop3A_664 = arith.select %parallel_loop3A_661, %parallel_loop3A_663, %parallel_loop3A_642 : i32
        %parallel_loop3A_665 = arith.constant 8 : i32
        %parallel_loop3A_666 = arith.constant 0 : i32
        %parallel_loop3A_667 = arith.cmpi eq, %parallel_loop3A_665, %parallel_loop3A_666 : i32
        %parallel_loop3A_668 = arith.constant 1 : i32
        %parallel_loop3A_669 = arith.select %parallel_loop3A_667, %parallel_loop3A_668, %parallel_loop3A_665 : i32
        %parallel_loop3A_670 = arith.remsi %parallel_loop3A_636, %parallel_loop3A_669 : i32
        %parallel_loop3A_671 = arith.constant 0 : i32
        %parallel_loop3A_672 = arith.cmpi ne, %parallel_loop3A_670, %parallel_loop3A_671 : i32
        %parallel_loop3A_673 = arith.constant 0 : i32
        %parallel_loop3A_674 = arith.cmpi slt, %parallel_loop3A_670, %parallel_loop3A_673 : i32
        %parallel_loop3A_675 = arith.constant 0 : i32
        %parallel_loop3A_676 = arith.cmpi slt, %parallel_loop3A_669, %parallel_loop3A_675 : i32
        %parallel_loop3A_677 = arith.xori %parallel_loop3A_674, %parallel_loop3A_676 : i1
        %parallel_loop3A_678 = arith.andi %parallel_loop3A_677, %parallel_loop3A_672 : i1
        %parallel_loop3A_679 = arith.addi %parallel_loop3A_670, %parallel_loop3A_669 : i32
        %parallel_loop3A_680 = arith.select %parallel_loop3A_678, %parallel_loop3A_679, %parallel_loop3A_670 : i32
        %parallel_loop3A_681 = arith.constant 16 : i32
        %parallel_loop3A_682 = arith.muli %parallel_loop3A_680, %parallel_loop3A_681 : i32
        %parallel_loop3A_683 = arith.constant 512 : i32
        %parallel_loop3A_684 = tpu.memref_slice %arg11[%parallel_loop3A_683] : memref<32768xf32, #tpu.memory_space<vmem>> -> memref<32256xf32, #tpu.memory_space<vmem>>
        %parallel_loop3A_685 = tpu.vector_load_idx %parallel_loop3A_684[%parallel_loop3A_640] : memref<32256xf32, #tpu.memory_space<vmem>>[vector<16xi32>], vector<16xf32>,
        %parallel_loop3A_686 = arith.constant 0 : i32
        %parallel_loop3A_687 = arith.addi %parallel_loop3A_686, %parallel_loop3A_664 : i32
        %parallel_loop3A_688 = arith.index_cast %parallel_loop3A_687 : i32 to index
        %parallel_loop3A_689 = arith.index_cast %parallel_loop3A_682 : i32 to index
        %parallel_loop3A_690 = tpu.vector_load %arg14[%parallel_loop3A_688, %parallel_loop3A_689] {strides = array<i32>} : memref<128x128xf32, #tpu.memory_space<vmem>>, vector<16xf32>,
        tpu.vector_store %arg14[%parallel_loop3A_688, %parallel_loop3A_689], %parallel_loop3A_685 {strides = array<i32>} : memref<128x128xf32, #tpu.memory_space<vmem>>, vector<16xf32>,
        %parallel_loop3A_691 = arith.constant 640 : i32
        %parallel_loop3A_692 = tpu.memref_slice %arg11[%parallel_loop3A_691] : memref<32768xf32, #tpu.memory_space<vmem>> -> memref<32128xf32, #tpu.memory_space<vmem>>
        %parallel_loop3A_693 = tpu.vector_load_idx %parallel_loop3A_692[%parallel_loop3A_640] : memref<32128xf32, #tpu.memory_space<vmem>>[vector<16xi32>], vector<16xf32>,
        %parallel_loop3A_694 = arith.constant 32 : i32
        %parallel_loop3A_695 = arith.addi %parallel_loop3A_694, %parallel_loop3A_664 : i32
        %parallel_loop3A_696 = arith.index_cast %parallel_loop3A_695 : i32 to index
        %parallel_loop3A_697 = arith.index_cast %parallel_loop3A_682 : i32 to index
        %parallel_loop3A_698 = tpu.vector_load %arg14[%parallel_loop3A_696, %parallel_loop3A_697] {strides = array<i32>} : memref<128x128xf32, #tpu.memory_space<vmem>>, vector<16xf32>,
        tpu.vector_store %arg14[%parallel_loop3A_696, %parallel_loop3A_697], %parallel_loop3A_693 {strides = array<i32>} : memref<128x128xf32, #tpu.memory_space<vmem>>, vector<16xf32>,
        %parallel_loop3A_699 = arith.constant 768 : i32
        %parallel_loop3A_700 = tpu.memref_slice %arg11[%parallel_loop3A_699] : memref<32768xf32, #tpu.memory_space<vmem>> -> memref<32000xf32, #tpu.memory_space<vmem>>
        %parallel_loop3A_701 = tpu.vector_load_idx %parallel_loop3A_700[%parallel_loop3A_640] : memref<32000xf32, #tpu.memory_space<vmem>>[vector<16xi32>], vector<16xf32>,
        %parallel_loop3A_702 = arith.constant 64 : i32
        %parallel_loop3A_703 = arith.addi %parallel_loop3A_702, %parallel_loop3A_664 : i32
        %parallel_loop3A_704 = arith.index_cast %parallel_loop3A_703 : i32 to index
        %parallel_loop3A_705 = arith.index_cast %parallel_loop3A_682 : i32 to index
        %parallel_loop3A_706 = tpu.vector_load %arg14[%parallel_loop3A_704, %parallel_loop3A_705] {strides = array<i32>} : memref<128x128xf32, #tpu.memory_space<vmem>>, vector<16xf32>,
        tpu.vector_store %arg14[%parallel_loop3A_704, %parallel_loop3A_705], %parallel_loop3A_701 {strides = array<i32>} : memref<128x128xf32, #tpu.memory_space<vmem>>, vector<16xf32>,
        %parallel_loop3A_707 = arith.constant 896 : i32
        %parallel_loop3A_708 = tpu.memref_slice %arg11[%parallel_loop3A_707] : memref<32768xf32, #tpu.memory_space<vmem>> -> memref<31872xf32, #tpu.memory_space<vmem>>
        %parallel_loop3A_709 = tpu.vector_load_idx %parallel_loop3A_708[%parallel_loop3A_640] : memref<31872xf32, #tpu.memory_space<vmem>>[vector<16xi32>], vector<16xf32>,
        %parallel_loop3A_710 = arith.constant 96 : i32
        %parallel_loop3A_711 = arith.addi %parallel_loop3A_710, %parallel_loop3A_664 : i32
        %parallel_loop3A_712 = arith.index_cast %parallel_loop3A_711 : i32 to index
        %parallel_loop3A_713 = arith.index_cast %parallel_loop3A_682 : i32 to index
        %parallel_loop3A_714 = tpu.vector_load %arg14[%parallel_loop3A_712, %parallel_loop3A_713] {strides = array<i32>} : memref<128x128xf32, #tpu.memory_space<vmem>>, vector<16xf32>,
        tpu.vector_store %arg14[%parallel_loop3A_712, %parallel_loop3A_713], %parallel_loop3A_709 {strides = array<i32>} : memref<128x128xf32, #tpu.memory_space<vmem>>, vector<16xf32>,
      } {sc.loop_unroll_factor = 8 : i64, sc.parallel_access}
      %mul3A_343 = arith.constant 8 : i32
      %mul3A_344 = arith.muli %add3A_237, %mul3A_343 : i32
      %add3A_345 = arith.addi %mul3A_50, %mul3A_344 : i32
      %add3A_346 = arith.constant 4 : i32
      %add3A_347 = arith.addi %add3A_345, %add3A_346 : i32
      %add3A_348 = arith.constant 0 : i32
      %add3A_349 = arith.addi %add3A_347, %add3A_348 : i32
      %dma_start3A_350 = arith.constant 0 : i32
      %dma_start3A_351 = arith.constant 0 : i32
      %dma_start3A_352 = tpu.memref_slice %arg14[%dma_start3A_350, %dma_start3A_351] : memref<128x128xf32, #tpu.memory_space<vmem>> -> memref<32x128xf32, #tpu.memory_space<vmem>>
      %dma_start3A_353 = arith.constant 0 : i32
      %dma_start3A_354 = arith.constant 0 : i32
      %dma_start3A_355 = tpu.memref_slice %arg7[%select_n3A, %add3A_349, %dma_start3A_353, %dma_start3A_354] : memref<16x256x32x128xf32, #tpu.memory_space<hbm>> -> memref<1x1x32x128xf32, #tpu.memory_space<hbm>>
      %dma_start3A_356 = tpu.memref_squeeze %dma_start3A_355 : memref<1x1x32x128xf32, #tpu.memory_space<hbm>> -> memref<32x128xf32, #tpu.memory_space<hbm>>
      %dma_start3A_357 = arith.constant 0 : i32
      %dma_start3A_358 = arith.constant 0 : i32
      %dma_start3A_359 = tpu.memref_slice %arg7[%select_n3A, %add3A_349, %dma_start3A_357, %dma_start3A_358] : memref<16x256x32x128xf32, #tpu.memory_space<hbm>> -> memref<1x1x32x128xf32, #tpu.memory_space<hbm>>
      %dma_start3A_360 = tpu.memref_squeeze %dma_start3A_359 : memref<1x1x32x128xf32, #tpu.memory_space<hbm>> -> memref<32x128xf32, #tpu.memory_space<hbm>>
      %dma_start3A_361 = arith.constant 0 : i32
      %dma_start3A_362 = arith.constant 0 : i32
      %dma_start3A_363 = tpu.memref_slice %arg14[%dma_start3A_361, %dma_start3A_362] : memref<128x128xf32, #tpu.memory_space<vmem>> -> memref<32x128xf32, #tpu.memory_space<vmem>>
      tpu.enqueue_dma source(%dma_start3A_363 : memref<32x128xf32, #tpu.memory_space<vmem>>) target(%dma_start3A_360 : memref<32x128xf32, #tpu.memory_space<hbm>>) target_semaphore(%arg20 : memref<!tpu.dma_semaphore, #tpu.memory_space<semaphore_mem>>)
      %mul3A_364 = arith.constant 8 : i32
      %mul3A_365 = arith.muli %add3A_237, %mul3A_364 : i32
      %add3A_366 = arith.addi %mul3A_50, %mul3A_365 : i32
      %add3A_367 = arith.constant 4 : i32
      %add3A_368 = arith.addi %add3A_366, %add3A_367 : i32
      %add3A_369 = arith.constant 1 : i32
      %add3A_370 = arith.addi %add3A_368, %add3A_369 : i32
      %dma_start3A_371 = arith.constant 32 : i32
      %dma_start3A_372 = arith.constant 0 : i32
      %dma_start3A_373 = tpu.memref_slice %arg14[%dma_start3A_371, %dma_start3A_372] : memref<128x128xf32, #tpu.memory_space<vmem>> -> memref<32x128xf32, #tpu.memory_space<vmem>>
      %dma_start3A_374 = arith.constant 0 : i32
      %dma_start3A_375 = arith.constant 0 : i32
      %dma_start3A_376 = tpu.memref_slice %arg7[%select_n3A, %add3A_370, %dma_start3A_374, %dma_start3A_375] : memref<16x256x32x128xf32, #tpu.memory_space<hbm>> -> memref<1x1x32x128xf32, #tpu.memory_space<hbm>>
      %dma_start3A_377 = tpu.memref_squeeze %dma_start3A_376 : memref<1x1x32x128xf32, #tpu.memory_space<hbm>> -> memref<32x128xf32, #tpu.memory_space<hbm>>
      %dma_start3A_378 = arith.constant 0 : i32
      %dma_start3A_379 = arith.constant 0 : i32
      %dma_start3A_380 = tpu.memref_slice %arg7[%select_n3A, %add3A_370, %dma_start3A_378, %dma_start3A_379] : memref<16x256x32x128xf32, #tpu.memory_space<hbm>> -> memref<1x1x32x128xf32, #tpu.memory_space<hbm>>
      %dma_start3A_381 = tpu.memref_squeeze %dma_start3A_380 : memref<1x1x32x128xf32, #tpu.memory_space<hbm>> -> memref<32x128xf32, #tpu.memory_space<hbm>>
      %dma_start3A_382 = arith.constant 32 : i32
      %dma_start3A_383 = arith.constant 0 : i32
      %dma_start3A_384 = tpu.memref_slice %arg14[%dma_start3A_382, %dma_start3A_383] : memref<128x128xf32, #tpu.memory_space<vmem>> -> memref<32x128xf32, #tpu.memory_space<vmem>>
      tpu.enqueue_dma source(%dma_start3A_384 : memref<32x128xf32, #tpu.memory_space<vmem>>) target(%dma_start3A_381 : memref<32x128xf32, #tpu.memory_space<hbm>>) target_semaphore(%arg20 : memref<!tpu.dma_semaphore, #tpu.memory_space<semaphore_mem>>)
      %mul3A_385 = arith.constant 8 : i32
      %mul3A_386 = arith.muli %add3A_237, %mul3A_385 : i32
      %add3A_387 = arith.addi %mul3A_50, %mul3A_386 : i32
      %add3A_388 = arith.constant 4 : i32
      %add3A_389 = arith.addi %add3A_387, %add3A_388 : i32
      %add3A_390 = arith.constant 2 : i32
      %add3A_391 = arith.addi %add3A_389, %add3A_390 : i32
      %dma_start3A_392 = arith.constant 64 : i32
      %dma_start3A_393 = arith.constant 0 : i32
      %dma_start3A_394 = tpu.memref_slice %arg14[%dma_start3A_392, %dma_start3A_393] : memref<128x128xf32, #tpu.memory_space<vmem>> -> memref<32x128xf32, #tpu.memory_space<vmem>>
      %dma_start3A_395 = arith.constant 0 : i32
      %dma_start3A_396 = arith.constant 0 : i32
      %dma_start3A_397 = tpu.memref_slice %arg7[%select_n3A, %add3A_391, %dma_start3A_395, %dma_start3A_396] : memref<16x256x32x128xf32, #tpu.memory_space<hbm>> -> memref<1x1x32x128xf32, #tpu.memory_space<hbm>>
      %dma_start3A_398 = tpu.memref_squeeze %dma_start3A_397 : memref<1x1x32x128xf32, #tpu.memory_space<hbm>> -> memref<32x128xf32, #tpu.memory_space<hbm>>
      %dma_start3A_399 = arith.constant 0 : i32
      %dma_start3A_400 = arith.constant 0 : i32
      %dma_start3A_401 = tpu.memref_slice %arg7[%select_n3A, %add3A_391, %dma_start3A_399, %dma_start3A_400] : memref<16x256x32x128xf32, #tpu.memory_space<hbm>> -> memref<1x1x32x128xf32, #tpu.memory_space<hbm>>
      %dma_start3A_402 = tpu.memref_squeeze %dma_start3A_401 : memref<1x1x32x128xf32, #tpu.memory_space<hbm>> -> memref<32x128xf32, #tpu.memory_space<hbm>>
      %dma_start3A_403 = arith.constant 64 : i32
      %dma_start3A_404 = arith.constant 0 : i32
      %dma_start3A_405 = tpu.memref_slice %arg14[%dma_start3A_403, %dma_start3A_404] : memref<128x128xf32, #tpu.memory_space<vmem>> -> memref<32x128xf32, #tpu.memory_space<vmem>>
      tpu.enqueue_dma source(%dma_start3A_405 : memref<32x128xf32, #tpu.memory_space<vmem>>) target(%dma_start3A_402 : memref<32x128xf32, #tpu.memory_space<hbm>>) target_semaphore(%arg20 : memref<!tpu.dma_semaphore, #tpu.memory_space<semaphore_mem>>)
      %mul3A_406 = arith.constant 8 : i32
      %mul3A_407 = arith.muli %add3A_237, %mul3A_406 : i32
      %add3A_408 = arith.addi %mul3A_50, %mul3A_407 : i32
      %add3A_409 = arith.constant 4 : i32
      %add3A_410 = arith.addi %add3A_408, %add3A_409 : i32
      %add3A_411 = arith.constant 3 : i32
      %add3A_412 = arith.addi %add3A_410, %add3A_411 : i32
      %dma_start3A_413 = arith.constant 96 : i32
      %dma_start3A_414 = arith.constant 0 : i32
      %dma_start3A_415 = tpu.memref_slice %arg14[%dma_start3A_413, %dma_start3A_414] : memref<128x128xf32, #tpu.memory_space<vmem>> -> memref<32x128xf32, #tpu.memory_space<vmem>>
      %dma_start3A_416 = arith.constant 0 : i32
      %dma_start3A_417 = arith.constant 0 : i32
      %dma_start3A_418 = tpu.memref_slice %arg7[%select_n3A, %add3A_412, %dma_start3A_416, %dma_start3A_417] : memref<16x256x32x128xf32, #tpu.memory_space<hbm>> -> memref<1x1x32x128xf32, #tpu.memory_space<hbm>>
      %dma_start3A_419 = tpu.memref_squeeze %dma_start3A_418 : memref<1x1x32x128xf32, #tpu.memory_space<hbm>> -> memref<32x128xf32, #tpu.memory_space<hbm>>
      %dma_start3A_420 = arith.constant 0 : i32
      %dma_start3A_421 = arith.constant 0 : i32
      %dma_start3A_422 = tpu.memref_slice %arg7[%select_n3A, %add3A_412, %dma_start3A_420, %dma_start3A_421] : memref<16x256x32x128xf32, #tpu.memory_space<hbm>> -> memref<1x1x32x128xf32, #tpu.memory_space<hbm>>
      %dma_start3A_423 = tpu.memref_squeeze %dma_start3A_422 : memref<1x1x32x128xf32, #tpu.memory_space<hbm>> -> memref<32x128xf32, #tpu.memory_space<hbm>>
      %dma_start3A_424 = arith.constant 96 : i32
      %dma_start3A_425 = arith.constant 0 : i32
      %dma_start3A_426 = tpu.memref_slice %arg14[%dma_start3A_424, %dma_start3A_425] : memref<128x128xf32, #tpu.memory_space<vmem>> -> memref<32x128xf32, #tpu.memory_space<vmem>>
      tpu.enqueue_dma source(%dma_start3A_426 : memref<32x128xf32, #tpu.memory_space<vmem>>) target(%dma_start3A_423 : memref<32x128xf32, #tpu.memory_space<hbm>>) target_semaphore(%arg20 : memref<!tpu.dma_semaphore, #tpu.memory_space<semaphore_mem>>)
      %add3A_427 = arith.constant 2 : i32
      %add3A_428 = arith.addi %add3A_237, %add3A_427 : i32
      %lt3A_429 = arith.constant 16 : i32
      %lt3A_430 = arith.cmpi slt, %add3A_428, %lt3A_429 : i32
      %convert_element_type3A_431 = arith.extui %lt3A_430 : i1 to i32
      %cond3A_432 = arith.constant 0 : i32
      %cond3A_433 = arith.cmpi ne, %convert_element_type3A_431, %cond3A_432 : i32
      scf.if %cond3A_433 {
        %add3A_636 = arith.constant 2 : i32
        %add3A_637 = arith.addi %add3A_237, %add3A_636 : i32
        %add3A_638 = arith.addi %mul3A_32, %add3A_637 : i32
        %dma_start3A_639 = arith.constant 0 : i32
        %dma_start3A_640 = tpu.memref_slice %arg2[%select_n3A, %add3A_638, %dma_start3A_639] : memref<16x32x32768xf32, #tpu.memory_space<hbm>> -> memref<1x1x32768xf32, #tpu.memory_space<hbm>>
        %dma_start3A_641 = tpu.memref_squeeze %dma_start3A_640 : memref<1x1x32768xf32, #tpu.memory_space<hbm>> -> memref<32768xf32, #tpu.memory_space<hbm>>
        %dma_start3A_642 = arith.constant 0 : i32
        %dma_start3A_643 = tpu.memref_slice %arg2[%select_n3A, %add3A_638, %dma_start3A_642] : memref<16x32x32768xf32, #tpu.memory_space<hbm>> -> memref<1x1x32768xf32, #tpu.memory_space<hbm>>
        %dma_start3A_644 = tpu.memref_squeeze %dma_start3A_643 : memref<1x1x32768xf32, #tpu.memory_space<hbm>> -> memref<32768xf32, #tpu.memory_space<hbm>>
        tpu.enqueue_dma source(%dma_start3A_644 : memref<32768xf32, #tpu.memory_space<hbm>>) target(%arg11 : memref<32768xf32, #tpu.memory_space<vmem>>) target_semaphore(%arg17 : memref<!tpu.dma_semaphore, #tpu.memory_space<semaphore_mem>>)
      } else {
      }
      %mul3A_434 = arith.constant 2 : i32
      %mul3A_435 = arith.muli %mul3A_434, %scan3A_233 : i32
      %add3A_436 = arith.constant 1 : i32
      %add3A_437 = arith.addi %mul3A_435, %add3A_436 : i32
      %add3A_438 = arith.addi %mul3A_32, %add3A_437 : i32
      %dma_wait3A_439 = arith.constant 0 : i32
      %dma_wait3A_440 = tpu.memref_slice %arg2[%select_n3A, %add3A_438, %dma_wait3A_439] : memref<16x32x32768xf32, #tpu.memory_space<hbm>> -> memref<1x1x32768xf32, #tpu.memory_space<hbm>>
      %dma_wait3A_441 = tpu.memref_squeeze %dma_wait3A_440 : memref<1x1x32768xf32, #tpu.memory_space<hbm>> -> memref<32768xf32, #tpu.memory_space<hbm>>
      %dma_wait3A_442 = arith.constant 0 : i32
      %dma_wait3A_443 = tpu.memref_slice %arg2[%select_n3A, %add3A_438, %dma_wait3A_442] : memref<16x32x32768xf32, #tpu.memory_space<hbm>> -> memref<1x1x32768xf32, #tpu.memory_space<hbm>>
      %dma_wait3A_444 = tpu.memref_squeeze %dma_wait3A_443 : memref<1x1x32768xf32, #tpu.memory_space<hbm>> -> memref<32768xf32, #tpu.memory_space<hbm>>
      tpu.wait_dma2 semaphore(%arg18 : memref<!tpu.dma_semaphore, #tpu.memory_space<semaphore_mem>>) src(%dma_wait3A_444 : memref<32768xf32, #tpu.memory_space<hbm>>) dst(%arg12 : memref<32768xf32, #tpu.memory_space<vmem>>)
      %ge3A_445 = arith.constant 1 : i32
      %ge3A_446 = arith.cmpi sge, %add3A_437, %ge3A_445 : i32
      %convert_element_type3A_447 = arith.extui %ge3A_446 : i1 to i32
      %cond3A_448 = arith.constant 0 : i32
      %cond3A_449 = arith.cmpi ne, %convert_element_type3A_447, %cond3A_448 : i32
      scf.if %cond3A_449 {
        %sub3A_636 = arith.constant 1 : i32
        %sub3A_637 = arith.subi %add3A_437, %sub3A_636 : i32
        %mul3A_638 = arith.constant 8 : i32
        %mul3A_639 = arith.muli %sub3A_637, %mul3A_638 : i32
        %add3A_640 = arith.addi %mul3A_50, %mul3A_639 : i32
        %add3A_641 = arith.constant 0 : i32
        %add3A_642 = arith.addi %add3A_640, %add3A_641 : i32
        %add3A_643 = arith.constant 0 : i32
        %add3A_644 = arith.addi %add3A_642, %add3A_643 : i32
        %dma_wait3A_645 = arith.constant 0 : i32
        %dma_wait3A_646 = arith.constant 0 : i32
        %dma_wait3A_647 = tpu.memref_slice %arg13[%dma_wait3A_645, %dma_wait3A_646] : memref<128x128xf32, #tpu.memory_space<vmem>> -> memref<32x128xf32, #tpu.memory_space<vmem>>
        %dma_wait3A_648 = arith.constant 0 : i32
        %dma_wait3A_649 = arith.constant 0 : i32
        %dma_wait3A_650 = tpu.memref_slice %arg7[%select_n3A, %add3A_644, %dma_wait3A_648, %dma_wait3A_649] : memref<16x256x32x128xf32, #tpu.memory_space<hbm>> -> memref<1x1x32x128xf32, #tpu.memory_space<hbm>>
        %dma_wait3A_651 = tpu.memref_squeeze %dma_wait3A_650 : memref<1x1x32x128xf32, #tpu.memory_space<hbm>> -> memref<32x128xf32, #tpu.memory_space<hbm>>
        %dma_wait3A_652 = arith.constant 0 : i32
        %dma_wait3A_653 = arith.constant 0 : i32
        %dma_wait3A_654 = tpu.memref_slice %arg7[%select_n3A, %add3A_644, %dma_wait3A_652, %dma_wait3A_653] : memref<16x256x32x128xf32, #tpu.memory_space<hbm>> -> memref<1x1x32x128xf32, #tpu.memory_space<hbm>>
        %dma_wait3A_655 = tpu.memref_squeeze %dma_wait3A_654 : memref<1x1x32x128xf32, #tpu.memory_space<hbm>> -> memref<32x128xf32, #tpu.memory_space<hbm>>
        %dma_wait3A_656 = arith.constant 0 : i32
        %dma_wait3A_657 = arith.constant 0 : i32
        %dma_wait3A_658 = tpu.memref_slice %arg13[%dma_wait3A_656, %dma_wait3A_657] : memref<128x128xf32, #tpu.memory_space<vmem>> -> memref<32x128xf32, #tpu.memory_space<vmem>>
        tpu.wait_dma2 semaphore(%arg19 : memref<!tpu.dma_semaphore, #tpu.memory_space<semaphore_mem>>) src(%dma_wait3A_658 : memref<32x128xf32, #tpu.memory_space<vmem>>) dst(%dma_wait3A_655 : memref<32x128xf32, #tpu.memory_space<hbm>>)
        %mul3A_659 = arith.constant 8 : i32
        %mul3A_660 = arith.muli %sub3A_637, %mul3A_659 : i32
        %add3A_661 = arith.addi %mul3A_50, %mul3A_660 : i32
        %add3A_662 = arith.constant 0 : i32
        %add3A_663 = arith.addi %add3A_661, %add3A_662 : i32
        %add3A_664 = arith.constant 1 : i32
        %add3A_665 = arith.addi %add3A_663, %add3A_664 : i32
        %dma_wait3A_666 = arith.constant 32 : i32
        %dma_wait3A_667 = arith.constant 0 : i32
        %dma_wait3A_668 = tpu.memref_slice %arg13[%dma_wait3A_666, %dma_wait3A_667] : memref<128x128xf32, #tpu.memory_space<vmem>> -> memref<32x128xf32, #tpu.memory_space<vmem>>
        %dma_wait3A_669 = arith.constant 0 : i32
        %dma_wait3A_670 = arith.constant 0 : i32
        %dma_wait3A_671 = tpu.memref_slice %arg7[%select_n3A, %add3A_665, %dma_wait3A_669, %dma_wait3A_670] : memref<16x256x32x128xf32, #tpu.memory_space<hbm>> -> memref<1x1x32x128xf32, #tpu.memory_space<hbm>>
        %dma_wait3A_672 = tpu.memref_squeeze %dma_wait3A_671 : memref<1x1x32x128xf32, #tpu.memory_space<hbm>> -> memref<32x128xf32, #tpu.memory_space<hbm>>
        %dma_wait3A_673 = arith.constant 0 : i32
        %dma_wait3A_674 = arith.constant 0 : i32
        %dma_wait3A_675 = tpu.memref_slice %arg7[%select_n3A, %add3A_665, %dma_wait3A_673, %dma_wait3A_674] : memref<16x256x32x128xf32, #tpu.memory_space<hbm>> -> memref<1x1x32x128xf32, #tpu.memory_space<hbm>>
        %dma_wait3A_676 = tpu.memref_squeeze %dma_wait3A_675 : memref<1x1x32x128xf32, #tpu.memory_space<hbm>> -> memref<32x128xf32, #tpu.memory_space<hbm>>
        %dma_wait3A_677 = arith.constant 32 : i32
        %dma_wait3A_678 = arith.constant 0 : i32
        %dma_wait3A_679 = tpu.memref_slice %arg13[%dma_wait3A_677, %dma_wait3A_678] : memref<128x128xf32, #tpu.memory_space<vmem>> -> memref<32x128xf32, #tpu.memory_space<vmem>>
        tpu.wait_dma2 semaphore(%arg19 : memref<!tpu.dma_semaphore, #tpu.memory_space<semaphore_mem>>) src(%dma_wait3A_679 : memref<32x128xf32, #tpu.memory_space<vmem>>) dst(%dma_wait3A_676 : memref<32x128xf32, #tpu.memory_space<hbm>>)
        %mul3A_680 = arith.constant 8 : i32
        %mul3A_681 = arith.muli %sub3A_637, %mul3A_680 : i32
        %add3A_682 = arith.addi %mul3A_50, %mul3A_681 : i32
        %add3A_683 = arith.constant 0 : i32
        %add3A_684 = arith.addi %add3A_682, %add3A_683 : i32
        %add3A_685 = arith.constant 2 : i32
        %add3A_686 = arith.addi %add3A_684, %add3A_685 : i32
        %dma_wait3A_687 = arith.constant 64 : i32
        %dma_wait3A_688 = arith.constant 0 : i32
        %dma_wait3A_689 = tpu.memref_slice %arg13[%dma_wait3A_687, %dma_wait3A_688] : memref<128x128xf32, #tpu.memory_space<vmem>> -> memref<32x128xf32, #tpu.memory_space<vmem>>
        %dma_wait3A_690 = arith.constant 0 : i32
        %dma_wait3A_691 = arith.constant 0 : i32
        %dma_wait3A_692 = tpu.memref_slice %arg7[%select_n3A, %add3A_686, %dma_wait3A_690, %dma_wait3A_691] : memref<16x256x32x128xf32, #tpu.memory_space<hbm>> -> memref<1x1x32x128xf32, #tpu.memory_space<hbm>>
        %dma_wait3A_693 = tpu.memref_squeeze %dma_wait3A_692 : memref<1x1x32x128xf32, #tpu.memory_space<hbm>> -> memref<32x128xf32, #tpu.memory_space<hbm>>
        %dma_wait3A_694 = arith.constant 0 : i32
        %dma_wait3A_695 = arith.constant 0 : i32
        %dma_wait3A_696 = tpu.memref_slice %arg7[%select_n3A, %add3A_686, %dma_wait3A_694, %dma_wait3A_695] : memref<16x256x32x128xf32, #tpu.memory_space<hbm>> -> memref<1x1x32x128xf32, #tpu.memory_space<hbm>>
        %dma_wait3A_697 = tpu.memref_squeeze %dma_wait3A_696 : memref<1x1x32x128xf32, #tpu.memory_space<hbm>> -> memref<32x128xf32, #tpu.memory_space<hbm>>
        %dma_wait3A_698 = arith.constant 64 : i32
        %dma_wait3A_699 = arith.constant 0 : i32
        %dma_wait3A_700 = tpu.memref_slice %arg13[%dma_wait3A_698, %dma_wait3A_699] : memref<128x128xf32, #tpu.memory_space<vmem>> -> memref<32x128xf32, #tpu.memory_space<vmem>>
        tpu.wait_dma2 semaphore(%arg19 : memref<!tpu.dma_semaphore, #tpu.memory_space<semaphore_mem>>) src(%dma_wait3A_700 : memref<32x128xf32, #tpu.memory_space<vmem>>) dst(%dma_wait3A_697 : memref<32x128xf32, #tpu.memory_space<hbm>>)
        %mul3A_701 = arith.constant 8 : i32
        %mul3A_702 = arith.muli %sub3A_637, %mul3A_701 : i32
        %add3A_703 = arith.addi %mul3A_50, %mul3A_702 : i32
        %add3A_704 = arith.constant 0 : i32
        %add3A_705 = arith.addi %add3A_703, %add3A_704 : i32
        %add3A_706 = arith.constant 3 : i32
        %add3A_707 = arith.addi %add3A_705, %add3A_706 : i32
        %dma_wait3A_708 = arith.constant 96 : i32
        %dma_wait3A_709 = arith.constant 0 : i32
        %dma_wait3A_710 = tpu.memref_slice %arg13[%dma_wait3A_708, %dma_wait3A_709] : memref<128x128xf32, #tpu.memory_space<vmem>> -> memref<32x128xf32, #tpu.memory_space<vmem>>
        %dma_wait3A_711 = arith.constant 0 : i32
        %dma_wait3A_712 = arith.constant 0 : i32
        %dma_wait3A_713 = tpu.memref_slice %arg7[%select_n3A, %add3A_707, %dma_wait3A_711, %dma_wait3A_712] : memref<16x256x32x128xf32, #tpu.memory_space<hbm>> -> memref<1x1x32x128xf32, #tpu.memory_space<hbm>>
        %dma_wait3A_714 = tpu.memref_squeeze %dma_wait3A_713 : memref<1x1x32x128xf32, #tpu.memory_space<hbm>> -> memref<32x128xf32, #tpu.memory_space<hbm>>
        %dma_wait3A_715 = arith.constant 0 : i32
        %dma_wait3A_716 = arith.constant 0 : i32
        %dma_wait3A_717 = tpu.memref_slice %arg7[%select_n3A, %add3A_707, %dma_wait3A_715, %dma_wait3A_716] : memref<16x256x32x128xf32, #tpu.memory_space<hbm>> -> memref<1x1x32x128xf32, #tpu.memory_space<hbm>>
        %dma_wait3A_718 = tpu.memref_squeeze %dma_wait3A_717 : memref<1x1x32x128xf32, #tpu.memory_space<hbm>> -> memref<32x128xf32, #tpu.memory_space<hbm>>
        %dma_wait3A_719 = arith.constant 96 : i32
        %dma_wait3A_720 = arith.constant 0 : i32
        %dma_wait3A_721 = tpu.memref_slice %arg13[%dma_wait3A_719, %dma_wait3A_720] : memref<128x128xf32, #tpu.memory_space<vmem>> -> memref<32x128xf32, #tpu.memory_space<vmem>>
        tpu.wait_dma2 semaphore(%arg19 : memref<!tpu.dma_semaphore, #tpu.memory_space<semaphore_mem>>) src(%dma_wait3A_721 : memref<32x128xf32, #tpu.memory_space<vmem>>) dst(%dma_wait3A_718 : memref<32x128xf32, #tpu.memory_space<hbm>>)
      } else {
      }
      %parallel_loop3A_450 = arith.constant 0 : i32
      %parallel_loop3A_451 = arith.constant 256 : i32
      %parallel_loop3A_452 = arith.constant 1 : i32
      scf.for %parallel_loop3A_636 = %parallel_loop3A_450 to %parallel_loop3A_451 step %parallel_loop3A_452  : i32 {
        %parallel_loop3A_637 = arith.constant 16 : i32
        %parallel_loop3A_638 = arith.muli %parallel_loop3A_636, %parallel_loop3A_637 : i32
        %parallel_loop3A_639 = arith.index_cast %parallel_loop3A_638 : i32 to index
        %parallel_loop3A_640 = tpu.vector_load %arg10[%parallel_loop3A_639] {strides = array<i32>} : memref<4096xi32, #tpu.memory_space<vmem>>, vector<16xi32>,
        %parallel_loop3A_641 = arith.constant 8 : i32
        %parallel_loop3A_642 = arith.divsi %parallel_loop3A_636, %parallel_loop3A_641 : i32
        %parallel_loop3A_643 = arith.constant 0 : i32
        %parallel_loop3A_644 = arith.cmpi sgt, %parallel_loop3A_636, %parallel_loop3A_643 : i32
        %parallel_loop3A_645 = arith.extui %parallel_loop3A_644 : i1 to i32
        %parallel_loop3A_646 = arith.constant 0 : i32
        %parallel_loop3A_647 = arith.cmpi slt, %parallel_loop3A_636, %parallel_loop3A_646 : i32
        %parallel_loop3A_648 = arith.extui %parallel_loop3A_647 : i1 to i32
        %parallel_loop3A_649 = arith.subi %parallel_loop3A_645, %parallel_loop3A_648 : i32
        %parallel_loop3A_650 = arith.constant 0 : i32
        %parallel_loop3A_651 = arith.cmpi sgt, %parallel_loop3A_641, %parallel_loop3A_650 : i32
        %parallel_loop3A_652 = arith.extui %parallel_loop3A_651 : i1 to i32
        %parallel_loop3A_653 = arith.constant 0 : i32
        %parallel_loop3A_654 = arith.cmpi slt, %parallel_loop3A_641, %parallel_loop3A_653 : i32
        %parallel_loop3A_655 = arith.extui %parallel_loop3A_654 : i1 to i32
        %parallel_loop3A_656 = arith.subi %parallel_loop3A_652, %parallel_loop3A_655 : i32
        %parallel_loop3A_657 = arith.cmpi ne, %parallel_loop3A_649, %parallel_loop3A_656 : i32
        %parallel_loop3A_658 = arith.remsi %parallel_loop3A_636, %parallel_loop3A_641 : i32
        %parallel_loop3A_659 = arith.constant 0 : i32
        %parallel_loop3A_660 = arith.cmpi ne, %parallel_loop3A_658, %parallel_loop3A_659 : i32
        %parallel_loop3A_661 = arith.andi %parallel_loop3A_657, %parallel_loop3A_660 : i1
        %parallel_loop3A_662 = arith.constant 1 : i32
        %parallel_loop3A_663 = arith.subi %parallel_loop3A_642, %parallel_loop3A_662 : i32
        %parallel_loop3A_664 = arith.select %parallel_loop3A_661, %parallel_loop3A_663, %parallel_loop3A_642 : i32
        %parallel_loop3A_665 = arith.constant 8 : i32
        %parallel_loop3A_666 = arith.constant 0 : i32
        %parallel_loop3A_667 = arith.cmpi eq, %parallel_loop3A_665, %parallel_loop3A_666 : i32
        %parallel_loop3A_668 = arith.constant 1 : i32
        %parallel_loop3A_669 = arith.select %parallel_loop3A_667, %parallel_loop3A_668, %parallel_loop3A_665 : i32
        %parallel_loop3A_670 = arith.remsi %parallel_loop3A_636, %parallel_loop3A_669 : i32
        %parallel_loop3A_671 = arith.constant 0 : i32
        %parallel_loop3A_672 = arith.cmpi ne, %parallel_loop3A_670, %parallel_loop3A_671 : i32
        %parallel_loop3A_673 = arith.constant 0 : i32
        %parallel_loop3A_674 = arith.cmpi slt, %parallel_loop3A_670, %parallel_loop3A_673 : i32
        %parallel_loop3A_675 = arith.constant 0 : i32
        %parallel_loop3A_676 = arith.cmpi slt, %parallel_loop3A_669, %parallel_loop3A_675 : i32
        %parallel_loop3A_677 = arith.xori %parallel_loop3A_674, %parallel_loop3A_676 : i1
        %parallel_loop3A_678 = arith.andi %parallel_loop3A_677, %parallel_loop3A_672 : i1
        %parallel_loop3A_679 = arith.addi %parallel_loop3A_670, %parallel_loop3A_669 : i32
        %parallel_loop3A_680 = arith.select %parallel_loop3A_678, %parallel_loop3A_679, %parallel_loop3A_670 : i32
        %parallel_loop3A_681 = arith.constant 16 : i32
        %parallel_loop3A_682 = arith.muli %parallel_loop3A_680, %parallel_loop3A_681 : i32
        %parallel_loop3A_683 = arith.constant 0 : i32
        %parallel_loop3A_684 = tpu.memref_slice %arg12[%parallel_loop3A_683] : memref<32768xf32, #tpu.memory_space<vmem>> -> memref<32768xf32, #tpu.memory_space<vmem>>
        %parallel_loop3A_685 = tpu.vector_load_idx %parallel_loop3A_684[%parallel_loop3A_640] : memref<32768xf32, #tpu.memory_space<vmem>>[vector<16xi32>], vector<16xf32>,
        %parallel_loop3A_686 = arith.constant 0 : i32
        %parallel_loop3A_687 = arith.addi %parallel_loop3A_686, %parallel_loop3A_664 : i32
        %parallel_loop3A_688 = arith.index_cast %parallel_loop3A_687 : i32 to index
        %parallel_loop3A_689 = arith.index_cast %parallel_loop3A_682 : i32 to index
        %parallel_loop3A_690 = tpu.vector_load %arg13[%parallel_loop3A_688, %parallel_loop3A_689] {strides = array<i32>} : memref<128x128xf32, #tpu.memory_space<vmem>>, vector<16xf32>,
        tpu.vector_store %arg13[%parallel_loop3A_688, %parallel_loop3A_689], %parallel_loop3A_685 {strides = array<i32>} : memref<128x128xf32, #tpu.memory_space<vmem>>, vector<16xf32>,
        %parallel_loop3A_691 = arith.constant 128 : i32
        %parallel_loop3A_692 = tpu.memref_slice %arg12[%parallel_loop3A_691] : memref<32768xf32, #tpu.memory_space<vmem>> -> memref<32640xf32, #tpu.memory_space<vmem>>
        %parallel_loop3A_693 = tpu.vector_load_idx %parallel_loop3A_692[%parallel_loop3A_640] : memref<32640xf32, #tpu.memory_space<vmem>>[vector<16xi32>], vector<16xf32>,
        %parallel_loop3A_694 = arith.constant 32 : i32
        %parallel_loop3A_695 = arith.addi %parallel_loop3A_694, %parallel_loop3A_664 : i32
        %parallel_loop3A_696 = arith.index_cast %parallel_loop3A_695 : i32 to index
        %parallel_loop3A_697 = arith.index_cast %parallel_loop3A_682 : i32 to index
        %parallel_loop3A_698 = tpu.vector_load %arg13[%parallel_loop3A_696, %parallel_loop3A_697] {strides = array<i32>} : memref<128x128xf32, #tpu.memory_space<vmem>>, vector<16xf32>,
        tpu.vector_store %arg13[%parallel_loop3A_696, %parallel_loop3A_697], %parallel_loop3A_693 {strides = array<i32>} : memref<128x128xf32, #tpu.memory_space<vmem>>, vector<16xf32>,
        %parallel_loop3A_699 = arith.constant 256 : i32
        %parallel_loop3A_700 = tpu.memref_slice %arg12[%parallel_loop3A_699] : memref<32768xf32, #tpu.memory_space<vmem>> -> memref<32512xf32, #tpu.memory_space<vmem>>
        %parallel_loop3A_701 = tpu.vector_load_idx %parallel_loop3A_700[%parallel_loop3A_640] : memref<32512xf32, #tpu.memory_space<vmem>>[vector<16xi32>], vector<16xf32>,
        %parallel_loop3A_702 = arith.constant 64 : i32
        %parallel_loop3A_703 = arith.addi %parallel_loop3A_702, %parallel_loop3A_664 : i32
        %parallel_loop3A_704 = arith.index_cast %parallel_loop3A_703 : i32 to index
        %parallel_loop3A_705 = arith.index_cast %parallel_loop3A_682 : i32 to index
        %parallel_loop3A_706 = tpu.vector_load %arg13[%parallel_loop3A_704, %parallel_loop3A_705] {strides = array<i32>} : memref<128x128xf32, #tpu.memory_space<vmem>>, vector<16xf32>,
        tpu.vector_store %arg13[%parallel_loop3A_704, %parallel_loop3A_705], %parallel_loop3A_701 {strides = array<i32>} : memref<128x128xf32, #tpu.memory_space<vmem>>, vector<16xf32>,
        %parallel_loop3A_707 = arith.constant 384 : i32
        %parallel_loop3A_708 = tpu.memref_slice %arg12[%parallel_loop3A_707] : memref<32768xf32, #tpu.memory_space<vmem>> -> memref<32384xf32, #tpu.memory_space<vmem>>
        %parallel_loop3A_709 = tpu.vector_load_idx %parallel_loop3A_708[%parallel_loop3A_640] : memref<32384xf32, #tpu.memory_space<vmem>>[vector<16xi32>], vector<16xf32>,
        %parallel_loop3A_710 = arith.constant 96 : i32
        %parallel_loop3A_711 = arith.addi %parallel_loop3A_710, %parallel_loop3A_664 : i32
        %parallel_loop3A_712 = arith.index_cast %parallel_loop3A_711 : i32 to index
        %parallel_loop3A_713 = arith.index_cast %parallel_loop3A_682 : i32 to index
        %parallel_loop3A_714 = tpu.vector_load %arg13[%parallel_loop3A_712, %parallel_loop3A_713] {strides = array<i32>} : memref<128x128xf32, #tpu.memory_space<vmem>>, vector<16xf32>,
        tpu.vector_store %arg13[%parallel_loop3A_712, %parallel_loop3A_713], %parallel_loop3A_709 {strides = array<i32>} : memref<128x128xf32, #tpu.memory_space<vmem>>, vector<16xf32>,
      } {sc.loop_unroll_factor = 8 : i64, sc.parallel_access}
      %mul3A_453 = arith.constant 8 : i32
      %mul3A_454 = arith.muli %add3A_437, %mul3A_453 : i32
      %add3A_455 = arith.addi %mul3A_50, %mul3A_454 : i32
      %add3A_456 = arith.constant 0 : i32
      %add3A_457 = arith.addi %add3A_455, %add3A_456 : i32
      %add3A_458 = arith.constant 0 : i32
      %add3A_459 = arith.addi %add3A_457, %add3A_458 : i32
      %dma_start3A_460 = arith.constant 0 : i32
      %dma_start3A_461 = arith.constant 0 : i32
      %dma_start3A_462 = tpu.memref_slice %arg13[%dma_start3A_460, %dma_start3A_461] : memref<128x128xf32, #tpu.memory_space<vmem>> -> memref<32x128xf32, #tpu.memory_space<vmem>>
      %dma_start3A_463 = arith.constant 0 : i32
      %dma_start3A_464 = arith.constant 0 : i32
      %dma_start3A_465 = tpu.memref_slice %arg7[%select_n3A, %add3A_459, %dma_start3A_463, %dma_start3A_464] : memref<16x256x32x128xf32, #tpu.memory_space<hbm>> -> memref<1x1x32x128xf32, #tpu.memory_space<hbm>>
      %dma_start3A_466 = tpu.memref_squeeze %dma_start3A_465 : memref<1x1x32x128xf32, #tpu.memory_space<hbm>> -> memref<32x128xf32, #tpu.memory_space<hbm>>
      %dma_start3A_467 = arith.constant 0 : i32
      %dma_start3A_468 = arith.constant 0 : i32
      %dma_start3A_469 = tpu.memref_slice %arg7[%select_n3A, %add3A_459, %dma_start3A_467, %dma_start3A_468] : memref<16x256x32x128xf32, #tpu.memory_space<hbm>> -> memref<1x1x32x128xf32, #tpu.memory_space<hbm>>
      %dma_start3A_470 = tpu.memref_squeeze %dma_start3A_469 : memref<1x1x32x128xf32, #tpu.memory_space<hbm>> -> memref<32x128xf32, #tpu.memory_space<hbm>>
      %dma_start3A_471 = arith.constant 0 : i32
      %dma_start3A_472 = arith.constant 0 : i32
      %dma_start3A_473 = tpu.memref_slice %arg13[%dma_start3A_471, %dma_start3A_472] : memref<128x128xf32, #tpu.memory_space<vmem>> -> memref<32x128xf32, #tpu.memory_space<vmem>>
      tpu.enqueue_dma source(%dma_start3A_473 : memref<32x128xf32, #tpu.memory_space<vmem>>) target(%dma_start3A_470 : memref<32x128xf32, #tpu.memory_space<hbm>>) target_semaphore(%arg19 : memref<!tpu.dma_semaphore, #tpu.memory_space<semaphore_mem>>)
      %mul3A_474 = arith.constant 8 : i32
      %mul3A_475 = arith.muli %add3A_437, %mul3A_474 : i32
      %add3A_476 = arith.addi %mul3A_50, %mul3A_475 : i32
      %add3A_477 = arith.constant 0 : i32
      %add3A_478 = arith.addi %add3A_476, %add3A_477 : i32
      %add3A_479 = arith.constant 1 : i32
      %add3A_480 = arith.addi %add3A_478, %add3A_479 : i32
      %dma_start3A_481 = arith.constant 32 : i32
      %dma_start3A_482 = arith.constant 0 : i32
      %dma_start3A_483 = tpu.memref_slice %arg13[%dma_start3A_481, %dma_start3A_482] : memref<128x128xf32, #tpu.memory_space<vmem>> -> memref<32x128xf32, #tpu.memory_space<vmem>>
      %dma_start3A_484 = arith.constant 0 : i32
      %dma_start3A_485 = arith.constant 0 : i32
      %dma_start3A_486 = tpu.memref_slice %arg7[%select_n3A, %add3A_480, %dma_start3A_484, %dma_start3A_485] : memref<16x256x32x128xf32, #tpu.memory_space<hbm>> -> memref<1x1x32x128xf32, #tpu.memory_space<hbm>>
      %dma_start3A_487 = tpu.memref_squeeze %dma_start3A_486 : memref<1x1x32x128xf32, #tpu.memory_space<hbm>> -> memref<32x128xf32, #tpu.memory_space<hbm>>
      %dma_start3A_488 = arith.constant 0 : i32
      %dma_start3A_489 = arith.constant 0 : i32
      %dma_start3A_490 = tpu.memref_slice %arg7[%select_n3A, %add3A_480, %dma_start3A_488, %dma_start3A_489] : memref<16x256x32x128xf32, #tpu.memory_space<hbm>> -> memref<1x1x32x128xf32, #tpu.memory_space<hbm>>
      %dma_start3A_491 = tpu.memref_squeeze %dma_start3A_490 : memref<1x1x32x128xf32, #tpu.memory_space<hbm>> -> memref<32x128xf32, #tpu.memory_space<hbm>>
      %dma_start3A_492 = arith.constant 32 : i32
      %dma_start3A_493 = arith.constant 0 : i32
      %dma_start3A_494 = tpu.memref_slice %arg13[%dma_start3A_492, %dma_start3A_493] : memref<128x128xf32, #tpu.memory_space<vmem>> -> memref<32x128xf32, #tpu.memory_space<vmem>>
      tpu.enqueue_dma source(%dma_start3A_494 : memref<32x128xf32, #tpu.memory_space<vmem>>) target(%dma_start3A_491 : memref<32x128xf32, #tpu.memory_space<hbm>>) target_semaphore(%arg19 : memref<!tpu.dma_semaphore, #tpu.memory_space<semaphore_mem>>)
      %mul3A_495 = arith.constant 8 : i32
      %mul3A_496 = arith.muli %add3A_437, %mul3A_495 : i32
      %add3A_497 = arith.addi %mul3A_50, %mul3A_496 : i32
      %add3A_498 = arith.constant 0 : i32
      %add3A_499 = arith.addi %add3A_497, %add3A_498 : i32
      %add3A_500 = arith.constant 2 : i32
      %add3A_501 = arith.addi %add3A_499, %add3A_500 : i32
      %dma_start3A_502 = arith.constant 64 : i32
      %dma_start3A_503 = arith.constant 0 : i32
      %dma_start3A_504 = tpu.memref_slice %arg13[%dma_start3A_502, %dma_start3A_503] : memref<128x128xf32, #tpu.memory_space<vmem>> -> memref<32x128xf32, #tpu.memory_space<vmem>>
      %dma_start3A_505 = arith.constant 0 : i32
      %dma_start3A_506 = arith.constant 0 : i32
      %dma_start3A_507 = tpu.memref_slice %arg7[%select_n3A, %add3A_501, %dma_start3A_505, %dma_start3A_506] : memref<16x256x32x128xf32, #tpu.memory_space<hbm>> -> memref<1x1x32x128xf32, #tpu.memory_space<hbm>>
      %dma_start3A_508 = tpu.memref_squeeze %dma_start3A_507 : memref<1x1x32x128xf32, #tpu.memory_space<hbm>> -> memref<32x128xf32, #tpu.memory_space<hbm>>
      %dma_start3A_509 = arith.constant 0 : i32
      %dma_start3A_510 = arith.constant 0 : i32
      %dma_start3A_511 = tpu.memref_slice %arg7[%select_n3A, %add3A_501, %dma_start3A_509, %dma_start3A_510] : memref<16x256x32x128xf32, #tpu.memory_space<hbm>> -> memref<1x1x32x128xf32, #tpu.memory_space<hbm>>
      %dma_start3A_512 = tpu.memref_squeeze %dma_start3A_511 : memref<1x1x32x128xf32, #tpu.memory_space<hbm>> -> memref<32x128xf32, #tpu.memory_space<hbm>>
      %dma_start3A_513 = arith.constant 64 : i32
      %dma_start3A_514 = arith.constant 0 : i32
      %dma_start3A_515 = tpu.memref_slice %arg13[%dma_start3A_513, %dma_start3A_514] : memref<128x128xf32, #tpu.memory_space<vmem>> -> memref<32x128xf32, #tpu.memory_space<vmem>>
      tpu.enqueue_dma source(%dma_start3A_515 : memref<32x128xf32, #tpu.memory_space<vmem>>) target(%dma_start3A_512 : memref<32x128xf32, #tpu.memory_space<hbm>>) target_semaphore(%arg19 : memref<!tpu.dma_semaphore, #tpu.memory_space<semaphore_mem>>)
      %mul3A_516 = arith.constant 8 : i32
      %mul3A_517 = arith.muli %add3A_437, %mul3A_516 : i32
      %add3A_518 = arith.addi %mul3A_50, %mul3A_517 : i32
      %add3A_519 = arith.constant 0 : i32
      %add3A_520 = arith.addi %add3A_518, %add3A_519 : i32
      %add3A_521 = arith.constant 3 : i32
      %add3A_522 = arith.addi %add3A_520, %add3A_521 : i32
      %dma_start3A_523 = arith.constant 96 : i32
      %dma_start3A_524 = arith.constant 0 : i32
      %dma_start3A_525 = tpu.memref_slice %arg13[%dma_start3A_523, %dma_start3A_524] : memref<128x128xf32, #tpu.memory_space<vmem>> -> memref<32x128xf32, #tpu.memory_space<vmem>>
      %dma_start3A_526 = arith.constant 0 : i32
      %dma_start3A_527 = arith.constant 0 : i32
      %dma_start3A_528 = tpu.memref_slice %arg7[%select_n3A, %add3A_522, %dma_start3A_526, %dma_start3A_527] : memref<16x256x32x128xf32, #tpu.memory_space<hbm>> -> memref<1x1x32x128xf32, #tpu.memory_space<hbm>>
      %dma_start3A_529 = tpu.memref_squeeze %dma_start3A_528 : memref<1x1x32x128xf32, #tpu.memory_space<hbm>> -> memref<32x128xf32, #tpu.memory_space<hbm>>
      %dma_start3A_530 = arith.constant 0 : i32
      %dma_start3A_531 = arith.constant 0 : i32
      %dma_start3A_532 = tpu.memref_slice %arg7[%select_n3A, %add3A_522, %dma_start3A_530, %dma_start3A_531] : memref<16x256x32x128xf32, #tpu.memory_space<hbm>> -> memref<1x1x32x128xf32, #tpu.memory_space<hbm>>
      %dma_start3A_533 = tpu.memref_squeeze %dma_start3A_532 : memref<1x1x32x128xf32, #tpu.memory_space<hbm>> -> memref<32x128xf32, #tpu.memory_space<hbm>>
      %dma_start3A_534 = arith.constant 96 : i32
      %dma_start3A_535 = arith.constant 0 : i32
      %dma_start3A_536 = tpu.memref_slice %arg13[%dma_start3A_534, %dma_start3A_535] : memref<128x128xf32, #tpu.memory_space<vmem>> -> memref<32x128xf32, #tpu.memory_space<vmem>>
      tpu.enqueue_dma source(%dma_start3A_536 : memref<32x128xf32, #tpu.memory_space<vmem>>) target(%dma_start3A_533 : memref<32x128xf32, #tpu.memory_space<hbm>>) target_semaphore(%arg19 : memref<!tpu.dma_semaphore, #tpu.memory_space<semaphore_mem>>)
      %ge3A_537 = arith.constant 1 : i32
      %ge3A_538 = arith.cmpi sge, %add3A_437, %ge3A_537 : i32
      %convert_element_type3A_539 = arith.extui %ge3A_538 : i1 to i32
      %cond3A_540 = arith.constant 0 : i32
      %cond3A_541 = arith.cmpi ne, %convert_element_type3A_539, %cond3A_540 : i32
      scf.if %cond3A_541 {
        %sub3A_636 = arith.constant 1 : i32
        %sub3A_637 = arith.subi %add3A_437, %sub3A_636 : i32
        %mul3A_638 = arith.constant 8 : i32
        %mul3A_639 = arith.muli %sub3A_637, %mul3A_638 : i32
        %add3A_640 = arith.addi %mul3A_50, %mul3A_639 : i32
        %add3A_641 = arith.constant 4 : i32
        %add3A_642 = arith.addi %add3A_640, %add3A_641 : i32
        %add3A_643 = arith.constant 0 : i32
        %add3A_644 = arith.addi %add3A_642, %add3A_643 : i32
        %dma_wait3A_645 = arith.constant 0 : i32
        %dma_wait3A_646 = arith.constant 0 : i32
        %dma_wait3A_647 = tpu.memref_slice %arg14[%dma_wait3A_645, %dma_wait3A_646] : memref<128x128xf32, #tpu.memory_space<vmem>> -> memref<32x128xf32, #tpu.memory_space<vmem>>
        %dma_wait3A_648 = arith.constant 0 : i32
        %dma_wait3A_649 = arith.constant 0 : i32
        %dma_wait3A_650 = tpu.memref_slice %arg7[%select_n3A, %add3A_644, %dma_wait3A_648, %dma_wait3A_649] : memref<16x256x32x128xf32, #tpu.memory_space<hbm>> -> memref<1x1x32x128xf32, #tpu.memory_space<hbm>>
        %dma_wait3A_651 = tpu.memref_squeeze %dma_wait3A_650 : memref<1x1x32x128xf32, #tpu.memory_space<hbm>> -> memref<32x128xf32, #tpu.memory_space<hbm>>
        %dma_wait3A_652 = arith.constant 0 : i32
        %dma_wait3A_653 = arith.constant 0 : i32
        %dma_wait3A_654 = tpu.memref_slice %arg7[%select_n3A, %add3A_644, %dma_wait3A_652, %dma_wait3A_653] : memref<16x256x32x128xf32, #tpu.memory_space<hbm>> -> memref<1x1x32x128xf32, #tpu.memory_space<hbm>>
        %dma_wait3A_655 = tpu.memref_squeeze %dma_wait3A_654 : memref<1x1x32x128xf32, #tpu.memory_space<hbm>> -> memref<32x128xf32, #tpu.memory_space<hbm>>
        %dma_wait3A_656 = arith.constant 0 : i32
        %dma_wait3A_657 = arith.constant 0 : i32
        %dma_wait3A_658 = tpu.memref_slice %arg14[%dma_wait3A_656, %dma_wait3A_657] : memref<128x128xf32, #tpu.memory_space<vmem>> -> memref<32x128xf32, #tpu.memory_space<vmem>>
        tpu.wait_dma2 semaphore(%arg20 : memref<!tpu.dma_semaphore, #tpu.memory_space<semaphore_mem>>) src(%dma_wait3A_658 : memref<32x128xf32, #tpu.memory_space<vmem>>) dst(%dma_wait3A_655 : memref<32x128xf32, #tpu.memory_space<hbm>>)
        %mul3A_659 = arith.constant 8 : i32
        %mul3A_660 = arith.muli %sub3A_637, %mul3A_659 : i32
        %add3A_661 = arith.addi %mul3A_50, %mul3A_660 : i32
        %add3A_662 = arith.constant 4 : i32
        %add3A_663 = arith.addi %add3A_661, %add3A_662 : i32
        %add3A_664 = arith.constant 1 : i32
        %add3A_665 = arith.addi %add3A_663, %add3A_664 : i32
        %dma_wait3A_666 = arith.constant 32 : i32
        %dma_wait3A_667 = arith.constant 0 : i32
        %dma_wait3A_668 = tpu.memref_slice %arg14[%dma_wait3A_666, %dma_wait3A_667] : memref<128x128xf32, #tpu.memory_space<vmem>> -> memref<32x128xf32, #tpu.memory_space<vmem>>
        %dma_wait3A_669 = arith.constant 0 : i32
        %dma_wait3A_670 = arith.constant 0 : i32
        %dma_wait3A_671 = tpu.memref_slice %arg7[%select_n3A, %add3A_665, %dma_wait3A_669, %dma_wait3A_670] : memref<16x256x32x128xf32, #tpu.memory_space<hbm>> -> memref<1x1x32x128xf32, #tpu.memory_space<hbm>>
        %dma_wait3A_672 = tpu.memref_squeeze %dma_wait3A_671 : memref<1x1x32x128xf32, #tpu.memory_space<hbm>> -> memref<32x128xf32, #tpu.memory_space<hbm>>
        %dma_wait3A_673 = arith.constant 0 : i32
        %dma_wait3A_674 = arith.constant 0 : i32
        %dma_wait3A_675 = tpu.memref_slice %arg7[%select_n3A, %add3A_665, %dma_wait3A_673, %dma_wait3A_674] : memref<16x256x32x128xf32, #tpu.memory_space<hbm>> -> memref<1x1x32x128xf32, #tpu.memory_space<hbm>>
        %dma_wait3A_676 = tpu.memref_squeeze %dma_wait3A_675 : memref<1x1x32x128xf32, #tpu.memory_space<hbm>> -> memref<32x128xf32, #tpu.memory_space<hbm>>
        %dma_wait3A_677 = arith.constant 32 : i32
        %dma_wait3A_678 = arith.constant 0 : i32
        %dma_wait3A_679 = tpu.memref_slice %arg14[%dma_wait3A_677, %dma_wait3A_678] : memref<128x128xf32, #tpu.memory_space<vmem>> -> memref<32x128xf32, #tpu.memory_space<vmem>>
        tpu.wait_dma2 semaphore(%arg20 : memref<!tpu.dma_semaphore, #tpu.memory_space<semaphore_mem>>) src(%dma_wait3A_679 : memref<32x128xf32, #tpu.memory_space<vmem>>) dst(%dma_wait3A_676 : memref<32x128xf32, #tpu.memory_space<hbm>>)
        %mul3A_680 = arith.constant 8 : i32
        %mul3A_681 = arith.muli %sub3A_637, %mul3A_680 : i32
        %add3A_682 = arith.addi %mul3A_50, %mul3A_681 : i32
        %add3A_683 = arith.constant 4 : i32
        %add3A_684 = arith.addi %add3A_682, %add3A_683 : i32
        %add3A_685 = arith.constant 2 : i32
        %add3A_686 = arith.addi %add3A_684, %add3A_685 : i32
        %dma_wait3A_687 = arith.constant 64 : i32
        %dma_wait3A_688 = arith.constant 0 : i32
        %dma_wait3A_689 = tpu.memref_slice %arg14[%dma_wait3A_687, %dma_wait3A_688] : memref<128x128xf32, #tpu.memory_space<vmem>> -> memref<32x128xf32, #tpu.memory_space<vmem>>
        %dma_wait3A_690 = arith.constant 0 : i32
        %dma_wait3A_691 = arith.constant 0 : i32
        %dma_wait3A_692 = tpu.memref_slice %arg7[%select_n3A, %add3A_686, %dma_wait3A_690, %dma_wait3A_691] : memref<16x256x32x128xf32, #tpu.memory_space<hbm>> -> memref<1x1x32x128xf32, #tpu.memory_space<hbm>>
        %dma_wait3A_693 = tpu.memref_squeeze %dma_wait3A_692 : memref<1x1x32x128xf32, #tpu.memory_space<hbm>> -> memref<32x128xf32, #tpu.memory_space<hbm>>
        %dma_wait3A_694 = arith.constant 0 : i32
        %dma_wait3A_695 = arith.constant 0 : i32
        %dma_wait3A_696 = tpu.memref_slice %arg7[%select_n3A, %add3A_686, %dma_wait3A_694, %dma_wait3A_695] : memref<16x256x32x128xf32, #tpu.memory_space<hbm>> -> memref<1x1x32x128xf32, #tpu.memory_space<hbm>>
        %dma_wait3A_697 = tpu.memref_squeeze %dma_wait3A_696 : memref<1x1x32x128xf32, #tpu.memory_space<hbm>> -> memref<32x128xf32, #tpu.memory_space<hbm>>
        %dma_wait3A_698 = arith.constant 64 : i32
        %dma_wait3A_699 = arith.constant 0 : i32
        %dma_wait3A_700 = tpu.memref_slice %arg14[%dma_wait3A_698, %dma_wait3A_699] : memref<128x128xf32, #tpu.memory_space<vmem>> -> memref<32x128xf32, #tpu.memory_space<vmem>>
        tpu.wait_dma2 semaphore(%arg20 : memref<!tpu.dma_semaphore, #tpu.memory_space<semaphore_mem>>) src(%dma_wait3A_700 : memref<32x128xf32, #tpu.memory_space<vmem>>) dst(%dma_wait3A_697 : memref<32x128xf32, #tpu.memory_space<hbm>>)
        %mul3A_701 = arith.constant 8 : i32
        %mul3A_702 = arith.muli %sub3A_637, %mul3A_701 : i32
        %add3A_703 = arith.addi %mul3A_50, %mul3A_702 : i32
        %add3A_704 = arith.constant 4 : i32
        %add3A_705 = arith.addi %add3A_703, %add3A_704 : i32
        %add3A_706 = arith.constant 3 : i32
        %add3A_707 = arith.addi %add3A_705, %add3A_706 : i32
        %dma_wait3A_708 = arith.constant 96 : i32
        %dma_wait3A_709 = arith.constant 0 : i32
        %dma_wait3A_710 = tpu.memref_slice %arg14[%dma_wait3A_708, %dma_wait3A_709] : memref<128x128xf32, #tpu.memory_space<vmem>> -> memref<32x128xf32, #tpu.memory_space<vmem>>
        %dma_wait3A_711 = arith.constant 0 : i32
        %dma_wait3A_712 = arith.constant 0 : i32
        %dma_wait3A_713 = tpu.memref_slice %arg7[%select_n3A, %add3A_707, %dma_wait3A_711, %dma_wait3A_712] : memref<16x256x32x128xf32, #tpu.memory_space<hbm>> -> memref<1x1x32x128xf32, #tpu.memory_space<hbm>>
        %dma_wait3A_714 = tpu.memref_squeeze %dma_wait3A_713 : memref<1x1x32x128xf32, #tpu.memory_space<hbm>> -> memref<32x128xf32, #tpu.memory_space<hbm>>
        %dma_wait3A_715 = arith.constant 0 : i32
        %dma_wait3A_716 = arith.constant 0 : i32
        %dma_wait3A_717 = tpu.memref_slice %arg7[%select_n3A, %add3A_707, %dma_wait3A_715, %dma_wait3A_716] : memref<16x256x32x128xf32, #tpu.memory_space<hbm>> -> memref<1x1x32x128xf32, #tpu.memory_space<hbm>>
        %dma_wait3A_718 = tpu.memref_squeeze %dma_wait3A_717 : memref<1x1x32x128xf32, #tpu.memory_space<hbm>> -> memref<32x128xf32, #tpu.memory_space<hbm>>
        %dma_wait3A_719 = arith.constant 96 : i32
        %dma_wait3A_720 = arith.constant 0 : i32
        %dma_wait3A_721 = tpu.memref_slice %arg14[%dma_wait3A_719, %dma_wait3A_720] : memref<128x128xf32, #tpu.memory_space<vmem>> -> memref<32x128xf32, #tpu.memory_space<vmem>>
        tpu.wait_dma2 semaphore(%arg20 : memref<!tpu.dma_semaphore, #tpu.memory_space<semaphore_mem>>) src(%dma_wait3A_721 : memref<32x128xf32, #tpu.memory_space<vmem>>) dst(%dma_wait3A_718 : memref<32x128xf32, #tpu.memory_space<hbm>>)
      } else {
      }
      %parallel_loop3A_542 = arith.constant 0 : i32
      %parallel_loop3A_543 = arith.constant 256 : i32
      %parallel_loop3A_544 = arith.constant 1 : i32
      scf.for %parallel_loop3A_636 = %parallel_loop3A_542 to %parallel_loop3A_543 step %parallel_loop3A_544  : i32 {
        %parallel_loop3A_637 = arith.constant 16 : i32
        %parallel_loop3A_638 = arith.muli %parallel_loop3A_636, %parallel_loop3A_637 : i32
        %parallel_loop3A_639 = arith.index_cast %parallel_loop3A_638 : i32 to index
        %parallel_loop3A_640 = tpu.vector_load %arg10[%parallel_loop3A_639] {strides = array<i32>} : memref<4096xi32, #tpu.memory_space<vmem>>, vector<16xi32>,
        %parallel_loop3A_641 = arith.constant 8 : i32
        %parallel_loop3A_642 = arith.divsi %parallel_loop3A_636, %parallel_loop3A_641 : i32
        %parallel_loop3A_643 = arith.constant 0 : i32
        %parallel_loop3A_644 = arith.cmpi sgt, %parallel_loop3A_636, %parallel_loop3A_643 : i32
        %parallel_loop3A_645 = arith.extui %parallel_loop3A_644 : i1 to i32
        %parallel_loop3A_646 = arith.constant 0 : i32
        %parallel_loop3A_647 = arith.cmpi slt, %parallel_loop3A_636, %parallel_loop3A_646 : i32
        %parallel_loop3A_648 = arith.extui %parallel_loop3A_647 : i1 to i32
        %parallel_loop3A_649 = arith.subi %parallel_loop3A_645, %parallel_loop3A_648 : i32
        %parallel_loop3A_650 = arith.constant 0 : i32
        %parallel_loop3A_651 = arith.cmpi sgt, %parallel_loop3A_641, %parallel_loop3A_650 : i32
        %parallel_loop3A_652 = arith.extui %parallel_loop3A_651 : i1 to i32
        %parallel_loop3A_653 = arith.constant 0 : i32
        %parallel_loop3A_654 = arith.cmpi slt, %parallel_loop3A_641, %parallel_loop3A_653 : i32
        %parallel_loop3A_655 = arith.extui %parallel_loop3A_654 : i1 to i32
        %parallel_loop3A_656 = arith.subi %parallel_loop3A_652, %parallel_loop3A_655 : i32
        %parallel_loop3A_657 = arith.cmpi ne, %parallel_loop3A_649, %parallel_loop3A_656 : i32
        %parallel_loop3A_658 = arith.remsi %parallel_loop3A_636, %parallel_loop3A_641 : i32
        %parallel_loop3A_659 = arith.constant 0 : i32
        %parallel_loop3A_660 = arith.cmpi ne, %parallel_loop3A_658, %parallel_loop3A_659 : i32
        %parallel_loop3A_661 = arith.andi %parallel_loop3A_657, %parallel_loop3A_660 : i1
        %parallel_loop3A_662 = arith.constant 1 : i32
        %parallel_loop3A_663 = arith.subi %parallel_loop3A_642, %parallel_loop3A_662 : i32
        %parallel_loop3A_664 = arith.select %parallel_loop3A_661, %parallel_loop3A_663, %parallel_loop3A_642 : i32
        %parallel_loop3A_665 = arith.constant 8 : i32
        %parallel_loop3A_666 = arith.constant 0 : i32
        %parallel_loop3A_667 = arith.cmpi eq, %parallel_loop3A_665, %parallel_loop3A_666 : i32
        %parallel_loop3A_668 = arith.constant 1 : i32
        %parallel_loop3A_669 = arith.select %parallel_loop3A_667, %parallel_loop3A_668, %parallel_loop3A_665 : i32
        %parallel_loop3A_670 = arith.remsi %parallel_loop3A_636, %parallel_loop3A_669 : i32
        %parallel_loop3A_671 = arith.constant 0 : i32
        %parallel_loop3A_672 = arith.cmpi ne, %parallel_loop3A_670, %parallel_loop3A_671 : i32
        %parallel_loop3A_673 = arith.constant 0 : i32
        %parallel_loop3A_674 = arith.cmpi slt, %parallel_loop3A_670, %parallel_loop3A_673 : i32
        %parallel_loop3A_675 = arith.constant 0 : i32
        %parallel_loop3A_676 = arith.cmpi slt, %parallel_loop3A_669, %parallel_loop3A_675 : i32
        %parallel_loop3A_677 = arith.xori %parallel_loop3A_674, %parallel_loop3A_676 : i1
        %parallel_loop3A_678 = arith.andi %parallel_loop3A_677, %parallel_loop3A_672 : i1
        %parallel_loop3A_679 = arith.addi %parallel_loop3A_670, %parallel_loop3A_669 : i32
        %parallel_loop3A_680 = arith.select %parallel_loop3A_678, %parallel_loop3A_679, %parallel_loop3A_670 : i32
        %parallel_loop3A_681 = arith.constant 16 : i32
        %parallel_loop3A_682 = arith.muli %parallel_loop3A_680, %parallel_loop3A_681 : i32
        %parallel_loop3A_683 = arith.constant 512 : i32
        %parallel_loop3A_684 = tpu.memref_slice %arg12[%parallel_loop3A_683] : memref<32768xf32, #tpu.memory_space<vmem>> -> memref<32256xf32, #tpu.memory_space<vmem>>
        %parallel_loop3A_685 = tpu.vector_load_idx %parallel_loop3A_684[%parallel_loop3A_640] : memref<32256xf32, #tpu.memory_space<vmem>>[vector<16xi32>], vector<16xf32>,
        %parallel_loop3A_686 = arith.constant 0 : i32
        %parallel_loop3A_687 = arith.addi %parallel_loop3A_686, %parallel_loop3A_664 : i32
        %parallel_loop3A_688 = arith.index_cast %parallel_loop3A_687 : i32 to index
        %parallel_loop3A_689 = arith.index_cast %parallel_loop3A_682 : i32 to index
        %parallel_loop3A_690 = tpu.vector_load %arg14[%parallel_loop3A_688, %parallel_loop3A_689] {strides = array<i32>} : memref<128x128xf32, #tpu.memory_space<vmem>>, vector<16xf32>,
        tpu.vector_store %arg14[%parallel_loop3A_688, %parallel_loop3A_689], %parallel_loop3A_685 {strides = array<i32>} : memref<128x128xf32, #tpu.memory_space<vmem>>, vector<16xf32>,
        %parallel_loop3A_691 = arith.constant 640 : i32
        %parallel_loop3A_692 = tpu.memref_slice %arg12[%parallel_loop3A_691] : memref<32768xf32, #tpu.memory_space<vmem>> -> memref<32128xf32, #tpu.memory_space<vmem>>
        %parallel_loop3A_693 = tpu.vector_load_idx %parallel_loop3A_692[%parallel_loop3A_640] : memref<32128xf32, #tpu.memory_space<vmem>>[vector<16xi32>], vector<16xf32>,
        %parallel_loop3A_694 = arith.constant 32 : i32
        %parallel_loop3A_695 = arith.addi %parallel_loop3A_694, %parallel_loop3A_664 : i32
        %parallel_loop3A_696 = arith.index_cast %parallel_loop3A_695 : i32 to index
        %parallel_loop3A_697 = arith.index_cast %parallel_loop3A_682 : i32 to index
        %parallel_loop3A_698 = tpu.vector_load %arg14[%parallel_loop3A_696, %parallel_loop3A_697] {strides = array<i32>} : memref<128x128xf32, #tpu.memory_space<vmem>>, vector<16xf32>,
        tpu.vector_store %arg14[%parallel_loop3A_696, %parallel_loop3A_697], %parallel_loop3A_693 {strides = array<i32>} : memref<128x128xf32, #tpu.memory_space<vmem>>, vector<16xf32>,
        %parallel_loop3A_699 = arith.constant 768 : i32
        %parallel_loop3A_700 = tpu.memref_slice %arg12[%parallel_loop3A_699] : memref<32768xf32, #tpu.memory_space<vmem>> -> memref<32000xf32, #tpu.memory_space<vmem>>
        %parallel_loop3A_701 = tpu.vector_load_idx %parallel_loop3A_700[%parallel_loop3A_640] : memref<32000xf32, #tpu.memory_space<vmem>>[vector<16xi32>], vector<16xf32>,
        %parallel_loop3A_702 = arith.constant 64 : i32
        %parallel_loop3A_703 = arith.addi %parallel_loop3A_702, %parallel_loop3A_664 : i32
        %parallel_loop3A_704 = arith.index_cast %parallel_loop3A_703 : i32 to index
        %parallel_loop3A_705 = arith.index_cast %parallel_loop3A_682 : i32 to index
        %parallel_loop3A_706 = tpu.vector_load %arg14[%parallel_loop3A_704, %parallel_loop3A_705] {strides = array<i32>} : memref<128x128xf32, #tpu.memory_space<vmem>>, vector<16xf32>,
        tpu.vector_store %arg14[%parallel_loop3A_704, %parallel_loop3A_705], %parallel_loop3A_701 {strides = array<i32>} : memref<128x128xf32, #tpu.memory_space<vmem>>, vector<16xf32>,
        %parallel_loop3A_707 = arith.constant 896 : i32
        %parallel_loop3A_708 = tpu.memref_slice %arg12[%parallel_loop3A_707] : memref<32768xf32, #tpu.memory_space<vmem>> -> memref<31872xf32, #tpu.memory_space<vmem>>
        %parallel_loop3A_709 = tpu.vector_load_idx %parallel_loop3A_708[%parallel_loop3A_640] : memref<31872xf32, #tpu.memory_space<vmem>>[vector<16xi32>], vector<16xf32>,
        %parallel_loop3A_710 = arith.constant 96 : i32
        %parallel_loop3A_711 = arith.addi %parallel_loop3A_710, %parallel_loop3A_664 : i32
        %parallel_loop3A_712 = arith.index_cast %parallel_loop3A_711 : i32 to index
        %parallel_loop3A_713 = arith.index_cast %parallel_loop3A_682 : i32 to index
        %parallel_loop3A_714 = tpu.vector_load %arg14[%parallel_loop3A_712, %parallel_loop3A_713] {strides = array<i32>} : memref<128x128xf32, #tpu.memory_space<vmem>>, vector<16xf32>,
        tpu.vector_store %arg14[%parallel_loop3A_712, %parallel_loop3A_713], %parallel_loop3A_709 {strides = array<i32>} : memref<128x128xf32, #tpu.memory_space<vmem>>, vector<16xf32>,
      } {sc.loop_unroll_factor = 8 : i64, sc.parallel_access}
      %mul3A_545 = arith.constant 8 : i32
      %mul3A_546 = arith.muli %add3A_437, %mul3A_545 : i32
      %add3A_547 = arith.addi %mul3A_50, %mul3A_546 : i32
      %add3A_548 = arith.constant 4 : i32
      %add3A_549 = arith.addi %add3A_547, %add3A_548 : i32
      %add3A_550 = arith.constant 0 : i32
      %add3A_551 = arith.addi %add3A_549, %add3A_550 : i32
      %dma_start3A_552 = arith.constant 0 : i32
      %dma_start3A_553 = arith.constant 0 : i32
      %dma_start3A_554 = tpu.memref_slice %arg14[%dma_start3A_552, %dma_start3A_553] : memref<128x128xf32, #tpu.memory_space<vmem>> -> memref<32x128xf32, #tpu.memory_space<vmem>>
      %dma_start3A_555 = arith.constant 0 : i32
      %dma_start3A_556 = arith.constant 0 : i32
      %dma_start3A_557 = tpu.memref_slice %arg7[%select_n3A, %add3A_551, %dma_start3A_555, %dma_start3A_556] : memref<16x256x32x128xf32, #tpu.memory_space<hbm>> -> memref<1x1x32x128xf32, #tpu.memory_space<hbm>>
      %dma_start3A_558 = tpu.memref_squeeze %dma_start3A_557 : memref<1x1x32x128xf32, #tpu.memory_space<hbm>> -> memref<32x128xf32, #tpu.memory_space<hbm>>
      %dma_start3A_559 = arith.constant 0 : i32
      %dma_start3A_560 = arith.constant 0 : i32
      %dma_start3A_561 = tpu.memref_slice %arg7[%select_n3A, %add3A_551, %dma_start3A_559, %dma_start3A_560] : memref<16x256x32x128xf32, #tpu.memory_space<hbm>> -> memref<1x1x32x128xf32, #tpu.memory_space<hbm>>
      %dma_start3A_562 = tpu.memref_squeeze %dma_start3A_561 : memref<1x1x32x128xf32, #tpu.memory_space<hbm>> -> memref<32x128xf32, #tpu.memory_space<hbm>>
      %dma_start3A_563 = arith.constant 0 : i32
      %dma_start3A_564 = arith.constant 0 : i32
      %dma_start3A_565 = tpu.memref_slice %arg14[%dma_start3A_563, %dma_start3A_564] : memref<128x128xf32, #tpu.memory_space<vmem>> -> memref<32x128xf32, #tpu.memory_space<vmem>>
      tpu.enqueue_dma source(%dma_start3A_565 : memref<32x128xf32, #tpu.memory_space<vmem>>) target(%dma_start3A_562 : memref<32x128xf32, #tpu.memory_space<hbm>>) target_semaphore(%arg20 : memref<!tpu.dma_semaphore, #tpu.memory_space<semaphore_mem>>)
      %mul3A_566 = arith.constant 8 : i32
      %mul3A_567 = arith.muli %add3A_437, %mul3A_566 : i32
      %add3A_568 = arith.addi %mul3A_50, %mul3A_567 : i32
      %add3A_569 = arith.constant 4 : i32
      %add3A_570 = arith.addi %add3A_568, %add3A_569 : i32
      %add3A_571 = arith.constant 1 : i32
      %add3A_572 = arith.addi %add3A_570, %add3A_571 : i32
      %dma_start3A_573 = arith.constant 32 : i32
      %dma_start3A_574 = arith.constant 0 : i32
      %dma_start3A_575 = tpu.memref_slice %arg14[%dma_start3A_573, %dma_start3A_574] : memref<128x128xf32, #tpu.memory_space<vmem>> -> memref<32x128xf32, #tpu.memory_space<vmem>>
      %dma_start3A_576 = arith.constant 0 : i32
      %dma_start3A_577 = arith.constant 0 : i32
      %dma_start3A_578 = tpu.memref_slice %arg7[%select_n3A, %add3A_572, %dma_start3A_576, %dma_start3A_577] : memref<16x256x32x128xf32, #tpu.memory_space<hbm>> -> memref<1x1x32x128xf32, #tpu.memory_space<hbm>>
      %dma_start3A_579 = tpu.memref_squeeze %dma_start3A_578 : memref<1x1x32x128xf32, #tpu.memory_space<hbm>> -> memref<32x128xf32, #tpu.memory_space<hbm>>
      %dma_start3A_580 = arith.constant 0 : i32
      %dma_start3A_581 = arith.constant 0 : i32
      %dma_start3A_582 = tpu.memref_slice %arg7[%select_n3A, %add3A_572, %dma_start3A_580, %dma_start3A_581] : memref<16x256x32x128xf32, #tpu.memory_space<hbm>> -> memref<1x1x32x128xf32, #tpu.memory_space<hbm>>
      %dma_start3A_583 = tpu.memref_squeeze %dma_start3A_582 : memref<1x1x32x128xf32, #tpu.memory_space<hbm>> -> memref<32x128xf32, #tpu.memory_space<hbm>>
      %dma_start3A_584 = arith.constant 32 : i32
      %dma_start3A_585 = arith.constant 0 : i32
      %dma_start3A_586 = tpu.memref_slice %arg14[%dma_start3A_584, %dma_start3A_585] : memref<128x128xf32, #tpu.memory_space<vmem>> -> memref<32x128xf32, #tpu.memory_space<vmem>>
      tpu.enqueue_dma source(%dma_start3A_586 : memref<32x128xf32, #tpu.memory_space<vmem>>) target(%dma_start3A_583 : memref<32x128xf32, #tpu.memory_space<hbm>>) target_semaphore(%arg20 : memref<!tpu.dma_semaphore, #tpu.memory_space<semaphore_mem>>)
      %mul3A_587 = arith.constant 8 : i32
      %mul3A_588 = arith.muli %add3A_437, %mul3A_587 : i32
      %add3A_589 = arith.addi %mul3A_50, %mul3A_588 : i32
      %add3A_590 = arith.constant 4 : i32
      %add3A_591 = arith.addi %add3A_589, %add3A_590 : i32
      %add3A_592 = arith.constant 2 : i32
      %add3A_593 = arith.addi %add3A_591, %add3A_592 : i32
      %dma_start3A_594 = arith.constant 64 : i32
      %dma_start3A_595 = arith.constant 0 : i32
      %dma_start3A_596 = tpu.memref_slice %arg14[%dma_start3A_594, %dma_start3A_595] : memref<128x128xf32, #tpu.memory_space<vmem>> -> memref<32x128xf32, #tpu.memory_space<vmem>>
      %dma_start3A_597 = arith.constant 0 : i32
      %dma_start3A_598 = arith.constant 0 : i32
      %dma_start3A_599 = tpu.memref_slice %arg7[%select_n3A, %add3A_593, %dma_start3A_597, %dma_start3A_598] : memref<16x256x32x128xf32, #tpu.memory_space<hbm>> -> memref<1x1x32x128xf32, #tpu.memory_space<hbm>>
      %dma_start3A_600 = tpu.memref_squeeze %dma_start3A_599 : memref<1x1x32x128xf32, #tpu.memory_space<hbm>> -> memref<32x128xf32, #tpu.memory_space<hbm>>
      %dma_start3A_601 = arith.constant 0 : i32
      %dma_start3A_602 = arith.constant 0 : i32
      %dma_start3A_603 = tpu.memref_slice %arg7[%select_n3A, %add3A_593, %dma_start3A_601, %dma_start3A_602] : memref<16x256x32x128xf32, #tpu.memory_space<hbm>> -> memref<1x1x32x128xf32, #tpu.memory_space<hbm>>
      %dma_start3A_604 = tpu.memref_squeeze %dma_start3A_603 : memref<1x1x32x128xf32, #tpu.memory_space<hbm>> -> memref<32x128xf32, #tpu.memory_space<hbm>>
      %dma_start3A_605 = arith.constant 64 : i32
      %dma_start3A_606 = arith.constant 0 : i32
      %dma_start3A_607 = tpu.memref_slice %arg14[%dma_start3A_605, %dma_start3A_606] : memref<128x128xf32, #tpu.memory_space<vmem>> -> memref<32x128xf32, #tpu.memory_space<vmem>>
      tpu.enqueue_dma source(%dma_start3A_607 : memref<32x128xf32, #tpu.memory_space<vmem>>) target(%dma_start3A_604 : memref<32x128xf32, #tpu.memory_space<hbm>>) target_semaphore(%arg20 : memref<!tpu.dma_semaphore, #tpu.memory_space<semaphore_mem>>)
      %mul3A_608 = arith.constant 8 : i32
      %mul3A_609 = arith.muli %add3A_437, %mul3A_608 : i32
      %add3A_610 = arith.addi %mul3A_50, %mul3A_609 : i32
      %add3A_611 = arith.constant 4 : i32
      %add3A_612 = arith.addi %add3A_610, %add3A_611 : i32
      %add3A_613 = arith.constant 3 : i32
      %add3A_614 = arith.addi %add3A_612, %add3A_613 : i32
      %dma_start3A_615 = arith.constant 96 : i32
      %dma_start3A_616 = arith.constant 0 : i32
      %dma_start3A_617 = tpu.memref_slice %arg14[%dma_start3A_615, %dma_start3A_616] : memref<128x128xf32, #tpu.memory_space<vmem>> -> memref<32x128xf32, #tpu.memory_space<vmem>>
      %dma_start3A_618 = arith.constant 0 : i32
      %dma_start3A_619 = arith.constant 0 : i32
      %dma_start3A_620 = tpu.memref_slice %arg7[%select_n3A, %add3A_614, %dma_start3A_618, %dma_start3A_619] : memref<16x256x32x128xf32, #tpu.memory_space<hbm>> -> memref<1x1x32x128xf32, #tpu.memory_space<hbm>>
      %dma_start3A_621 = tpu.memref_squeeze %dma_start3A_620 : memref<1x1x32x128xf32, #tpu.memory_space<hbm>> -> memref<32x128xf32, #tpu.memory_space<hbm>>
      %dma_start3A_622 = arith.constant 0 : i32
      %dma_start3A_623 = arith.constant 0 : i32
      %dma_start3A_624 = tpu.memref_slice %arg7[%select_n3A, %add3A_614, %dma_start3A_622, %dma_start3A_623] : memref<16x256x32x128xf32, #tpu.memory_space<hbm>> -> memref<1x1x32x128xf32, #tpu.memory_space<hbm>>
      %dma_start3A_625 = tpu.memref_squeeze %dma_start3A_624 : memref<1x1x32x128xf32, #tpu.memory_space<hbm>> -> memref<32x128xf32, #tpu.memory_space<hbm>>
      %dma_start3A_626 = arith.constant 96 : i32
      %dma_start3A_627 = arith.constant 0 : i32
      %dma_start3A_628 = tpu.memref_slice %arg14[%dma_start3A_626, %dma_start3A_627] : memref<128x128xf32, #tpu.memory_space<vmem>> -> memref<32x128xf32, #tpu.memory_space<vmem>>
      tpu.enqueue_dma source(%dma_start3A_628 : memref<32x128xf32, #tpu.memory_space<vmem>>) target(%dma_start3A_625 : memref<32x128xf32, #tpu.memory_space<hbm>>) target_semaphore(%arg20 : memref<!tpu.dma_semaphore, #tpu.memory_space<semaphore_mem>>)
      %add3A_629 = arith.constant 2 : i32
      %add3A_630 = arith.addi %add3A_437, %add3A_629 : i32
      %lt3A_631 = arith.constant 16 : i32
      %lt3A_632 = arith.cmpi slt, %add3A_630, %lt3A_631 : i32
      %convert_element_type3A_633 = arith.extui %lt3A_632 : i1 to i32
      %cond3A_634 = arith.constant 0 : i32
      %cond3A_635 = arith.cmpi ne, %convert_element_type3A_633, %cond3A_634 : i32
      scf.if %cond3A_635 {
        %add3A_636 = arith.constant 2 : i32
        %add3A_637 = arith.addi %add3A_437, %add3A_636 : i32
        %add3A_638 = arith.addi %mul3A_32, %add3A_637 : i32
        %dma_start3A_639 = arith.constant 0 : i32
        %dma_start3A_640 = tpu.memref_slice %arg2[%select_n3A, %add3A_638, %dma_start3A_639] : memref<16x32x32768xf32, #tpu.memory_space<hbm>> -> memref<1x1x32768xf32, #tpu.memory_space<hbm>>
        %dma_start3A_641 = tpu.memref_squeeze %dma_start3A_640 : memref<1x1x32768xf32, #tpu.memory_space<hbm>> -> memref<32768xf32, #tpu.memory_space<hbm>>
        %dma_start3A_642 = arith.constant 0 : i32
        %dma_start3A_643 = tpu.memref_slice %arg2[%select_n3A, %add3A_638, %dma_start3A_642] : memref<16x32x32768xf32, #tpu.memory_space<hbm>> -> memref<1x1x32768xf32, #tpu.memory_space<hbm>>
        %dma_start3A_644 = tpu.memref_squeeze %dma_start3A_643 : memref<1x1x32768xf32, #tpu.memory_space<hbm>> -> memref<32768xf32, #tpu.memory_space<hbm>>
        tpu.enqueue_dma source(%dma_start3A_644 : memref<32768xf32, #tpu.memory_space<hbm>>) target(%arg12 : memref<32768xf32, #tpu.memory_space<vmem>>) target_semaphore(%arg18 : memref<!tpu.dma_semaphore, #tpu.memory_space<semaphore_mem>>)
      } else {
      }
    }
    %scan3A_70 = arith.constant 8 : i32
    %add3A_71 = arith.constant 120 : i32
    %add3A_72 = arith.addi %mul3A_50, %add3A_71 : i32
    %add3A_73 = arith.constant 0 : i32
    %add3A_74 = arith.addi %add3A_72, %add3A_73 : i32
    %add3A_75 = arith.constant 0 : i32
    %add3A_76 = arith.addi %add3A_74, %add3A_75 : i32
    %dma_wait3A = arith.constant 0 : i32
    %dma_wait3A_77 = arith.constant 0 : i32
    %dma_wait3A_78 = tpu.memref_slice %arg13[%dma_wait3A, %dma_wait3A_77] : memref<128x128xf32, #tpu.memory_space<vmem>> -> memref<32x128xf32, #tpu.memory_space<vmem>>
    %dma_wait3A_79 = arith.constant 0 : i32
    %dma_wait3A_80 = arith.constant 0 : i32
    %dma_wait3A_81 = tpu.memref_slice %arg7[%select_n3A, %add3A_76, %dma_wait3A_79, %dma_wait3A_80] : memref<16x256x32x128xf32, #tpu.memory_space<hbm>> -> memref<1x1x32x128xf32, #tpu.memory_space<hbm>>
    %dma_wait3A_82 = tpu.memref_squeeze %dma_wait3A_81 : memref<1x1x32x128xf32, #tpu.memory_space<hbm>> -> memref<32x128xf32, #tpu.memory_space<hbm>>
    %dma_wait3A_83 = arith.constant 0 : i32
    %dma_wait3A_84 = arith.constant 0 : i32
    %dma_wait3A_85 = tpu.memref_slice %arg7[%select_n3A, %add3A_76, %dma_wait3A_83, %dma_wait3A_84] : memref<16x256x32x128xf32, #tpu.memory_space<hbm>> -> memref<1x1x32x128xf32, #tpu.memory_space<hbm>>
    %dma_wait3A_86 = tpu.memref_squeeze %dma_wait3A_85 : memref<1x1x32x128xf32, #tpu.memory_space<hbm>> -> memref<32x128xf32, #tpu.memory_space<hbm>>
    %dma_wait3A_87 = arith.constant 0 : i32
    %dma_wait3A_88 = arith.constant 0 : i32
    %dma_wait3A_89 = tpu.memref_slice %arg13[%dma_wait3A_87, %dma_wait3A_88] : memref<128x128xf32, #tpu.memory_space<vmem>> -> memref<32x128xf32, #tpu.memory_space<vmem>>
    tpu.wait_dma2 semaphore(%arg19 : memref<!tpu.dma_semaphore, #tpu.memory_space<semaphore_mem>>) src(%dma_wait3A_89 : memref<32x128xf32, #tpu.memory_space<vmem>>) dst(%dma_wait3A_86 : memref<32x128xf32, #tpu.memory_space<hbm>>)
    %add3A_90 = arith.constant 120 : i32
    %add3A_91 = arith.addi %mul3A_50, %add3A_90 : i32
    %add3A_92 = arith.constant 0 : i32
    %add3A_93 = arith.addi %add3A_91, %add3A_92 : i32
    %add3A_94 = arith.constant 1 : i32
    %add3A_95 = arith.addi %add3A_93, %add3A_94 : i32
    %dma_wait3A_96 = arith.constant 32 : i32
    %dma_wait3A_97 = arith.constant 0 : i32
    %dma_wait3A_98 = tpu.memref_slice %arg13[%dma_wait3A_96, %dma_wait3A_97] : memref<128x128xf32, #tpu.memory_space<vmem>> -> memref<32x128xf32, #tpu.memory_space<vmem>>
    %dma_wait3A_99 = arith.constant 0 : i32
    %dma_wait3A_100 = arith.constant 0 : i32
    %dma_wait3A_101 = tpu.memref_slice %arg7[%select_n3A, %add3A_95, %dma_wait3A_99, %dma_wait3A_100] : memref<16x256x32x128xf32, #tpu.memory_space<hbm>> -> memref<1x1x32x128xf32, #tpu.memory_space<hbm>>
    %dma_wait3A_102 = tpu.memref_squeeze %dma_wait3A_101 : memref<1x1x32x128xf32, #tpu.memory_space<hbm>> -> memref<32x128xf32, #tpu.memory_space<hbm>>
    %dma_wait3A_103 = arith.constant 0 : i32
    %dma_wait3A_104 = arith.constant 0 : i32
    %dma_wait3A_105 = tpu.memref_slice %arg7[%select_n3A, %add3A_95, %dma_wait3A_103, %dma_wait3A_104] : memref<16x256x32x128xf32, #tpu.memory_space<hbm>> -> memref<1x1x32x128xf32, #tpu.memory_space<hbm>>
    %dma_wait3A_106 = tpu.memref_squeeze %dma_wait3A_105 : memref<1x1x32x128xf32, #tpu.memory_space<hbm>> -> memref<32x128xf32, #tpu.memory_space<hbm>>
    %dma_wait3A_107 = arith.constant 32 : i32
    %dma_wait3A_108 = arith.constant 0 : i32
    %dma_wait3A_109 = tpu.memref_slice %arg13[%dma_wait3A_107, %dma_wait3A_108] : memref<128x128xf32, #tpu.memory_space<vmem>> -> memref<32x128xf32, #tpu.memory_space<vmem>>
    tpu.wait_dma2 semaphore(%arg19 : memref<!tpu.dma_semaphore, #tpu.memory_space<semaphore_mem>>) src(%dma_wait3A_109 : memref<32x128xf32, #tpu.memory_space<vmem>>) dst(%dma_wait3A_106 : memref<32x128xf32, #tpu.memory_space<hbm>>)
    %add3A_110 = arith.constant 120 : i32
    %add3A_111 = arith.addi %mul3A_50, %add3A_110 : i32
    %add3A_112 = arith.constant 0 : i32
    %add3A_113 = arith.addi %add3A_111, %add3A_112 : i32
    %add3A_114 = arith.constant 2 : i32
    %add3A_115 = arith.addi %add3A_113, %add3A_114 : i32
    %dma_wait3A_116 = arith.constant 64 : i32
    %dma_wait3A_117 = arith.constant 0 : i32
    %dma_wait3A_118 = tpu.memref_slice %arg13[%dma_wait3A_116, %dma_wait3A_117] : memref<128x128xf32, #tpu.memory_space<vmem>> -> memref<32x128xf32, #tpu.memory_space<vmem>>
    %dma_wait3A_119 = arith.constant 0 : i32
    %dma_wait3A_120 = arith.constant 0 : i32
    %dma_wait3A_121 = tpu.memref_slice %arg7[%select_n3A, %add3A_115, %dma_wait3A_119, %dma_wait3A_120] : memref<16x256x32x128xf32, #tpu.memory_space<hbm>> -> memref<1x1x32x128xf32, #tpu.memory_space<hbm>>
    %dma_wait3A_122 = tpu.memref_squeeze %dma_wait3A_121 : memref<1x1x32x128xf32, #tpu.memory_space<hbm>> -> memref<32x128xf32, #tpu.memory_space<hbm>>
    %dma_wait3A_123 = arith.constant 0 : i32
    %dma_wait3A_124 = arith.constant 0 : i32
    %dma_wait3A_125 = tpu.memref_slice %arg7[%select_n3A, %add3A_115, %dma_wait3A_123, %dma_wait3A_124] : memref<16x256x32x128xf32, #tpu.memory_space<hbm>> -> memref<1x1x32x128xf32, #tpu.memory_space<hbm>>
    %dma_wait3A_126 = tpu.memref_squeeze %dma_wait3A_125 : memref<1x1x32x128xf32, #tpu.memory_space<hbm>> -> memref<32x128xf32, #tpu.memory_space<hbm>>
    %dma_wait3A_127 = arith.constant 64 : i32
    %dma_wait3A_128 = arith.constant 0 : i32
    %dma_wait3A_129 = tpu.memref_slice %arg13[%dma_wait3A_127, %dma_wait3A_128] : memref<128x128xf32, #tpu.memory_space<vmem>> -> memref<32x128xf32, #tpu.memory_space<vmem>>
    tpu.wait_dma2 semaphore(%arg19 : memref<!tpu.dma_semaphore, #tpu.memory_space<semaphore_mem>>) src(%dma_wait3A_129 : memref<32x128xf32, #tpu.memory_space<vmem>>) dst(%dma_wait3A_126 : memref<32x128xf32, #tpu.memory_space<hbm>>)
    %add3A_130 = arith.constant 120 : i32
    %add3A_131 = arith.addi %mul3A_50, %add3A_130 : i32
    %add3A_132 = arith.constant 0 : i32
    %add3A_133 = arith.addi %add3A_131, %add3A_132 : i32
    %add3A_134 = arith.constant 3 : i32
    %add3A_135 = arith.addi %add3A_133, %add3A_134 : i32
    %dma_wait3A_136 = arith.constant 96 : i32
    %dma_wait3A_137 = arith.constant 0 : i32
    %dma_wait3A_138 = tpu.memref_slice %arg13[%dma_wait3A_136, %dma_wait3A_137] : memref<128x128xf32, #tpu.memory_space<vmem>> -> memref<32x128xf32, #tpu.memory_space<vmem>>
    %dma_wait3A_139 = arith.constant 0 : i32
    %dma_wait3A_140 = arith.constant 0 : i32
    %dma_wait3A_141 = tpu.memref_slice %arg7[%select_n3A, %add3A_135, %dma_wait3A_139, %dma_wait3A_140] : memref<16x256x32x128xf32, #tpu.memory_space<hbm>> -> memref<1x1x32x128xf32, #tpu.memory_space<hbm>>
    %dma_wait3A_142 = tpu.memref_squeeze %dma_wait3A_141 : memref<1x1x32x128xf32, #tpu.memory_space<hbm>> -> memref<32x128xf32, #tpu.memory_space<hbm>>
    %dma_wait3A_143 = arith.constant 0 : i32
    %dma_wait3A_144 = arith.constant 0 : i32
    %dma_wait3A_145 = tpu.memref_slice %arg7[%select_n3A, %add3A_135, %dma_wait3A_143, %dma_wait3A_144] : memref<16x256x32x128xf32, #tpu.memory_space<hbm>> -> memref<1x1x32x128xf32, #tpu.memory_space<hbm>>
    %dma_wait3A_146 = tpu.memref_squeeze %dma_wait3A_145 : memref<1x1x32x128xf32, #tpu.memory_space<hbm>> -> memref<32x128xf32, #tpu.memory_space<hbm>>
    %dma_wait3A_147 = arith.constant 96 : i32
    %dma_wait3A_148 = arith.constant 0 : i32
    %dma_wait3A_149 = tpu.memref_slice %arg13[%dma_wait3A_147, %dma_wait3A_148] : memref<128x128xf32, #tpu.memory_space<vmem>> -> memref<32x128xf32, #tpu.memory_space<vmem>>
    tpu.wait_dma2 semaphore(%arg19 : memref<!tpu.dma_semaphore, #tpu.memory_space<semaphore_mem>>) src(%dma_wait3A_149 : memref<32x128xf32, #tpu.memory_space<vmem>>) dst(%dma_wait3A_146 : memref<32x128xf32, #tpu.memory_space<hbm>>)
    %add3A_150 = arith.constant 120 : i32
    %add3A_151 = arith.addi %mul3A_50, %add3A_150 : i32
    %add3A_152 = arith.constant 4 : i32
    %add3A_153 = arith.addi %add3A_151, %add3A_152 : i32
    %add3A_154 = arith.constant 0 : i32
    %add3A_155 = arith.addi %add3A_153, %add3A_154 : i32
    %dma_wait3A_156 = arith.constant 0 : i32
    %dma_wait3A_157 = arith.constant 0 : i32
    %dma_wait3A_158 = tpu.memref_slice %arg14[%dma_wait3A_156, %dma_wait3A_157] : memref<128x128xf32, #tpu.memory_space<vmem>> -> memref<32x128xf32, #tpu.memory_space<vmem>>
    %dma_wait3A_159 = arith.constant 0 : i32
    %dma_wait3A_160 = arith.constant 0 : i32
    %dma_wait3A_161 = tpu.memref_slice %arg7[%select_n3A, %add3A_155, %dma_wait3A_159, %dma_wait3A_160] : memref<16x256x32x128xf32, #tpu.memory_space<hbm>> -> memref<1x1x32x128xf32, #tpu.memory_space<hbm>>
    %dma_wait3A_162 = tpu.memref_squeeze %dma_wait3A_161 : memref<1x1x32x128xf32, #tpu.memory_space<hbm>> -> memref<32x128xf32, #tpu.memory_space<hbm>>
    %dma_wait3A_163 = arith.constant 0 : i32
    %dma_wait3A_164 = arith.constant 0 : i32
    %dma_wait3A_165 = tpu.memref_slice %arg7[%select_n3A, %add3A_155, %dma_wait3A_163, %dma_wait3A_164] : memref<16x256x32x128xf32, #tpu.memory_space<hbm>> -> memref<1x1x32x128xf32, #tpu.memory_space<hbm>>
    %dma_wait3A_166 = tpu.memref_squeeze %dma_wait3A_165 : memref<1x1x32x128xf32, #tpu.memory_space<hbm>> -> memref<32x128xf32, #tpu.memory_space<hbm>>
    %dma_wait3A_167 = arith.constant 0 : i32
    %dma_wait3A_168 = arith.constant 0 : i32
    %dma_wait3A_169 = tpu.memref_slice %arg14[%dma_wait3A_167, %dma_wait3A_168] : memref<128x128xf32, #tpu.memory_space<vmem>> -> memref<32x128xf32, #tpu.memory_space<vmem>>
    tpu.wait_dma2 semaphore(%arg20 : memref<!tpu.dma_semaphore, #tpu.memory_space<semaphore_mem>>) src(%dma_wait3A_169 : memref<32x128xf32, #tpu.memory_space<vmem>>) dst(%dma_wait3A_166 : memref<32x128xf32, #tpu.memory_space<hbm>>)
    %add3A_170 = arith.constant 120 : i32
    %add3A_171 = arith.addi %mul3A_50, %add3A_170 : i32
    %add3A_172 = arith.constant 4 : i32
    %add3A_173 = arith.addi %add3A_171, %add3A_172 : i32
    %add3A_174 = arith.constant 1 : i32
    %add3A_175 = arith.addi %add3A_173, %add3A_174 : i32
    %dma_wait3A_176 = arith.constant 32 : i32
    %dma_wait3A_177 = arith.constant 0 : i32
    %dma_wait3A_178 = tpu.memref_slice %arg14[%dma_wait3A_176, %dma_wait3A_177] : memref<128x128xf32, #tpu.memory_space<vmem>> -> memref<32x128xf32, #tpu.memory_space<vmem>>
    %dma_wait3A_179 = arith.constant 0 : i32
    %dma_wait3A_180 = arith.constant 0 : i32
    %dma_wait3A_181 = tpu.memref_slice %arg7[%select_n3A, %add3A_175, %dma_wait3A_179, %dma_wait3A_180] : memref<16x256x32x128xf32, #tpu.memory_space<hbm>> -> memref<1x1x32x128xf32, #tpu.memory_space<hbm>>
    %dma_wait3A_182 = tpu.memref_squeeze %dma_wait3A_181 : memref<1x1x32x128xf32, #tpu.memory_space<hbm>> -> memref<32x128xf32, #tpu.memory_space<hbm>>
    %dma_wait3A_183 = arith.constant 0 : i32
    %dma_wait3A_184 = arith.constant 0 : i32
    %dma_wait3A_185 = tpu.memref_slice %arg7[%select_n3A, %add3A_175, %dma_wait3A_183, %dma_wait3A_184] : memref<16x256x32x128xf32, #tpu.memory_space<hbm>> -> memref<1x1x32x128xf32, #tpu.memory_space<hbm>>
    %dma_wait3A_186 = tpu.memref_squeeze %dma_wait3A_185 : memref<1x1x32x128xf32, #tpu.memory_space<hbm>> -> memref<32x128xf32, #tpu.memory_space<hbm>>
    %dma_wait3A_187 = arith.constant 32 : i32
    %dma_wait3A_188 = arith.constant 0 : i32
    %dma_wait3A_189 = tpu.memref_slice %arg14[%dma_wait3A_187, %dma_wait3A_188] : memref<128x128xf32, #tpu.memory_space<vmem>> -> memref<32x128xf32, #tpu.memory_space<vmem>>
    tpu.wait_dma2 semaphore(%arg20 : memref<!tpu.dma_semaphore, #tpu.memory_space<semaphore_mem>>) src(%dma_wait3A_189 : memref<32x128xf32, #tpu.memory_space<vmem>>) dst(%dma_wait3A_186 : memref<32x128xf32, #tpu.memory_space<hbm>>)
    %add3A_190 = arith.constant 120 : i32
    %add3A_191 = arith.addi %mul3A_50, %add3A_190 : i32
    %add3A_192 = arith.constant 4 : i32
    %add3A_193 = arith.addi %add3A_191, %add3A_192 : i32
    %add3A_194 = arith.constant 2 : i32
    %add3A_195 = arith.addi %add3A_193, %add3A_194 : i32
    %dma_wait3A_196 = arith.constant 64 : i32
    %dma_wait3A_197 = arith.constant 0 : i32
    %dma_wait3A_198 = tpu.memref_slice %arg14[%dma_wait3A_196, %dma_wait3A_197] : memref<128x128xf32, #tpu.memory_space<vmem>> -> memref<32x128xf32, #tpu.memory_space<vmem>>
    %dma_wait3A_199 = arith.constant 0 : i32
    %dma_wait3A_200 = arith.constant 0 : i32
    %dma_wait3A_201 = tpu.memref_slice %arg7[%select_n3A, %add3A_195, %dma_wait3A_199, %dma_wait3A_200] : memref<16x256x32x128xf32, #tpu.memory_space<hbm>> -> memref<1x1x32x128xf32, #tpu.memory_space<hbm>>
    %dma_wait3A_202 = tpu.memref_squeeze %dma_wait3A_201 : memref<1x1x32x128xf32, #tpu.memory_space<hbm>> -> memref<32x128xf32, #tpu.memory_space<hbm>>
    %dma_wait3A_203 = arith.constant 0 : i32
    %dma_wait3A_204 = arith.constant 0 : i32
    %dma_wait3A_205 = tpu.memref_slice %arg7[%select_n3A, %add3A_195, %dma_wait3A_203, %dma_wait3A_204] : memref<16x256x32x128xf32, #tpu.memory_space<hbm>> -> memref<1x1x32x128xf32, #tpu.memory_space<hbm>>
    %dma_wait3A_206 = tpu.memref_squeeze %dma_wait3A_205 : memref<1x1x32x128xf32, #tpu.memory_space<hbm>> -> memref<32x128xf32, #tpu.memory_space<hbm>>
    %dma_wait3A_207 = arith.constant 64 : i32
    %dma_wait3A_208 = arith.constant 0 : i32
    %dma_wait3A_209 = tpu.memref_slice %arg14[%dma_wait3A_207, %dma_wait3A_208] : memref<128x128xf32, #tpu.memory_space<vmem>> -> memref<32x128xf32, #tpu.memory_space<vmem>>
    tpu.wait_dma2 semaphore(%arg20 : memref<!tpu.dma_semaphore, #tpu.memory_space<semaphore_mem>>) src(%dma_wait3A_209 : memref<32x128xf32, #tpu.memory_space<vmem>>) dst(%dma_wait3A_206 : memref<32x128xf32, #tpu.memory_space<hbm>>)
    %add3A_210 = arith.constant 120 : i32
    %add3A_211 = arith.addi %mul3A_50, %add3A_210 : i32
    %add3A_212 = arith.constant 4 : i32
    %add3A_213 = arith.addi %add3A_211, %add3A_212 : i32
    %add3A_214 = arith.constant 3 : i32
    %add3A_215 = arith.addi %add3A_213, %add3A_214 : i32
    %dma_wait3A_216 = arith.constant 96 : i32
    %dma_wait3A_217 = arith.constant 0 : i32
    %dma_wait3A_218 = tpu.memref_slice %arg14[%dma_wait3A_216, %dma_wait3A_217] : memref<128x128xf32, #tpu.memory_space<vmem>> -> memref<32x128xf32, #tpu.memory_space<vmem>>
    %dma_wait3A_219 = arith.constant 0 : i32
    %dma_wait3A_220 = arith.constant 0 : i32
    %dma_wait3A_221 = tpu.memref_slice %arg7[%select_n3A, %add3A_215, %dma_wait3A_219, %dma_wait3A_220] : memref<16x256x32x128xf32, #tpu.memory_space<hbm>> -> memref<1x1x32x128xf32, #tpu.memory_space<hbm>>
    %dma_wait3A_222 = tpu.memref_squeeze %dma_wait3A_221 : memref<1x1x32x128xf32, #tpu.memory_space<hbm>> -> memref<32x128xf32, #tpu.memory_space<hbm>>
    %dma_wait3A_223 = arith.constant 0 : i32
    %dma_wait3A_224 = arith.constant 0 : i32
    %dma_wait3A_225 = tpu.memref_slice %arg7[%select_n3A, %add3A_215, %dma_wait3A_223, %dma_wait3A_224] : memref<16x256x32x128xf32, #tpu.memory_space<hbm>> -> memref<1x1x32x128xf32, #tpu.memory_space<hbm>>
    %dma_wait3A_226 = tpu.memref_squeeze %dma_wait3A_225 : memref<1x1x32x128xf32, #tpu.memory_space<hbm>> -> memref<32x128xf32, #tpu.memory_space<hbm>>
    %dma_wait3A_227 = arith.constant 96 : i32
    %dma_wait3A_228 = arith.constant 0 : i32
    %dma_wait3A_229 = tpu.memref_slice %arg14[%dma_wait3A_227, %dma_wait3A_228] : memref<128x128xf32, #tpu.memory_space<vmem>> -> memref<32x128xf32, #tpu.memory_space<vmem>>
    tpu.wait_dma2 semaphore(%arg20 : memref<!tpu.dma_semaphore, #tpu.memory_space<semaphore_mem>>) src(%dma_wait3A_229 : memref<32x128xf32, #tpu.memory_space<vmem>>) dst(%dma_wait3A_226 : memref<32x128xf32, #tpu.memory_space<hbm>>)
    %lt3A_230 = arith.constant 16 : i32
    %lt3A_231 = arith.cmpi slt, %add3A, %lt3A_230 : i32
    %convert_element_type3A = arith.extui %lt3A_231 : i1 to i32
    %cond3A = arith.constant 0 : i32
    %cond3A_232 = arith.cmpi ne, %convert_element_type3A, %cond3A : i32
    scf.if %cond3A_232 {
      %run_scoped3A = arith.constant 0 : i32
      "tpu.region"() ({
        %run_scoped3A_376 = tpu.sem_alloc : memref<!tpu.dma_semaphore, #tpu.memory_space<semaphore_mem>>
        %dma_start3A_377 = arith.constant 0 : i32
        %dma_start3A_378 = tpu.memref_slice %arg11[%dma_start3A_377] : memref<32768xf32, #tpu.memory_space<vmem>> -> memref<4096xf32, #tpu.memory_space<vmem>>
        %dma_start3A_379 = arith.constant 0 : i32
        %dma_start3A_380 = tpu.memref_slice %arg3[%add3A, %run_scoped3A, %dma_start3A_379] : memref<16x3x4096xf32, #tpu.memory_space<hbm>> -> memref<1x1x4096xf32, #tpu.memory_space<hbm>>
        %dma_start3A_381 = tpu.memref_squeeze %dma_start3A_380 : memref<1x1x4096xf32, #tpu.memory_space<hbm>> -> memref<4096xf32, #tpu.memory_space<hbm>>
        %dma_start3A_382 = arith.constant 0 : i32
        %dma_start3A_383 = tpu.memref_slice %arg11[%dma_start3A_382] : memref<32768xf32, #tpu.memory_space<vmem>> -> memref<4096xf32, #tpu.memory_space<vmem>>
        %dma_start3A_384 = arith.constant 0 : i32
        %dma_start3A_385 = tpu.memref_slice %arg3[%add3A, %run_scoped3A, %dma_start3A_384] : memref<16x3x4096xf32, #tpu.memory_space<hbm>> -> memref<1x1x4096xf32, #tpu.memory_space<hbm>>
        %dma_start3A_386 = tpu.memref_squeeze %dma_start3A_385 : memref<1x1x4096xf32, #tpu.memory_space<hbm>> -> memref<4096xf32, #tpu.memory_space<hbm>>
        tpu.enqueue_dma source(%dma_start3A_386 : memref<4096xf32, #tpu.memory_space<hbm>>) target(%dma_start3A_383 : memref<4096xf32, #tpu.memory_space<vmem>>) target_semaphore(%run_scoped3A_376 : memref<!tpu.dma_semaphore, #tpu.memory_space<semaphore_mem>>)
        %dma_wait3A_387 = arith.constant 0 : i32
        %dma_wait3A_388 = tpu.memref_slice %arg11[%dma_wait3A_387] : memref<32768xf32, #tpu.memory_space<vmem>> -> memref<4096xf32, #tpu.memory_space<vmem>>
        %dma_wait3A_389 = arith.constant 0 : i32
        %dma_wait3A_390 = tpu.memref_slice %arg3[%add3A, %run_scoped3A, %dma_wait3A_389] : memref<16x3x4096xf32, #tpu.memory_space<hbm>> -> memref<1x1x4096xf32, #tpu.memory_space<hbm>>
        %dma_wait3A_391 = tpu.memref_squeeze %dma_wait3A_390 : memref<1x1x4096xf32, #tpu.memory_space<hbm>> -> memref<4096xf32, #tpu.memory_space<hbm>>
        %dma_wait3A_392 = arith.constant 0 : i32
        %dma_wait3A_393 = tpu.memref_slice %arg11[%dma_wait3A_392] : memref<32768xf32, #tpu.memory_space<vmem>> -> memref<4096xf32, #tpu.memory_space<vmem>>
        %dma_wait3A_394 = arith.constant 0 : i32
        %dma_wait3A_395 = tpu.memref_slice %arg3[%add3A, %run_scoped3A, %dma_wait3A_394] : memref<16x3x4096xf32, #tpu.memory_space<hbm>> -> memref<1x1x4096xf32, #tpu.memory_space<hbm>>
        %dma_wait3A_396 = tpu.memref_squeeze %dma_wait3A_395 : memref<1x1x4096xf32, #tpu.memory_space<hbm>> -> memref<4096xf32, #tpu.memory_space<hbm>>
        tpu.wait_dma2 semaphore(%run_scoped3A_376 : memref<!tpu.dma_semaphore, #tpu.memory_space<semaphore_mem>>) src(%dma_wait3A_396 : memref<4096xf32, #tpu.memory_space<hbm>>) dst(%dma_wait3A_393 : memref<4096xf32, #tpu.memory_space<vmem>>)
        tpu.yield
      }) : () -> ()
      %run_scoped3A_233 = arith.constant 1 : i32
      "tpu.region"() ({
        %run_scoped3A_376 = tpu.sem_alloc : memref<!tpu.dma_semaphore, #tpu.memory_space<semaphore_mem>>
        %dma_start3A_377 = arith.constant 4096 : i32
        %dma_start3A_378 = tpu.memref_slice %arg11[%dma_start3A_377] : memref<32768xf32, #tpu.memory_space<vmem>> -> memref<4096xf32, #tpu.memory_space<vmem>>
        %dma_start3A_379 = arith.constant 0 : i32
        %dma_start3A_380 = tpu.memref_slice %arg3[%add3A, %run_scoped3A_233, %dma_start3A_379] : memref<16x3x4096xf32, #tpu.memory_space<hbm>> -> memref<1x1x4096xf32, #tpu.memory_space<hbm>>
        %dma_start3A_381 = tpu.memref_squeeze %dma_start3A_380 : memref<1x1x4096xf32, #tpu.memory_space<hbm>> -> memref<4096xf32, #tpu.memory_space<hbm>>
        %dma_start3A_382 = arith.constant 4096 : i32
        %dma_start3A_383 = tpu.memref_slice %arg11[%dma_start3A_382] : memref<32768xf32, #tpu.memory_space<vmem>> -> memref<4096xf32, #tpu.memory_space<vmem>>
        %dma_start3A_384 = arith.constant 0 : i32
        %dma_start3A_385 = tpu.memref_slice %arg3[%add3A, %run_scoped3A_233, %dma_start3A_384] : memref<16x3x4096xf32, #tpu.memory_space<hbm>> -> memref<1x1x4096xf32, #tpu.memory_space<hbm>>
        %dma_start3A_386 = tpu.memref_squeeze %dma_start3A_385 : memref<1x1x4096xf32, #tpu.memory_space<hbm>> -> memref<4096xf32, #tpu.memory_space<hbm>>
        tpu.enqueue_dma source(%dma_start3A_386 : memref<4096xf32, #tpu.memory_space<hbm>>) target(%dma_start3A_383 : memref<4096xf32, #tpu.memory_space<vmem>>) target_semaphore(%run_scoped3A_376 : memref<!tpu.dma_semaphore, #tpu.memory_space<semaphore_mem>>)
        %dma_wait3A_387 = arith.constant 4096 : i32
        %dma_wait3A_388 = tpu.memref_slice %arg11[%dma_wait3A_387] : memref<32768xf32, #tpu.memory_space<vmem>> -> memref<4096xf32, #tpu.memory_space<vmem>>
        %dma_wait3A_389 = arith.constant 0 : i32
        %dma_wait3A_390 = tpu.memref_slice %arg3[%add3A, %run_scoped3A_233, %dma_wait3A_389] : memref<16x3x4096xf32, #tpu.memory_space<hbm>> -> memref<1x1x4096xf32, #tpu.memory_space<hbm>>
        %dma_wait3A_391 = tpu.memref_squeeze %dma_wait3A_390 : memref<1x1x4096xf32, #tpu.memory_space<hbm>> -> memref<4096xf32, #tpu.memory_space<hbm>>
        %dma_wait3A_392 = arith.constant 4096 : i32
        %dma_wait3A_393 = tpu.memref_slice %arg11[%dma_wait3A_392] : memref<32768xf32, #tpu.memory_space<vmem>> -> memref<4096xf32, #tpu.memory_space<vmem>>
        %dma_wait3A_394 = arith.constant 0 : i32
        %dma_wait3A_395 = tpu.memref_slice %arg3[%add3A, %run_scoped3A_233, %dma_wait3A_394] : memref<16x3x4096xf32, #tpu.memory_space<hbm>> -> memref<1x1x4096xf32, #tpu.memory_space<hbm>>
        %dma_wait3A_396 = tpu.memref_squeeze %dma_wait3A_395 : memref<1x1x4096xf32, #tpu.memory_space<hbm>> -> memref<4096xf32, #tpu.memory_space<hbm>>
        tpu.wait_dma2 semaphore(%run_scoped3A_376 : memref<!tpu.dma_semaphore, #tpu.memory_space<semaphore_mem>>) src(%dma_wait3A_396 : memref<4096xf32, #tpu.memory_space<hbm>>) dst(%dma_wait3A_393 : memref<4096xf32, #tpu.memory_space<vmem>>)
        tpu.yield
      }) : () -> ()
      %run_scoped3A_234 = arith.constant 2 : i32
      "tpu.region"() ({
        %run_scoped3A_376 = tpu.sem_alloc : memref<!tpu.dma_semaphore, #tpu.memory_space<semaphore_mem>>
        %dma_start3A_377 = arith.constant 8192 : i32
        %dma_start3A_378 = tpu.memref_slice %arg11[%dma_start3A_377] : memref<32768xf32, #tpu.memory_space<vmem>> -> memref<4096xf32, #tpu.memory_space<vmem>>
        %dma_start3A_379 = arith.constant 0 : i32
        %dma_start3A_380 = tpu.memref_slice %arg3[%add3A, %run_scoped3A_234, %dma_start3A_379] : memref<16x3x4096xf32, #tpu.memory_space<hbm>> -> memref<1x1x4096xf32, #tpu.memory_space<hbm>>
        %dma_start3A_381 = tpu.memref_squeeze %dma_start3A_380 : memref<1x1x4096xf32, #tpu.memory_space<hbm>> -> memref<4096xf32, #tpu.memory_space<hbm>>
        %dma_start3A_382 = arith.constant 8192 : i32
        %dma_start3A_383 = tpu.memref_slice %arg11[%dma_start3A_382] : memref<32768xf32, #tpu.memory_space<vmem>> -> memref<4096xf32, #tpu.memory_space<vmem>>
        %dma_start3A_384 = arith.constant 0 : i32
        %dma_start3A_385 = tpu.memref_slice %arg3[%add3A, %run_scoped3A_234, %dma_start3A_384] : memref<16x3x4096xf32, #tpu.memory_space<hbm>> -> memref<1x1x4096xf32, #tpu.memory_space<hbm>>
        %dma_start3A_386 = tpu.memref_squeeze %dma_start3A_385 : memref<1x1x4096xf32, #tpu.memory_space<hbm>> -> memref<4096xf32, #tpu.memory_space<hbm>>
        tpu.enqueue_dma source(%dma_start3A_386 : memref<4096xf32, #tpu.memory_space<hbm>>) target(%dma_start3A_383 : memref<4096xf32, #tpu.memory_space<vmem>>) target_semaphore(%run_scoped3A_376 : memref<!tpu.dma_semaphore, #tpu.memory_space<semaphore_mem>>)
        %dma_wait3A_387 = arith.constant 8192 : i32
        %dma_wait3A_388 = tpu.memref_slice %arg11[%dma_wait3A_387] : memref<32768xf32, #tpu.memory_space<vmem>> -> memref<4096xf32, #tpu.memory_space<vmem>>
        %dma_wait3A_389 = arith.constant 0 : i32
        %dma_wait3A_390 = tpu.memref_slice %arg3[%add3A, %run_scoped3A_234, %dma_wait3A_389] : memref<16x3x4096xf32, #tpu.memory_space<hbm>> -> memref<1x1x4096xf32, #tpu.memory_space<hbm>>
        %dma_wait3A_391 = tpu.memref_squeeze %dma_wait3A_390 : memref<1x1x4096xf32, #tpu.memory_space<hbm>> -> memref<4096xf32, #tpu.memory_space<hbm>>
        %dma_wait3A_392 = arith.constant 8192 : i32
        %dma_wait3A_393 = tpu.memref_slice %arg11[%dma_wait3A_392] : memref<32768xf32, #tpu.memory_space<vmem>> -> memref<4096xf32, #tpu.memory_space<vmem>>
        %dma_wait3A_394 = arith.constant 0 : i32
        %dma_wait3A_395 = tpu.memref_slice %arg3[%add3A, %run_scoped3A_234, %dma_wait3A_394] : memref<16x3x4096xf32, #tpu.memory_space<hbm>> -> memref<1x1x4096xf32, #tpu.memory_space<hbm>>
        %dma_wait3A_396 = tpu.memref_squeeze %dma_wait3A_395 : memref<1x1x4096xf32, #tpu.memory_space<hbm>> -> memref<4096xf32, #tpu.memory_space<hbm>>
        tpu.wait_dma2 semaphore(%run_scoped3A_376 : memref<!tpu.dma_semaphore, #tpu.memory_space<semaphore_mem>>) src(%dma_wait3A_396 : memref<4096xf32, #tpu.memory_space<hbm>>) dst(%dma_wait3A_393 : memref<4096xf32, #tpu.memory_space<vmem>>)
        tpu.yield
      }) : () -> ()
      "tpu.region"() ({
        %run_scoped3A_376 = tpu.sem_alloc : memref<!tpu.dma_semaphore, #tpu.memory_space<semaphore_mem>>
        %dma_start3A_377 = arith.constant 0 : i32
        %dma_start3A_378 = tpu.memref_slice %arg5[%add3A, %dma_start3A_377] : memref<16x128xi32, #tpu.memory_space<hbm>> -> memref<1x128xi32, #tpu.memory_space<hbm>>
        %dma_start3A_379 = tpu.memref_squeeze %dma_start3A_378 : memref<1x128xi32, #tpu.memory_space<hbm>> -> memref<128xi32, #tpu.memory_space<hbm>>
        %dma_start3A_380 = arith.constant 0 : i32
        %dma_start3A_381 = tpu.memref_slice %arg5[%add3A, %dma_start3A_380] : memref<16x128xi32, #tpu.memory_space<hbm>> -> memref<1x128xi32, #tpu.memory_space<hbm>>
        %dma_start3A_382 = tpu.memref_squeeze %dma_start3A_381 : memref<1x128xi32, #tpu.memory_space<hbm>> -> memref<128xi32, #tpu.memory_space<hbm>>
        tpu.enqueue_dma source(%dma_start3A_382 : memref<128xi32, #tpu.memory_space<hbm>>) target(%arg15 : memref<128xi32, #tpu.memory_space<vmem>>) target_semaphore(%run_scoped3A_376 : memref<!tpu.dma_semaphore, #tpu.memory_space<semaphore_mem>>)
        %dma_wait3A_383 = arith.constant 0 : i32
        %dma_wait3A_384 = tpu.memref_slice %arg5[%add3A, %dma_wait3A_383] : memref<16x128xi32, #tpu.memory_space<hbm>> -> memref<1x128xi32, #tpu.memory_space<hbm>>
        %dma_wait3A_385 = tpu.memref_squeeze %dma_wait3A_384 : memref<1x128xi32, #tpu.memory_space<hbm>> -> memref<128xi32, #tpu.memory_space<hbm>>
        %dma_wait3A_386 = arith.constant 0 : i32
        %dma_wait3A_387 = tpu.memref_slice %arg5[%add3A, %dma_wait3A_386] : memref<16x128xi32, #tpu.memory_space<hbm>> -> memref<1x128xi32, #tpu.memory_space<hbm>>
        %dma_wait3A_388 = tpu.memref_squeeze %dma_wait3A_387 : memref<1x128xi32, #tpu.memory_space<hbm>> -> memref<128xi32, #tpu.memory_space<hbm>>
        tpu.wait_dma2 semaphore(%run_scoped3A_376 : memref<!tpu.dma_semaphore, #tpu.memory_space<semaphore_mem>>) src(%dma_wait3A_388 : memref<128xi32, #tpu.memory_space<hbm>>) dst(%arg15 : memref<128xi32, #tpu.memory_space<vmem>>)
        tpu.yield
      }) : () -> ()
      "tpu.region"() ({
        %run_scoped3A_376 = tpu.sem_alloc : memref<!tpu.dma_semaphore, #tpu.memory_space<semaphore_mem>>
        %dma_start3A_377 = arith.constant 0 : i32
        %dma_start3A_378 = tpu.memref_slice %arg6[%add3A, %dma_start3A_377] : memref<16x4096xi32, #tpu.memory_space<hbm>> -> memref<1x4096xi32, #tpu.memory_space<hbm>>
        %dma_start3A_379 = tpu.memref_squeeze %dma_start3A_378 : memref<1x4096xi32, #tpu.memory_space<hbm>> -> memref<4096xi32, #tpu.memory_space<hbm>>
        %dma_start3A_380 = arith.constant 0 : i32
        %dma_start3A_381 = tpu.memref_slice %arg6[%add3A, %dma_start3A_380] : memref<16x4096xi32, #tpu.memory_space<hbm>> -> memref<1x4096xi32, #tpu.memory_space<hbm>>
        %dma_start3A_382 = tpu.memref_squeeze %dma_start3A_381 : memref<1x4096xi32, #tpu.memory_space<hbm>> -> memref<4096xi32, #tpu.memory_space<hbm>>
        tpu.enqueue_dma source(%dma_start3A_382 : memref<4096xi32, #tpu.memory_space<hbm>>) target(%arg10 : memref<4096xi32, #tpu.memory_space<vmem>>) target_semaphore(%run_scoped3A_376 : memref<!tpu.dma_semaphore, #tpu.memory_space<semaphore_mem>>)
        %dma_wait3A_383 = arith.constant 0 : i32
        %dma_wait3A_384 = tpu.memref_slice %arg6[%add3A, %dma_wait3A_383] : memref<16x4096xi32, #tpu.memory_space<hbm>> -> memref<1x4096xi32, #tpu.memory_space<hbm>>
        %dma_wait3A_385 = tpu.memref_squeeze %dma_wait3A_384 : memref<1x4096xi32, #tpu.memory_space<hbm>> -> memref<4096xi32, #tpu.memory_space<hbm>>
        %dma_wait3A_386 = arith.constant 0 : i32
        %dma_wait3A_387 = tpu.memref_slice %arg6[%add3A, %dma_wait3A_386] : memref<16x4096xi32, #tpu.memory_space<hbm>> -> memref<1x4096xi32, #tpu.memory_space<hbm>>
        %dma_wait3A_388 = tpu.memref_squeeze %dma_wait3A_387 : memref<1x4096xi32, #tpu.memory_space<hbm>> -> memref<4096xi32, #tpu.memory_space<hbm>>
        tpu.wait_dma2 semaphore(%run_scoped3A_376 : memref<!tpu.dma_semaphore, #tpu.memory_space<semaphore_mem>>) src(%dma_wait3A_388 : memref<4096xi32, #tpu.memory_space<hbm>>) dst(%arg10 : memref<4096xi32, #tpu.memory_space<vmem>>)
        tpu.yield
      }) : () -> ()
      %get3A = arith.constant 0 : index
      %get3A_235 = tpu.vector_load %arg15[%get3A] {strides = array<i32>} : memref<128xi32, #tpu.memory_space<vmem>>, vector<16xi32>,
      %gather3A = arith.constant 0 : i32
      %gather3A_236 = tpu.memref_slice %arg11[%gather3A] : memref<32768xf32, #tpu.memory_space<vmem>> -> memref<4096xf32, #tpu.memory_space<vmem>>
      %gather3A_237 = tpu.vector_load_idx %gather3A_236[%get3A_235] : memref<4096xf32, #tpu.memory_space<vmem>>[vector<16xi32>], vector<16xf32>,
      %swap3A = arith.constant 0 : index
      %swap3A_238 = tpu.vector_load %arg16[%swap3A] {strides = array<i32>} : memref<384xf32, #tpu.memory_space<vmem>>, vector<16xf32>,
      tpu.vector_store %arg16[%swap3A], %gather3A_237 {strides = array<i32>} : memref<384xf32, #tpu.memory_space<vmem>>, vector<16xf32>,
      %gather3A_239 = arith.constant 4096 : i32
      %gather3A_240 = tpu.memref_slice %arg11[%gather3A_239] : memref<32768xf32, #tpu.memory_space<vmem>> -> memref<4096xf32, #tpu.memory_space<vmem>>
      %gather3A_241 = tpu.vector_load_idx %gather3A_240[%get3A_235] : memref<4096xf32, #tpu.memory_space<vmem>>[vector<16xi32>], vector<16xf32>,
      %swap3A_242 = arith.constant 128 : index
      %swap3A_243 = tpu.vector_load %arg16[%swap3A_242] {strides = array<i32>} : memref<384xf32, #tpu.memory_space<vmem>>, vector<16xf32>,
      tpu.vector_store %arg16[%swap3A_242], %gather3A_241 {strides = array<i32>} : memref<384xf32, #tpu.memory_space<vmem>>, vector<16xf32>,
      %gather3A_244 = arith.constant 8192 : i32
      %gather3A_245 = tpu.memref_slice %arg11[%gather3A_244] : memref<32768xf32, #tpu.memory_space<vmem>> -> memref<4096xf32, #tpu.memory_space<vmem>>
      %gather3A_246 = tpu.vector_load_idx %gather3A_245[%get3A_235] : memref<4096xf32, #tpu.memory_space<vmem>>[vector<16xi32>], vector<16xf32>,
      %swap3A_247 = arith.constant 256 : index
      %swap3A_248 = tpu.vector_load %arg16[%swap3A_247] {strides = array<i32>} : memref<384xf32, #tpu.memory_space<vmem>>, vector<16xf32>,
      tpu.vector_store %arg16[%swap3A_247], %gather3A_246 {strides = array<i32>} : memref<384xf32, #tpu.memory_space<vmem>>, vector<16xf32>,
      %get3A_249 = arith.constant 16 : index
      %get3A_250 = tpu.vector_load %arg15[%get3A_249] {strides = array<i32>} : memref<128xi32, #tpu.memory_space<vmem>>, vector<16xi32>,
      %gather3A_251 = arith.constant 0 : i32
      %gather3A_252 = tpu.memref_slice %arg11[%gather3A_251] : memref<32768xf32, #tpu.memory_space<vmem>> -> memref<4096xf32, #tpu.memory_space<vmem>>
      %gather3A_253 = tpu.vector_load_idx %gather3A_252[%get3A_250] : memref<4096xf32, #tpu.memory_space<vmem>>[vector<16xi32>], vector<16xf32>,
      %swap3A_254 = arith.constant 16 : index
      %swap3A_255 = tpu.vector_load %arg16[%swap3A_254] {strides = array<i32>} : memref<384xf32, #tpu.memory_space<vmem>>, vector<16xf32>,
      tpu.vector_store %arg16[%swap3A_254], %gather3A_253 {strides = array<i32>} : memref<384xf32, #tpu.memory_space<vmem>>, vector<16xf32>,
      %gather3A_256 = arith.constant 4096 : i32
      %gather3A_257 = tpu.memref_slice %arg11[%gather3A_256] : memref<32768xf32, #tpu.memory_space<vmem>> -> memref<4096xf32, #tpu.memory_space<vmem>>
      %gather3A_258 = tpu.vector_load_idx %gather3A_257[%get3A_250] : memref<4096xf32, #tpu.memory_space<vmem>>[vector<16xi32>], vector<16xf32>,
      %swap3A_259 = arith.constant 144 : index
      %swap3A_260 = tpu.vector_load %arg16[%swap3A_259] {strides = array<i32>} : memref<384xf32, #tpu.memory_space<vmem>>, vector<16xf32>,
      tpu.vector_store %arg16[%swap3A_259], %gather3A_258 {strides = array<i32>} : memref<384xf32, #tpu.memory_space<vmem>>, vector<16xf32>,
      %gather3A_261 = arith.constant 8192 : i32
      %gather3A_262 = tpu.memref_slice %arg11[%gather3A_261] : memref<32768xf32, #tpu.memory_space<vmem>> -> memref<4096xf32, #tpu.memory_space<vmem>>
      %gather3A_263 = tpu.vector_load_idx %gather3A_262[%get3A_250] : memref<4096xf32, #tpu.memory_space<vmem>>[vector<16xi32>], vector<16xf32>,
      %swap3A_264 = arith.constant 272 : index
      %swap3A_265 = tpu.vector_load %arg16[%swap3A_264] {strides = array<i32>} : memref<384xf32, #tpu.memory_space<vmem>>, vector<16xf32>,
      tpu.vector_store %arg16[%swap3A_264], %gather3A_263 {strides = array<i32>} : memref<384xf32, #tpu.memory_space<vmem>>, vector<16xf32>,
      %get3A_266 = arith.constant 32 : index
      %get3A_267 = tpu.vector_load %arg15[%get3A_266] {strides = array<i32>} : memref<128xi32, #tpu.memory_space<vmem>>, vector<16xi32>,
      %gather3A_268 = arith.constant 0 : i32
      %gather3A_269 = tpu.memref_slice %arg11[%gather3A_268] : memref<32768xf32, #tpu.memory_space<vmem>> -> memref<4096xf32, #tpu.memory_space<vmem>>
      %gather3A_270 = tpu.vector_load_idx %gather3A_269[%get3A_267] : memref<4096xf32, #tpu.memory_space<vmem>>[vector<16xi32>], vector<16xf32>,
      %swap3A_271 = arith.constant 32 : index
      %swap3A_272 = tpu.vector_load %arg16[%swap3A_271] {strides = array<i32>} : memref<384xf32, #tpu.memory_space<vmem>>, vector<16xf32>,
      tpu.vector_store %arg16[%swap3A_271], %gather3A_270 {strides = array<i32>} : memref<384xf32, #tpu.memory_space<vmem>>, vector<16xf32>,
      %gather3A_273 = arith.constant 4096 : i32
      %gather3A_274 = tpu.memref_slice %arg11[%gather3A_273] : memref<32768xf32, #tpu.memory_space<vmem>> -> memref<4096xf32, #tpu.memory_space<vmem>>
      %gather3A_275 = tpu.vector_load_idx %gather3A_274[%get3A_267] : memref<4096xf32, #tpu.memory_space<vmem>>[vector<16xi32>], vector<16xf32>,
      %swap3A_276 = arith.constant 160 : index
      %swap3A_277 = tpu.vector_load %arg16[%swap3A_276] {strides = array<i32>} : memref<384xf32, #tpu.memory_space<vmem>>, vector<16xf32>,
      tpu.vector_store %arg16[%swap3A_276], %gather3A_275 {strides = array<i32>} : memref<384xf32, #tpu.memory_space<vmem>>, vector<16xf32>,
      %gather3A_278 = arith.constant 8192 : i32
      %gather3A_279 = tpu.memref_slice %arg11[%gather3A_278] : memref<32768xf32, #tpu.memory_space<vmem>> -> memref<4096xf32, #tpu.memory_space<vmem>>
      %gather3A_280 = tpu.vector_load_idx %gather3A_279[%get3A_267] : memref<4096xf32, #tpu.memory_space<vmem>>[vector<16xi32>], vector<16xf32>,
      %swap3A_281 = arith.constant 288 : index
      %swap3A_282 = tpu.vector_load %arg16[%swap3A_281] {strides = array<i32>} : memref<384xf32, #tpu.memory_space<vmem>>, vector<16xf32>,
      tpu.vector_store %arg16[%swap3A_281], %gather3A_280 {strides = array<i32>} : memref<384xf32, #tpu.memory_space<vmem>>, vector<16xf32>,
      %get3A_283 = arith.constant 48 : index
      %get3A_284 = tpu.vector_load %arg15[%get3A_283] {strides = array<i32>} : memref<128xi32, #tpu.memory_space<vmem>>, vector<16xi32>,
      %gather3A_285 = arith.constant 0 : i32
      %gather3A_286 = tpu.memref_slice %arg11[%gather3A_285] : memref<32768xf32, #tpu.memory_space<vmem>> -> memref<4096xf32, #tpu.memory_space<vmem>>
      %gather3A_287 = tpu.vector_load_idx %gather3A_286[%get3A_284] : memref<4096xf32, #tpu.memory_space<vmem>>[vector<16xi32>], vector<16xf32>,
      %swap3A_288 = arith.constant 48 : index
      %swap3A_289 = tpu.vector_load %arg16[%swap3A_288] {strides = array<i32>} : memref<384xf32, #tpu.memory_space<vmem>>, vector<16xf32>,
      tpu.vector_store %arg16[%swap3A_288], %gather3A_287 {strides = array<i32>} : memref<384xf32, #tpu.memory_space<vmem>>, vector<16xf32>,
      %gather3A_290 = arith.constant 4096 : i32
      %gather3A_291 = tpu.memref_slice %arg11[%gather3A_290] : memref<32768xf32, #tpu.memory_space<vmem>> -> memref<4096xf32, #tpu.memory_space<vmem>>
      %gather3A_292 = tpu.vector_load_idx %gather3A_291[%get3A_284] : memref<4096xf32, #tpu.memory_space<vmem>>[vector<16xi32>], vector<16xf32>,
      %swap3A_293 = arith.constant 176 : index
      %swap3A_294 = tpu.vector_load %arg16[%swap3A_293] {strides = array<i32>} : memref<384xf32, #tpu.memory_space<vmem>>, vector<16xf32>,
      tpu.vector_store %arg16[%swap3A_293], %gather3A_292 {strides = array<i32>} : memref<384xf32, #tpu.memory_space<vmem>>, vector<16xf32>,
      %gather3A_295 = arith.constant 8192 : i32
      %gather3A_296 = tpu.memref_slice %arg11[%gather3A_295] : memref<32768xf32, #tpu.memory_space<vmem>> -> memref<4096xf32, #tpu.memory_space<vmem>>
      %gather3A_297 = tpu.vector_load_idx %gather3A_296[%get3A_284] : memref<4096xf32, #tpu.memory_space<vmem>>[vector<16xi32>], vector<16xf32>,
      %swap3A_298 = arith.constant 304 : index
      %swap3A_299 = tpu.vector_load %arg16[%swap3A_298] {strides = array<i32>} : memref<384xf32, #tpu.memory_space<vmem>>, vector<16xf32>,
      tpu.vector_store %arg16[%swap3A_298], %gather3A_297 {strides = array<i32>} : memref<384xf32, #tpu.memory_space<vmem>>, vector<16xf32>,
      %get3A_300 = arith.constant 64 : index
      %get3A_301 = tpu.vector_load %arg15[%get3A_300] {strides = array<i32>} : memref<128xi32, #tpu.memory_space<vmem>>, vector<16xi32>,
      %gather3A_302 = arith.constant 0 : i32
      %gather3A_303 = tpu.memref_slice %arg11[%gather3A_302] : memref<32768xf32, #tpu.memory_space<vmem>> -> memref<4096xf32, #tpu.memory_space<vmem>>
      %gather3A_304 = tpu.vector_load_idx %gather3A_303[%get3A_301] : memref<4096xf32, #tpu.memory_space<vmem>>[vector<16xi32>], vector<16xf32>,
      %swap3A_305 = arith.constant 64 : index
      %swap3A_306 = tpu.vector_load %arg16[%swap3A_305] {strides = array<i32>} : memref<384xf32, #tpu.memory_space<vmem>>, vector<16xf32>,
      tpu.vector_store %arg16[%swap3A_305], %gather3A_304 {strides = array<i32>} : memref<384xf32, #tpu.memory_space<vmem>>, vector<16xf32>,
      %gather3A_307 = arith.constant 4096 : i32
      %gather3A_308 = tpu.memref_slice %arg11[%gather3A_307] : memref<32768xf32, #tpu.memory_space<vmem>> -> memref<4096xf32, #tpu.memory_space<vmem>>
      %gather3A_309 = tpu.vector_load_idx %gather3A_308[%get3A_301] : memref<4096xf32, #tpu.memory_space<vmem>>[vector<16xi32>], vector<16xf32>,
      %swap3A_310 = arith.constant 192 : index
      %swap3A_311 = tpu.vector_load %arg16[%swap3A_310] {strides = array<i32>} : memref<384xf32, #tpu.memory_space<vmem>>, vector<16xf32>,
      tpu.vector_store %arg16[%swap3A_310], %gather3A_309 {strides = array<i32>} : memref<384xf32, #tpu.memory_space<vmem>>, vector<16xf32>,
      %gather3A_312 = arith.constant 8192 : i32
      %gather3A_313 = tpu.memref_slice %arg11[%gather3A_312] : memref<32768xf32, #tpu.memory_space<vmem>> -> memref<4096xf32, #tpu.memory_space<vmem>>
      %gather3A_314 = tpu.vector_load_idx %gather3A_313[%get3A_301] : memref<4096xf32, #tpu.memory_space<vmem>>[vector<16xi32>], vector<16xf32>,
      %swap3A_315 = arith.constant 320 : index
      %swap3A_316 = tpu.vector_load %arg16[%swap3A_315] {strides = array<i32>} : memref<384xf32, #tpu.memory_space<vmem>>, vector<16xf32>,
      tpu.vector_store %arg16[%swap3A_315], %gather3A_314 {strides = array<i32>} : memref<384xf32, #tpu.memory_space<vmem>>, vector<16xf32>,
      %get3A_317 = arith.constant 80 : index
      %get3A_318 = tpu.vector_load %arg15[%get3A_317] {strides = array<i32>} : memref<128xi32, #tpu.memory_space<vmem>>, vector<16xi32>,
      %gather3A_319 = arith.constant 0 : i32
      %gather3A_320 = tpu.memref_slice %arg11[%gather3A_319] : memref<32768xf32, #tpu.memory_space<vmem>> -> memref<4096xf32, #tpu.memory_space<vmem>>
      %gather3A_321 = tpu.vector_load_idx %gather3A_320[%get3A_318] : memref<4096xf32, #tpu.memory_space<vmem>>[vector<16xi32>], vector<16xf32>,
      %swap3A_322 = arith.constant 80 : index
      %swap3A_323 = tpu.vector_load %arg16[%swap3A_322] {strides = array<i32>} : memref<384xf32, #tpu.memory_space<vmem>>, vector<16xf32>,
      tpu.vector_store %arg16[%swap3A_322], %gather3A_321 {strides = array<i32>} : memref<384xf32, #tpu.memory_space<vmem>>, vector<16xf32>,
      %gather3A_324 = arith.constant 4096 : i32
      %gather3A_325 = tpu.memref_slice %arg11[%gather3A_324] : memref<32768xf32, #tpu.memory_space<vmem>> -> memref<4096xf32, #tpu.memory_space<vmem>>
      %gather3A_326 = tpu.vector_load_idx %gather3A_325[%get3A_318] : memref<4096xf32, #tpu.memory_space<vmem>>[vector<16xi32>], vector<16xf32>,
      %swap3A_327 = arith.constant 208 : index
      %swap3A_328 = tpu.vector_load %arg16[%swap3A_327] {strides = array<i32>} : memref<384xf32, #tpu.memory_space<vmem>>, vector<16xf32>,
      tpu.vector_store %arg16[%swap3A_327], %gather3A_326 {strides = array<i32>} : memref<384xf32, #tpu.memory_space<vmem>>, vector<16xf32>,
      %gather3A_329 = arith.constant 8192 : i32
      %gather3A_330 = tpu.memref_slice %arg11[%gather3A_329] : memref<32768xf32, #tpu.memory_space<vmem>> -> memref<4096xf32, #tpu.memory_space<vmem>>
      %gather3A_331 = tpu.vector_load_idx %gather3A_330[%get3A_318] : memref<4096xf32, #tpu.memory_space<vmem>>[vector<16xi32>], vector<16xf32>,
      %swap3A_332 = arith.constant 336 : index
      %swap3A_333 = tpu.vector_load %arg16[%swap3A_332] {strides = array<i32>} : memref<384xf32, #tpu.memory_space<vmem>>, vector<16xf32>,
      tpu.vector_store %arg16[%swap3A_332], %gather3A_331 {strides = array<i32>} : memref<384xf32, #tpu.memory_space<vmem>>, vector<16xf32>,
      %get3A_334 = arith.constant 96 : index
      %get3A_335 = tpu.vector_load %arg15[%get3A_334] {strides = array<i32>} : memref<128xi32, #tpu.memory_space<vmem>>, vector<16xi32>,
      %gather3A_336 = arith.constant 0 : i32
      %gather3A_337 = tpu.memref_slice %arg11[%gather3A_336] : memref<32768xf32, #tpu.memory_space<vmem>> -> memref<4096xf32, #tpu.memory_space<vmem>>
      %gather3A_338 = tpu.vector_load_idx %gather3A_337[%get3A_335] : memref<4096xf32, #tpu.memory_space<vmem>>[vector<16xi32>], vector<16xf32>,
      %swap3A_339 = arith.constant 96 : index
      %swap3A_340 = tpu.vector_load %arg16[%swap3A_339] {strides = array<i32>} : memref<384xf32, #tpu.memory_space<vmem>>, vector<16xf32>,
      tpu.vector_store %arg16[%swap3A_339], %gather3A_338 {strides = array<i32>} : memref<384xf32, #tpu.memory_space<vmem>>, vector<16xf32>,
      %gather3A_341 = arith.constant 4096 : i32
      %gather3A_342 = tpu.memref_slice %arg11[%gather3A_341] : memref<32768xf32, #tpu.memory_space<vmem>> -> memref<4096xf32, #tpu.memory_space<vmem>>
      %gather3A_343 = tpu.vector_load_idx %gather3A_342[%get3A_335] : memref<4096xf32, #tpu.memory_space<vmem>>[vector<16xi32>], vector<16xf32>,
      %swap3A_344 = arith.constant 224 : index
      %swap3A_345 = tpu.vector_load %arg16[%swap3A_344] {strides = array<i32>} : memref<384xf32, #tpu.memory_space<vmem>>, vector<16xf32>,
      tpu.vector_store %arg16[%swap3A_344], %gather3A_343 {strides = array<i32>} : memref<384xf32, #tpu.memory_space<vmem>>, vector<16xf32>,
      %gather3A_346 = arith.constant 8192 : i32
      %gather3A_347 = tpu.memref_slice %arg11[%gather3A_346] : memref<32768xf32, #tpu.memory_space<vmem>> -> memref<4096xf32, #tpu.memory_space<vmem>>
      %gather3A_348 = tpu.vector_load_idx %gather3A_347[%get3A_335] : memref<4096xf32, #tpu.memory_space<vmem>>[vector<16xi32>], vector<16xf32>,
      %swap3A_349 = arith.constant 352 : index
      %swap3A_350 = tpu.vector_load %arg16[%swap3A_349] {strides = array<i32>} : memref<384xf32, #tpu.memory_space<vmem>>, vector<16xf32>,
      tpu.vector_store %arg16[%swap3A_349], %gather3A_348 {strides = array<i32>} : memref<384xf32, #tpu.memory_space<vmem>>, vector<16xf32>,
      %get3A_351 = arith.constant 112 : index
      %get3A_352 = tpu.vector_load %arg15[%get3A_351] {strides = array<i32>} : memref<128xi32, #tpu.memory_space<vmem>>, vector<16xi32>,
      %gather3A_353 = arith.constant 0 : i32
      %gather3A_354 = tpu.memref_slice %arg11[%gather3A_353] : memref<32768xf32, #tpu.memory_space<vmem>> -> memref<4096xf32, #tpu.memory_space<vmem>>
      %gather3A_355 = tpu.vector_load_idx %gather3A_354[%get3A_352] : memref<4096xf32, #tpu.memory_space<vmem>>[vector<16xi32>], vector<16xf32>,
      %swap3A_356 = arith.constant 112 : index
      %swap3A_357 = tpu.vector_load %arg16[%swap3A_356] {strides = array<i32>} : memref<384xf32, #tpu.memory_space<vmem>>, vector<16xf32>,
      tpu.vector_store %arg16[%swap3A_356], %gather3A_355 {strides = array<i32>} : memref<384xf32, #tpu.memory_space<vmem>>, vector<16xf32>,
      %gather3A_358 = arith.constant 4096 : i32
      %gather3A_359 = tpu.memref_slice %arg11[%gather3A_358] : memref<32768xf32, #tpu.memory_space<vmem>> -> memref<4096xf32, #tpu.memory_space<vmem>>
      %gather3A_360 = tpu.vector_load_idx %gather3A_359[%get3A_352] : memref<4096xf32, #tpu.memory_space<vmem>>[vector<16xi32>], vector<16xf32>,
      %swap3A_361 = arith.constant 240 : index
      %swap3A_362 = tpu.vector_load %arg16[%swap3A_361] {strides = array<i32>} : memref<384xf32, #tpu.memory_space<vmem>>, vector<16xf32>,
      tpu.vector_store %arg16[%swap3A_361], %gather3A_360 {strides = array<i32>} : memref<384xf32, #tpu.memory_space<vmem>>, vector<16xf32>,
      %gather3A_363 = arith.constant 8192 : i32
      %gather3A_364 = tpu.memref_slice %arg11[%gather3A_363] : memref<32768xf32, #tpu.memory_space<vmem>> -> memref<4096xf32, #tpu.memory_space<vmem>>
      %gather3A_365 = tpu.vector_load_idx %gather3A_364[%get3A_352] : memref<4096xf32, #tpu.memory_space<vmem>>[vector<16xi32>], vector<16xf32>,
      %swap3A_366 = arith.constant 368 : index
      %swap3A_367 = tpu.vector_load %arg16[%swap3A_366] {strides = array<i32>} : memref<384xf32, #tpu.memory_space<vmem>>, vector<16xf32>,
      tpu.vector_store %arg16[%swap3A_366], %gather3A_365 {strides = array<i32>} : memref<384xf32, #tpu.memory_space<vmem>>, vector<16xf32>,
      %run_scoped3A_368 = arith.constant 0 : i32
      "tpu.region"() ({
        %run_scoped3A_376 = tpu.sem_alloc : memref<!tpu.dma_semaphore, #tpu.memory_space<semaphore_mem>>
        %dma_start3A_377 = arith.constant 0 : i32
        %dma_start3A_378 = tpu.memref_slice %arg16[%dma_start3A_377] : memref<384xf32, #tpu.memory_space<vmem>> -> memref<128xf32, #tpu.memory_space<vmem>>
        %dma_start3A_379 = arith.constant 0 : i32
        %dma_start3A_380 = tpu.memref_slice %arg8[%add3A, %run_scoped3A_368, %dma_start3A_379] : memref<16x3x128xf32, #tpu.memory_space<hbm>> -> memref<1x1x128xf32, #tpu.memory_space<hbm>>
        %dma_start3A_381 = tpu.memref_squeeze %dma_start3A_380 : memref<1x1x128xf32, #tpu.memory_space<hbm>> -> memref<128xf32, #tpu.memory_space<hbm>>
        %dma_start3A_382 = arith.constant 0 : i32
        %dma_start3A_383 = tpu.memref_slice %arg8[%add3A, %run_scoped3A_368, %dma_start3A_382] : memref<16x3x128xf32, #tpu.memory_space<hbm>> -> memref<1x1x128xf32, #tpu.memory_space<hbm>>
        %dma_start3A_384 = tpu.memref_squeeze %dma_start3A_383 : memref<1x1x128xf32, #tpu.memory_space<hbm>> -> memref<128xf32, #tpu.memory_space<hbm>>
        %dma_start3A_385 = arith.constant 0 : i32
        %dma_start3A_386 = tpu.memref_slice %arg16[%dma_start3A_385] : memref<384xf32, #tpu.memory_space<vmem>> -> memref<128xf32, #tpu.memory_space<vmem>>
        tpu.enqueue_dma source(%dma_start3A_386 : memref<128xf32, #tpu.memory_space<vmem>>) target(%dma_start3A_384 : memref<128xf32, #tpu.memory_space<hbm>>) target_semaphore(%run_scoped3A_376 : memref<!tpu.dma_semaphore, #tpu.memory_space<semaphore_mem>>)
        %dma_wait3A_387 = arith.constant 0 : i32
        %dma_wait3A_388 = tpu.memref_slice %arg16[%dma_wait3A_387] : memref<384xf32, #tpu.memory_space<vmem>> -> memref<128xf32, #tpu.memory_space<vmem>>
        %dma_wait3A_389 = arith.constant 0 : i32
        %dma_wait3A_390 = tpu.memref_slice %arg8[%add3A, %run_scoped3A_368, %dma_wait3A_389] : memref<16x3x128xf32, #tpu.memory_space<hbm>> -> memref<1x1x128xf32, #tpu.memory_space<hbm>>
        %dma_wait3A_391 = tpu.memref_squeeze %dma_wait3A_390 : memref<1x1x128xf32, #tpu.memory_space<hbm>> -> memref<128xf32, #tpu.memory_space<hbm>>
        %dma_wait3A_392 = arith.constant 0 : i32
        %dma_wait3A_393 = tpu.memref_slice %arg8[%add3A, %run_scoped3A_368, %dma_wait3A_392] : memref<16x3x128xf32, #tpu.memory_space<hbm>> -> memref<1x1x128xf32, #tpu.memory_space<hbm>>
        %dma_wait3A_394 = tpu.memref_squeeze %dma_wait3A_393 : memref<1x1x128xf32, #tpu.memory_space<hbm>> -> memref<128xf32, #tpu.memory_space<hbm>>
        %dma_wait3A_395 = arith.constant 0 : i32
        %dma_wait3A_396 = tpu.memref_slice %arg16[%dma_wait3A_395] : memref<384xf32, #tpu.memory_space<vmem>> -> memref<128xf32, #tpu.memory_space<vmem>>
        tpu.wait_dma2 semaphore(%run_scoped3A_376 : memref<!tpu.dma_semaphore, #tpu.memory_space<semaphore_mem>>) src(%dma_wait3A_396 : memref<128xf32, #tpu.memory_space<vmem>>) dst(%dma_wait3A_394 : memref<128xf32, #tpu.memory_space<hbm>>)
        tpu.yield
      }) : () -> ()
      %run_scoped3A_369 = arith.constant 1 : i32
      "tpu.region"() ({
        %run_scoped3A_376 = tpu.sem_alloc : memref<!tpu.dma_semaphore, #tpu.memory_space<semaphore_mem>>
        %dma_start3A_377 = arith.constant 128 : i32
        %dma_start3A_378 = tpu.memref_slice %arg16[%dma_start3A_377] : memref<384xf32, #tpu.memory_space<vmem>> -> memref<128xf32, #tpu.memory_space<vmem>>
        %dma_start3A_379 = arith.constant 0 : i32
        %dma_start3A_380 = tpu.memref_slice %arg8[%add3A, %run_scoped3A_369, %dma_start3A_379] : memref<16x3x128xf32, #tpu.memory_space<hbm>> -> memref<1x1x128xf32, #tpu.memory_space<hbm>>
        %dma_start3A_381 = tpu.memref_squeeze %dma_start3A_380 : memref<1x1x128xf32, #tpu.memory_space<hbm>> -> memref<128xf32, #tpu.memory_space<hbm>>
        %dma_start3A_382 = arith.constant 0 : i32
        %dma_start3A_383 = tpu.memref_slice %arg8[%add3A, %run_scoped3A_369, %dma_start3A_382] : memref<16x3x128xf32, #tpu.memory_space<hbm>> -> memref<1x1x128xf32, #tpu.memory_space<hbm>>
        %dma_start3A_384 = tpu.memref_squeeze %dma_start3A_383 : memref<1x1x128xf32, #tpu.memory_space<hbm>> -> memref<128xf32, #tpu.memory_space<hbm>>
        %dma_start3A_385 = arith.constant 128 : i32
        %dma_start3A_386 = tpu.memref_slice %arg16[%dma_start3A_385] : memref<384xf32, #tpu.memory_space<vmem>> -> memref<128xf32, #tpu.memory_space<vmem>>
        tpu.enqueue_dma source(%dma_start3A_386 : memref<128xf32, #tpu.memory_space<vmem>>) target(%dma_start3A_384 : memref<128xf32, #tpu.memory_space<hbm>>) target_semaphore(%run_scoped3A_376 : memref<!tpu.dma_semaphore, #tpu.memory_space<semaphore_mem>>)
        %dma_wait3A_387 = arith.constant 128 : i32
        %dma_wait3A_388 = tpu.memref_slice %arg16[%dma_wait3A_387] : memref<384xf32, #tpu.memory_space<vmem>> -> memref<128xf32, #tpu.memory_space<vmem>>
        %dma_wait3A_389 = arith.constant 0 : i32
        %dma_wait3A_390 = tpu.memref_slice %arg8[%add3A, %run_scoped3A_369, %dma_wait3A_389] : memref<16x3x128xf32, #tpu.memory_space<hbm>> -> memref<1x1x128xf32, #tpu.memory_space<hbm>>
        %dma_wait3A_391 = tpu.memref_squeeze %dma_wait3A_390 : memref<1x1x128xf32, #tpu.memory_space<hbm>> -> memref<128xf32, #tpu.memory_space<hbm>>
        %dma_wait3A_392 = arith.constant 0 : i32
        %dma_wait3A_393 = tpu.memref_slice %arg8[%add3A, %run_scoped3A_369, %dma_wait3A_392] : memref<16x3x128xf32, #tpu.memory_space<hbm>> -> memref<1x1x128xf32, #tpu.memory_space<hbm>>
        %dma_wait3A_394 = tpu.memref_squeeze %dma_wait3A_393 : memref<1x1x128xf32, #tpu.memory_space<hbm>> -> memref<128xf32, #tpu.memory_space<hbm>>
        %dma_wait3A_395 = arith.constant 128 : i32
        %dma_wait3A_396 = tpu.memref_slice %arg16[%dma_wait3A_395] : memref<384xf32, #tpu.memory_space<vmem>> -> memref<128xf32, #tpu.memory_space<vmem>>
        tpu.wait_dma2 semaphore(%run_scoped3A_376 : memref<!tpu.dma_semaphore, #tpu.memory_space<semaphore_mem>>) src(%dma_wait3A_396 : memref<128xf32, #tpu.memory_space<vmem>>) dst(%dma_wait3A_394 : memref<128xf32, #tpu.memory_space<hbm>>)
        tpu.yield
      }) : () -> ()
      %run_scoped3A_370 = arith.constant 2 : i32
      "tpu.region"() ({
        %run_scoped3A_376 = tpu.sem_alloc : memref<!tpu.dma_semaphore, #tpu.memory_space<semaphore_mem>>
        %dma_start3A_377 = arith.constant 256 : i32
        %dma_start3A_378 = tpu.memref_slice %arg16[%dma_start3A_377] : memref<384xf32, #tpu.memory_space<vmem>> -> memref<128xf32, #tpu.memory_space<vmem>>
        %dma_start3A_379 = arith.constant 0 : i32
        %dma_start3A_380 = tpu.memref_slice %arg8[%add3A, %run_scoped3A_370, %dma_start3A_379] : memref<16x3x128xf32, #tpu.memory_space<hbm>> -> memref<1x1x128xf32, #tpu.memory_space<hbm>>
        %dma_start3A_381 = tpu.memref_squeeze %dma_start3A_380 : memref<1x1x128xf32, #tpu.memory_space<hbm>> -> memref<128xf32, #tpu.memory_space<hbm>>
        %dma_start3A_382 = arith.constant 0 : i32
        %dma_start3A_383 = tpu.memref_slice %arg8[%add3A, %run_scoped3A_370, %dma_start3A_382] : memref<16x3x128xf32, #tpu.memory_space<hbm>> -> memref<1x1x128xf32, #tpu.memory_space<hbm>>
        %dma_start3A_384 = tpu.memref_squeeze %dma_start3A_383 : memref<1x1x128xf32, #tpu.memory_space<hbm>> -> memref<128xf32, #tpu.memory_space<hbm>>
        %dma_start3A_385 = arith.constant 256 : i32
        %dma_start3A_386 = tpu.memref_slice %arg16[%dma_start3A_385] : memref<384xf32, #tpu.memory_space<vmem>> -> memref<128xf32, #tpu.memory_space<vmem>>
        tpu.enqueue_dma source(%dma_start3A_386 : memref<128xf32, #tpu.memory_space<vmem>>) target(%dma_start3A_384 : memref<128xf32, #tpu.memory_space<hbm>>) target_semaphore(%run_scoped3A_376 : memref<!tpu.dma_semaphore, #tpu.memory_space<semaphore_mem>>)
        %dma_wait3A_387 = arith.constant 256 : i32
        %dma_wait3A_388 = tpu.memref_slice %arg16[%dma_wait3A_387] : memref<384xf32, #tpu.memory_space<vmem>> -> memref<128xf32, #tpu.memory_space<vmem>>
        %dma_wait3A_389 = arith.constant 0 : i32
        %dma_wait3A_390 = tpu.memref_slice %arg8[%add3A, %run_scoped3A_370, %dma_wait3A_389] : memref<16x3x128xf32, #tpu.memory_space<hbm>> -> memref<1x1x128xf32, #tpu.memory_space<hbm>>
        %dma_wait3A_391 = tpu.memref_squeeze %dma_wait3A_390 : memref<1x1x128xf32, #tpu.memory_space<hbm>> -> memref<128xf32, #tpu.memory_space<hbm>>
        %dma_wait3A_392 = arith.constant 0 : i32
        %dma_wait3A_393 = tpu.memref_slice %arg8[%add3A, %run_scoped3A_370, %dma_wait3A_392] : memref<16x3x128xf32, #tpu.memory_space<hbm>> -> memref<1x1x128xf32, #tpu.memory_space<hbm>>
        %dma_wait3A_394 = tpu.memref_squeeze %dma_wait3A_393 : memref<1x1x128xf32, #tpu.memory_space<hbm>> -> memref<128xf32, #tpu.memory_space<hbm>>
        %dma_wait3A_395 = arith.constant 256 : i32
        %dma_wait3A_396 = tpu.memref_slice %arg16[%dma_wait3A_395] : memref<384xf32, #tpu.memory_space<vmem>> -> memref<128xf32, #tpu.memory_space<vmem>>
        tpu.wait_dma2 semaphore(%run_scoped3A_376 : memref<!tpu.dma_semaphore, #tpu.memory_space<semaphore_mem>>) src(%dma_wait3A_396 : memref<128xf32, #tpu.memory_space<vmem>>) dst(%dma_wait3A_394 : memref<128xf32, #tpu.memory_space<hbm>>)
        tpu.yield
      }) : () -> ()
      %parallel_loop3A = arith.constant 0 : i32
      %parallel_loop3A_371 = arith.constant 256 : i32
      %parallel_loop3A_372 = arith.constant 1 : i32
      scf.for %parallel_loop3A_376 = %parallel_loop3A to %parallel_loop3A_371 step %parallel_loop3A_372  : i32 {
        %parallel_loop3A_377 = arith.constant 16 : i32
        %parallel_loop3A_378 = arith.muli %parallel_loop3A_376, %parallel_loop3A_377 : i32
        %parallel_loop3A_379 = arith.index_cast %parallel_loop3A_378 : i32 to index
        %parallel_loop3A_380 = tpu.vector_load %arg10[%parallel_loop3A_379] {strides = array<i32>} : memref<4096xi32, #tpu.memory_space<vmem>>, vector<16xi32>,
        %parallel_loop3A_381 = arith.constant 8 : i32
        %parallel_loop3A_382 = arith.divsi %parallel_loop3A_376, %parallel_loop3A_381 : i32
        %parallel_loop3A_383 = arith.constant 0 : i32
        %parallel_loop3A_384 = arith.cmpi sgt, %parallel_loop3A_376, %parallel_loop3A_383 : i32
        %parallel_loop3A_385 = arith.extui %parallel_loop3A_384 : i1 to i32
        %parallel_loop3A_386 = arith.constant 0 : i32
        %parallel_loop3A_387 = arith.cmpi slt, %parallel_loop3A_376, %parallel_loop3A_386 : i32
        %parallel_loop3A_388 = arith.extui %parallel_loop3A_387 : i1 to i32
        %parallel_loop3A_389 = arith.subi %parallel_loop3A_385, %parallel_loop3A_388 : i32
        %parallel_loop3A_390 = arith.constant 0 : i32
        %parallel_loop3A_391 = arith.cmpi sgt, %parallel_loop3A_381, %parallel_loop3A_390 : i32
        %parallel_loop3A_392 = arith.extui %parallel_loop3A_391 : i1 to i32
        %parallel_loop3A_393 = arith.constant 0 : i32
        %parallel_loop3A_394 = arith.cmpi slt, %parallel_loop3A_381, %parallel_loop3A_393 : i32
        %parallel_loop3A_395 = arith.extui %parallel_loop3A_394 : i1 to i32
        %parallel_loop3A_396 = arith.subi %parallel_loop3A_392, %parallel_loop3A_395 : i32
        %parallel_loop3A_397 = arith.cmpi ne, %parallel_loop3A_389, %parallel_loop3A_396 : i32
        %parallel_loop3A_398 = arith.remsi %parallel_loop3A_376, %parallel_loop3A_381 : i32
        %parallel_loop3A_399 = arith.constant 0 : i32
        %parallel_loop3A_400 = arith.cmpi ne, %parallel_loop3A_398, %parallel_loop3A_399 : i32
        %parallel_loop3A_401 = arith.andi %parallel_loop3A_397, %parallel_loop3A_400 : i1
        %parallel_loop3A_402 = arith.constant 1 : i32
        %parallel_loop3A_403 = arith.subi %parallel_loop3A_382, %parallel_loop3A_402 : i32
        %parallel_loop3A_404 = arith.select %parallel_loop3A_401, %parallel_loop3A_403, %parallel_loop3A_382 : i32
        %parallel_loop3A_405 = arith.constant 8 : i32
        %parallel_loop3A_406 = arith.constant 0 : i32
        %parallel_loop3A_407 = arith.cmpi eq, %parallel_loop3A_405, %parallel_loop3A_406 : i32
        %parallel_loop3A_408 = arith.constant 1 : i32
        %parallel_loop3A_409 = arith.select %parallel_loop3A_407, %parallel_loop3A_408, %parallel_loop3A_405 : i32
        %parallel_loop3A_410 = arith.remsi %parallel_loop3A_376, %parallel_loop3A_409 : i32
        %parallel_loop3A_411 = arith.constant 0 : i32
        %parallel_loop3A_412 = arith.cmpi ne, %parallel_loop3A_410, %parallel_loop3A_411 : i32
        %parallel_loop3A_413 = arith.constant 0 : i32
        %parallel_loop3A_414 = arith.cmpi slt, %parallel_loop3A_410, %parallel_loop3A_413 : i32
        %parallel_loop3A_415 = arith.constant 0 : i32
        %parallel_loop3A_416 = arith.cmpi slt, %parallel_loop3A_409, %parallel_loop3A_415 : i32
        %parallel_loop3A_417 = arith.xori %parallel_loop3A_414, %parallel_loop3A_416 : i1
        %parallel_loop3A_418 = arith.andi %parallel_loop3A_417, %parallel_loop3A_412 : i1
        %parallel_loop3A_419 = arith.addi %parallel_loop3A_410, %parallel_loop3A_409 : i32
        %parallel_loop3A_420 = arith.select %parallel_loop3A_418, %parallel_loop3A_419, %parallel_loop3A_410 : i32
        %parallel_loop3A_421 = arith.constant 16 : i32
        %parallel_loop3A_422 = arith.muli %parallel_loop3A_420, %parallel_loop3A_421 : i32
        %parallel_loop3A_423 = arith.constant 0 : i32
        %parallel_loop3A_424 = tpu.memref_slice %arg11[%parallel_loop3A_423] : memref<32768xf32, #tpu.memory_space<vmem>> -> memref<4096xf32, #tpu.memory_space<vmem>>
        %parallel_loop3A_425 = tpu.vector_load_idx %parallel_loop3A_424[%parallel_loop3A_380] : memref<4096xf32, #tpu.memory_space<vmem>>[vector<16xi32>], vector<16xf32>,
        %parallel_loop3A_426 = arith.constant 0 : i32
        %parallel_loop3A_427 = arith.addi %parallel_loop3A_426, %parallel_loop3A_404 : i32
        %parallel_loop3A_428 = arith.index_cast %parallel_loop3A_427 : i32 to index
        %parallel_loop3A_429 = arith.index_cast %parallel_loop3A_422 : i32 to index
        %parallel_loop3A_430 = tpu.vector_load %arg13[%parallel_loop3A_428, %parallel_loop3A_429] {strides = array<i32>} : memref<128x128xf32, #tpu.memory_space<vmem>>, vector<16xf32>,
        tpu.vector_store %arg13[%parallel_loop3A_428, %parallel_loop3A_429], %parallel_loop3A_425 {strides = array<i32>} : memref<128x128xf32, #tpu.memory_space<vmem>>, vector<16xf32>,
        %parallel_loop3A_431 = arith.constant 4096 : i32
        %parallel_loop3A_432 = tpu.memref_slice %arg11[%parallel_loop3A_431] : memref<32768xf32, #tpu.memory_space<vmem>> -> memref<4096xf32, #tpu.memory_space<vmem>>
        %parallel_loop3A_433 = tpu.vector_load_idx %parallel_loop3A_432[%parallel_loop3A_380] : memref<4096xf32, #tpu.memory_space<vmem>>[vector<16xi32>], vector<16xf32>,
        %parallel_loop3A_434 = arith.constant 32 : i32
        %parallel_loop3A_435 = arith.addi %parallel_loop3A_434, %parallel_loop3A_404 : i32
        %parallel_loop3A_436 = arith.index_cast %parallel_loop3A_435 : i32 to index
        %parallel_loop3A_437 = arith.index_cast %parallel_loop3A_422 : i32 to index
        %parallel_loop3A_438 = tpu.vector_load %arg13[%parallel_loop3A_436, %parallel_loop3A_437] {strides = array<i32>} : memref<128x128xf32, #tpu.memory_space<vmem>>, vector<16xf32>,
        tpu.vector_store %arg13[%parallel_loop3A_436, %parallel_loop3A_437], %parallel_loop3A_433 {strides = array<i32>} : memref<128x128xf32, #tpu.memory_space<vmem>>, vector<16xf32>,
        %parallel_loop3A_439 = arith.constant 8192 : i32
        %parallel_loop3A_440 = tpu.memref_slice %arg11[%parallel_loop3A_439] : memref<32768xf32, #tpu.memory_space<vmem>> -> memref<4096xf32, #tpu.memory_space<vmem>>
        %parallel_loop3A_441 = tpu.vector_load_idx %parallel_loop3A_440[%parallel_loop3A_380] : memref<4096xf32, #tpu.memory_space<vmem>>[vector<16xi32>], vector<16xf32>,
        %parallel_loop3A_442 = arith.constant 64 : i32
        %parallel_loop3A_443 = arith.addi %parallel_loop3A_442, %parallel_loop3A_404 : i32
        %parallel_loop3A_444 = arith.index_cast %parallel_loop3A_443 : i32 to index
        %parallel_loop3A_445 = arith.index_cast %parallel_loop3A_422 : i32 to index
        %parallel_loop3A_446 = tpu.vector_load %arg13[%parallel_loop3A_444, %parallel_loop3A_445] {strides = array<i32>} : memref<128x128xf32, #tpu.memory_space<vmem>>, vector<16xf32>,
        tpu.vector_store %arg13[%parallel_loop3A_444, %parallel_loop3A_445], %parallel_loop3A_441 {strides = array<i32>} : memref<128x128xf32, #tpu.memory_space<vmem>>, vector<16xf32>,
      } {sc.loop_unroll_factor = 8 : i64, sc.parallel_access}
      %run_scoped3A_373 = arith.constant 0 : i32
      "tpu.region"() ({
        %run_scoped3A_376 = tpu.sem_alloc : memref<!tpu.dma_semaphore, #tpu.memory_space<semaphore_mem>>
        %dma_start3A_377 = arith.constant 0 : i32
        %dma_start3A_378 = arith.constant 0 : i32
        %dma_start3A_379 = tpu.memref_slice %arg13[%dma_start3A_377, %dma_start3A_378] : memref<128x128xf32, #tpu.memory_space<vmem>> -> memref<32x128xf32, #tpu.memory_space<vmem>>
        %dma_start3A_380 = arith.constant 0 : i32
        %dma_start3A_381 = arith.constant 0 : i32
        %dma_start3A_382 = tpu.memref_slice %arg9[%add3A, %run_scoped3A_373, %dma_start3A_380, %dma_start3A_381] : memref<16x3x32x128xf32, #tpu.memory_space<hbm>> -> memref<1x1x32x128xf32, #tpu.memory_space<hbm>>
        %dma_start3A_383 = tpu.memref_squeeze %dma_start3A_382 : memref<1x1x32x128xf32, #tpu.memory_space<hbm>> -> memref<32x128xf32, #tpu.memory_space<hbm>>
        %dma_start3A_384 = arith.constant 0 : i32
        %dma_start3A_385 = arith.constant 0 : i32
        %dma_start3A_386 = tpu.memref_slice %arg9[%add3A, %run_scoped3A_373, %dma_start3A_384, %dma_start3A_385] : memref<16x3x32x128xf32, #tpu.memory_space<hbm>> -> memref<1x1x32x128xf32, #tpu.memory_space<hbm>>
        %dma_start3A_387 = tpu.memref_squeeze %dma_start3A_386 : memref<1x1x32x128xf32, #tpu.memory_space<hbm>> -> memref<32x128xf32, #tpu.memory_space<hbm>>
        %dma_start3A_388 = arith.constant 0 : i32
        %dma_start3A_389 = arith.constant 0 : i32
        %dma_start3A_390 = tpu.memref_slice %arg13[%dma_start3A_388, %dma_start3A_389] : memref<128x128xf32, #tpu.memory_space<vmem>> -> memref<32x128xf32, #tpu.memory_space<vmem>>
        tpu.enqueue_dma source(%dma_start3A_390 : memref<32x128xf32, #tpu.memory_space<vmem>>) target(%dma_start3A_387 : memref<32x128xf32, #tpu.memory_space<hbm>>) target_semaphore(%run_scoped3A_376 : memref<!tpu.dma_semaphore, #tpu.memory_space<semaphore_mem>>)
        %dma_wait3A_391 = arith.constant 0 : i32
        %dma_wait3A_392 = arith.constant 0 : i32
        %dma_wait3A_393 = tpu.memref_slice %arg13[%dma_wait3A_391, %dma_wait3A_392] : memref<128x128xf32, #tpu.memory_space<vmem>> -> memref<32x128xf32, #tpu.memory_space<vmem>>
        %dma_wait3A_394 = arith.constant 0 : i32
        %dma_wait3A_395 = arith.constant 0 : i32
        %dma_wait3A_396 = tpu.memref_slice %arg9[%add3A, %run_scoped3A_373, %dma_wait3A_394, %dma_wait3A_395] : memref<16x3x32x128xf32, #tpu.memory_space<hbm>> -> memref<1x1x32x128xf32, #tpu.memory_space<hbm>>
        %dma_wait3A_397 = tpu.memref_squeeze %dma_wait3A_396 : memref<1x1x32x128xf32, #tpu.memory_space<hbm>> -> memref<32x128xf32, #tpu.memory_space<hbm>>
        %dma_wait3A_398 = arith.constant 0 : i32
        %dma_wait3A_399 = arith.constant 0 : i32
        %dma_wait3A_400 = tpu.memref_slice %arg9[%add3A, %run_scoped3A_373, %dma_wait3A_398, %dma_wait3A_399] : memref<16x3x32x128xf32, #tpu.memory_space<hbm>> -> memref<1x1x32x128xf32, #tpu.memory_space<hbm>>
        %dma_wait3A_401 = tpu.memref_squeeze %dma_wait3A_400 : memref<1x1x32x128xf32, #tpu.memory_space<hbm>> -> memref<32x128xf32, #tpu.memory_space<hbm>>
        %dma_wait3A_402 = arith.constant 0 : i32
        %dma_wait3A_403 = arith.constant 0 : i32
        %dma_wait3A_404 = tpu.memref_slice %arg13[%dma_wait3A_402, %dma_wait3A_403] : memref<128x128xf32, #tpu.memory_space<vmem>> -> memref<32x128xf32, #tpu.memory_space<vmem>>
        tpu.wait_dma2 semaphore(%run_scoped3A_376 : memref<!tpu.dma_semaphore, #tpu.memory_space<semaphore_mem>>) src(%dma_wait3A_404 : memref<32x128xf32, #tpu.memory_space<vmem>>) dst(%dma_wait3A_401 : memref<32x128xf32, #tpu.memory_space<hbm>>)
        tpu.yield
      }) : () -> ()
      %run_scoped3A_374 = arith.constant 1 : i32
      "tpu.region"() ({
        %run_scoped3A_376 = tpu.sem_alloc : memref<!tpu.dma_semaphore, #tpu.memory_space<semaphore_mem>>
        %dma_start3A_377 = arith.constant 32 : i32
        %dma_start3A_378 = arith.constant 0 : i32
        %dma_start3A_379 = tpu.memref_slice %arg13[%dma_start3A_377, %dma_start3A_378] : memref<128x128xf32, #tpu.memory_space<vmem>> -> memref<32x128xf32, #tpu.memory_space<vmem>>
        %dma_start3A_380 = arith.constant 0 : i32
        %dma_start3A_381 = arith.constant 0 : i32
        %dma_start3A_382 = tpu.memref_slice %arg9[%add3A, %run_scoped3A_374, %dma_start3A_380, %dma_start3A_381] : memref<16x3x32x128xf32, #tpu.memory_space<hbm>> -> memref<1x1x32x128xf32, #tpu.memory_space<hbm>>
        %dma_start3A_383 = tpu.memref_squeeze %dma_start3A_382 : memref<1x1x32x128xf32, #tpu.memory_space<hbm>> -> memref<32x128xf32, #tpu.memory_space<hbm>>
        %dma_start3A_384 = arith.constant 0 : i32
        %dma_start3A_385 = arith.constant 0 : i32
        %dma_start3A_386 = tpu.memref_slice %arg9[%add3A, %run_scoped3A_374, %dma_start3A_384, %dma_start3A_385] : memref<16x3x32x128xf32, #tpu.memory_space<hbm>> -> memref<1x1x32x128xf32, #tpu.memory_space<hbm>>
        %dma_start3A_387 = tpu.memref_squeeze %dma_start3A_386 : memref<1x1x32x128xf32, #tpu.memory_space<hbm>> -> memref<32x128xf32, #tpu.memory_space<hbm>>
        %dma_start3A_388 = arith.constant 32 : i32
        %dma_start3A_389 = arith.constant 0 : i32
        %dma_start3A_390 = tpu.memref_slice %arg13[%dma_start3A_388, %dma_start3A_389] : memref<128x128xf32, #tpu.memory_space<vmem>> -> memref<32x128xf32, #tpu.memory_space<vmem>>
        tpu.enqueue_dma source(%dma_start3A_390 : memref<32x128xf32, #tpu.memory_space<vmem>>) target(%dma_start3A_387 : memref<32x128xf32, #tpu.memory_space<hbm>>) target_semaphore(%run_scoped3A_376 : memref<!tpu.dma_semaphore, #tpu.memory_space<semaphore_mem>>)
        %dma_wait3A_391 = arith.constant 32 : i32
        %dma_wait3A_392 = arith.constant 0 : i32
        %dma_wait3A_393 = tpu.memref_slice %arg13[%dma_wait3A_391, %dma_wait3A_392] : memref<128x128xf32, #tpu.memory_space<vmem>> -> memref<32x128xf32, #tpu.memory_space<vmem>>
        %dma_wait3A_394 = arith.constant 0 : i32
        %dma_wait3A_395 = arith.constant 0 : i32
        %dma_wait3A_396 = tpu.memref_slice %arg9[%add3A, %run_scoped3A_374, %dma_wait3A_394, %dma_wait3A_395] : memref<16x3x32x128xf32, #tpu.memory_space<hbm>> -> memref<1x1x32x128xf32, #tpu.memory_space<hbm>>
        %dma_wait3A_397 = tpu.memref_squeeze %dma_wait3A_396 : memref<1x1x32x128xf32, #tpu.memory_space<hbm>> -> memref<32x128xf32, #tpu.memory_space<hbm>>
        %dma_wait3A_398 = arith.constant 0 : i32
        %dma_wait3A_399 = arith.constant 0 : i32
        %dma_wait3A_400 = tpu.memref_slice %arg9[%add3A, %run_scoped3A_374, %dma_wait3A_398, %dma_wait3A_399] : memref<16x3x32x128xf32, #tpu.memory_space<hbm>> -> memref<1x1x32x128xf32, #tpu.memory_space<hbm>>
        %dma_wait3A_401 = tpu.memref_squeeze %dma_wait3A_400 : memref<1x1x32x128xf32, #tpu.memory_space<hbm>> -> memref<32x128xf32, #tpu.memory_space<hbm>>
        %dma_wait3A_402 = arith.constant 32 : i32
        %dma_wait3A_403 = arith.constant 0 : i32
        %dma_wait3A_404 = tpu.memref_slice %arg13[%dma_wait3A_402, %dma_wait3A_403] : memref<128x128xf32, #tpu.memory_space<vmem>> -> memref<32x128xf32, #tpu.memory_space<vmem>>
        tpu.wait_dma2 semaphore(%run_scoped3A_376 : memref<!tpu.dma_semaphore, #tpu.memory_space<semaphore_mem>>) src(%dma_wait3A_404 : memref<32x128xf32, #tpu.memory_space<vmem>>) dst(%dma_wait3A_401 : memref<32x128xf32, #tpu.memory_space<hbm>>)
        tpu.yield
      }) : () -> ()
      %run_scoped3A_375 = arith.constant 2 : i32
      "tpu.region"() ({
        %run_scoped3A_376 = tpu.sem_alloc : memref<!tpu.dma_semaphore, #tpu.memory_space<semaphore_mem>>
        %dma_start3A_377 = arith.constant 64 : i32
        %dma_start3A_378 = arith.constant 0 : i32
        %dma_start3A_379 = tpu.memref_slice %arg13[%dma_start3A_377, %dma_start3A_378] : memref<128x128xf32, #tpu.memory_space<vmem>> -> memref<32x128xf32, #tpu.memory_space<vmem>>
        %dma_start3A_380 = arith.constant 0 : i32
        %dma_start3A_381 = arith.constant 0 : i32
        %dma_start3A_382 = tpu.memref_slice %arg9[%add3A, %run_scoped3A_375, %dma_start3A_380, %dma_start3A_381] : memref<16x3x32x128xf32, #tpu.memory_space<hbm>> -> memref<1x1x32x128xf32, #tpu.memory_space<hbm>>
        %dma_start3A_383 = tpu.memref_squeeze %dma_start3A_382 : memref<1x1x32x128xf32, #tpu.memory_space<hbm>> -> memref<32x128xf32, #tpu.memory_space<hbm>>
        %dma_start3A_384 = arith.constant 0 : i32
        %dma_start3A_385 = arith.constant 0 : i32
        %dma_start3A_386 = tpu.memref_slice %arg9[%add3A, %run_scoped3A_375, %dma_start3A_384, %dma_start3A_385] : memref<16x3x32x128xf32, #tpu.memory_space<hbm>> -> memref<1x1x32x128xf32, #tpu.memory_space<hbm>>
        %dma_start3A_387 = tpu.memref_squeeze %dma_start3A_386 : memref<1x1x32x128xf32, #tpu.memory_space<hbm>> -> memref<32x128xf32, #tpu.memory_space<hbm>>
        %dma_start3A_388 = arith.constant 64 : i32
        %dma_start3A_389 = arith.constant 0 : i32
        %dma_start3A_390 = tpu.memref_slice %arg13[%dma_start3A_388, %dma_start3A_389] : memref<128x128xf32, #tpu.memory_space<vmem>> -> memref<32x128xf32, #tpu.memory_space<vmem>>
        tpu.enqueue_dma source(%dma_start3A_390 : memref<32x128xf32, #tpu.memory_space<vmem>>) target(%dma_start3A_387 : memref<32x128xf32, #tpu.memory_space<hbm>>) target_semaphore(%run_scoped3A_376 : memref<!tpu.dma_semaphore, #tpu.memory_space<semaphore_mem>>)
        %dma_wait3A_391 = arith.constant 64 : i32
        %dma_wait3A_392 = arith.constant 0 : i32
        %dma_wait3A_393 = tpu.memref_slice %arg13[%dma_wait3A_391, %dma_wait3A_392] : memref<128x128xf32, #tpu.memory_space<vmem>> -> memref<32x128xf32, #tpu.memory_space<vmem>>
        %dma_wait3A_394 = arith.constant 0 : i32
        %dma_wait3A_395 = arith.constant 0 : i32
        %dma_wait3A_396 = tpu.memref_slice %arg9[%add3A, %run_scoped3A_375, %dma_wait3A_394, %dma_wait3A_395] : memref<16x3x32x128xf32, #tpu.memory_space<hbm>> -> memref<1x1x32x128xf32, #tpu.memory_space<hbm>>
        %dma_wait3A_397 = tpu.memref_squeeze %dma_wait3A_396 : memref<1x1x32x128xf32, #tpu.memory_space<hbm>> -> memref<32x128xf32, #tpu.memory_space<hbm>>
        %dma_wait3A_398 = arith.constant 0 : i32
        %dma_wait3A_399 = arith.constant 0 : i32
        %dma_wait3A_400 = tpu.memref_slice %arg9[%add3A, %run_scoped3A_375, %dma_wait3A_398, %dma_wait3A_399] : memref<16x3x32x128xf32, #tpu.memory_space<hbm>> -> memref<1x1x32x128xf32, #tpu.memory_space<hbm>>
        %dma_wait3A_401 = tpu.memref_squeeze %dma_wait3A_400 : memref<1x1x32x128xf32, #tpu.memory_space<hbm>> -> memref<32x128xf32, #tpu.memory_space<hbm>>
        %dma_wait3A_402 = arith.constant 64 : i32
        %dma_wait3A_403 = arith.constant 0 : i32
        %dma_wait3A_404 = tpu.memref_slice %arg13[%dma_wait3A_402, %dma_wait3A_403] : memref<128x128xf32, #tpu.memory_space<vmem>> -> memref<32x128xf32, #tpu.memory_space<vmem>>
        tpu.wait_dma2 semaphore(%run_scoped3A_376 : memref<!tpu.dma_semaphore, #tpu.memory_space<semaphore_mem>>) src(%dma_wait3A_404 : memref<32x128xf32, #tpu.memory_space<vmem>>) dst(%dma_wait3A_401 : memref<32x128xf32, #tpu.memory_space<hbm>>)
        tpu.yield
      }) : () -> ()
    } else {
    }
    return
  }
}

</mosaic_0001>

<sc_bundles>
// kernel: kernel.3.cloned.1.call-start
scs
__scs_entry_jumppad:
0x0: {  	(pc) =	sbr.rel $0x88, $3  }
0x1: {  	(tag) =	ssettag $0x0;
	lr =	simm.s32 $0x1  }
0x2: {  	[smem:$0x3F9F] =	sst lr;
	_ =	strace $0xD0000000  }
0x3: {  	_ = 	snop  }
0x4: {  	_ = 	snop  }
0x5: {  	_ = 	snop  }
0x6: {  	_ = 	snop  }
0x7: {  	_ = 	snop  }
__scs_overlays_trampoline_lowered:
0x8: {  	[smem:$0x3FAE] =	sst s0  }
0x9: {  	[smem:$0x3FAF] =	sst s1  }
0xa: {  	[smem:$0x3FB0] =	sst s2  }
0xb: {  	[smem:$0x3FB1] =	sst s3  }
0xc: {  	[smem:$0x3FB2] =	sst s4  }
0xd: {  	[smem:$0x3FB3] =	sst s5  }
0xe: {  	[smem:$0x3FB4] =	sst s6  }
0xf: {  	[smem:$0x3FB5] =	sst s7  }
0x10: {  	[smem:$0x3FB6] =	sst s8  }
0x11: {  	[smem:$0x3FB7] =	sst s9;
	s0 =	simm.s32 @!p0 $0x0  }
0x12: {  	s1 =	sld [smem:$0x3F9D];
	s0 =	simm.s32 @p0 $0x1  }
0x13: {  	[smem:$0x3FB8] =	sst s0;
	s0 =	simm.s32 @!p1 $0x0  }
0x14: {  	s2 =	sld [smem:$0x3F9C];
	s0 =	simm.s32 @p1 $0x1  }
0x15: {  	[smem:$0x3FB9] =	sst s0;
	s0 =	simm.s32 @!p2 $0x0  }
0x16: {  	s3 =	sld [smem:$0x3FDB];
	s0 =	simm.s32 @p2 $0x1  }
0x17: {  	s4 =	simm.s32 $0x1BF5;
	[smem:$0x3FBB] =	sst s0  }
0x18: {  	s0 =	sld [smem:$0x3F9E];
	_ =	swait.ge [sflag:s4], $0x0  }
0x19: {  	s7 =	sld [smem:$0x3F9F]  }
0x1a: {  	s8 =	sadd.s32 $0xFFFFE003, lr  }
0x1b: {  	s9 =	sadd.s32 $0xFFFFFEF7, lr;
	s5 =	simm.s32 $0xFFFFFFFF;
	p2 =	slt.u32 s8, $0xFFFFF086  }
0x1c: {  	p1 =	slt.u32 s9, $0xF7A;
	s5 =	simm.s32 @!p2 $0x0  }
0x1d: {  	s5 =	simm.s32 @p1 $0x1;
	p0 =	seq.s32 s7, s2  }
0x1e: {  	s7 =	smul.u32 @!p0 $0xF7A, s2;
	p2 =	seq.s32 @!p0 s5, $0x0  }
0x1f: {  	s9 =	smul.u32 $0xF7A, s1;
	s8 =	simm.s32 @!p0 $0x1BF5;
	p2 =	por !p2, p0  }
0x20: {  	[sflag:s8] =	ssyncset.s32 @!p0 $0xFFFFF086;
	s6 =	sadd.s32 @!p0 s3, s7;
	s7 =	simm.s32 @!p0 $0x108  }
0x21: {  	s3 =	sadd.s32 s3, s9;
	s6 =	sadd.s32 @!p0 $0x88, s6;
	s7 =	simm.s32 @p2 $0x1082  }
0x22: {  	[simem:s7], [sflag:s8] =	dma.local @!p0 [hbm:s6], $0xF7A  }
0x23: {  	s9 =	sor.u32 $0xD0000000, s2;
	s6 =	simm.s32 $0x108;
	_ =	swait.ge @!p0 [sflag:s8], $0x0  }
0x24: {  	s3 =	sadd.s32 $0x88, s3;
	s6 =	simm.s32 @!p1 $0x1082;
	[sflag:s4] =	ssyncset.s32 $0xFFFFF086  }
0x25: {  	[simem:s6], [sflag:s4] =	dma.local [hbm:s3], $0xF7A  }
0x26: {  	[smem:$0x3F9F] =	sst s1;
	(tag) =	ssettag s2;
	_ =	strace s9  }
0x27: {  	s1 =	sld [smem:$0x3FAF]  }
0x28: {  	s2 =	sld [smem:$0x3FB0]  }
0x29: {  	s4 =	sld [smem:$0x3FB2]  }
0x2a: {  	p0 =	seq.s32 s5, $0x0;
	s5 =	sld [smem:$0x3FB3]  }
0x2b: {  	s6 =	sld [smem:$0x3FB4]  }
0x2c: {  	s7 =	sld [smem:$0x3FB5]  }
0x2d: {  	s3 =	simm.s32 $0x108;
	s8 =	sld [smem:$0x3FB6]  }
0x2e: {  	s3 =	simm.s32 @!p0 $0x1082;
	s9 =	sld [smem:$0x3FB7]  }
0x2f: {  	lr =	sadd.s32 s0, s3;
	s0 =	sld [smem:$0x3FAE]  }
0x30: {  	s3 =	sld [smem:$0x3FB1]  }
0x31: {  	[smem:$0x3FBA] =	sst s10  }
0x32: {  	s10 =	sld [smem:$0x3FB8];
	_ =	sdelay $0x3  }
0x33: {  	p0 =	seq.s32 s10, $0x1;
	s10 =	sld [smem:$0x3FBA];
	_ =	sdelay $0x3  }
0x34: {  	[smem:$0x3FBA] =	sst s10  }
0x35: {  	s10 =	sld [smem:$0x3FB9];
	_ =	sdelay $0x3  }
0x36: {  	p1 =	seq.s32 s10, $0x1;
	s10 =	sld [smem:$0x3FBA];
	_ =	sdelay $0x3  }
0x37: {  	[smem:$0x3FBA] =	sst s10  }
0x38: {  	s10 =	sld [smem:$0x3FBB]  }
0x39: {  	_ = 	snop;
	(pc) =	sbr.ind lr, $3  }
0x3a: {  	_ = 	snop  }
0x3b: {  	_ = 	snop  }
0x3c: {  	p2 =	seq.s32 s10, $0x1;
	s10 =	sld [smem:$0x3FBA]  }
0x3d: {  	_ =	shalt  }
0x3e: {  	_ =	shalt  }
0x3f: {  	_ =	shalt  }
0x40: {  	_ =	shalt  }
0x41: {  	_ =	shalt  }
0x42: {  	_ =	shalt  }
0x43: {  	_ =	shalt  }
0x44: {  	_ =	shalt  }
0x45: {  	_ =	shalt  }
0x46: {  	_ =	shalt  }
0x47: {  	_ =	shalt  }
0x48: {  	_ =	shalt  }
0x49: {  	_ =	shalt  }
0x4a: {  	_ =	shalt  }
0x4b: {  	_ =	shalt  }
0x4c: {  	_ =	shalt  }
0x4d: {  	_ =	shalt  }
0x4e: {  	_ =	shalt  }
0x4f: {  	_ =	shalt  }
0x50: {  	_ =	shalt  }
0x51: {  	_ =	shalt  }
0x52: {  	_ =	shalt  }
0x53: {  	_ =	shalt  }
0x54: {  	_ =	shalt  }
0x55: {  	_ =	shalt  }
0x56: {  	_ =	shalt  }
0x57: {  	_ =	shalt  }
0x58: {  	_ =	shalt  }
0x59: {  	_ =	shalt  }
0x5a: {  	_ =	shalt  }
0x5b: {  	_ =	shalt  }
0x5c: {  	_ =	shalt  }
0x5d: {  	_ =	shalt  }
0x5e: {  	_ =	shalt  }
0x5f: {  	_ =	shalt  }
0x60: {  	_ =	shalt  }
0x61: {  	_ =	shalt  }
0x62: {  	_ =	shalt  }
0x63: {  	_ =	shalt  }
0x64: {  	_ =	shalt  }
0x65: {  	_ =	shalt  }
0x66: {  	_ =	shalt  }
0x67: {  	_ =	shalt  }
0x68: {  	_ =	shalt  }
0x69: {  	_ =	shalt  }
0x6a: {  	_ =	shalt  }
0x6b: {  	_ =	shalt  }
0x6c: {  	_ =	shalt  }
0x6d: {  	_ =	shalt  }
0x6e: {  	_ =	shalt  }
0x6f: {  	_ =	shalt  }
0x70: {  	_ =	shalt  }
0x71: {  	_ =	shalt  }
0x72: {  	_ =	shalt  }
0x73: {  	_ =	shalt  }
0x74: {  	_ =	shalt  }
0x75: {  	_ =	shalt  }
0x76: {  	_ =	shalt  }
0x77: {  	_ =	shalt  }
0x78: {  	_ =	shalt  }
0x79: {  	_ =	shalt  }
0x7a: {  	_ =	shalt  }
0x7b: {  	_ =	shalt  }
0x7c: {  	_ =	shalt  }
0x7d: {  	_ =	shalt  }
0x7e: {  	_ =	shalt  }
0x7f: {  	_ =	shalt  }
0x80: {  	_ =	shalt  }
0x81: {  	_ =	shalt  }
0x82: {  	_ =	shalt  }
0x83: {  	_ =	shalt  }
0x84: {  	_ =	shalt  }
0x85: {  	_ =	shalt  }
0x86: {  	_ =	shalt  }
0x87: {  	_ =	shalt  }
.Lfunc_end0:
.L_simem_size_0:
called_computation_lowered:
.L_overlay_start_0:
0x88: {  	s2 =	sld [smem:$0x3FD9]  }
0x89: {  	s3 =	sld [smem:$0x3FFE];
	_ =	sdelay $0x1  }
0x8a: {  	s1 =	srdreg.scid  }
0x8b: {  	s0 =	sand.u32 $0x1, s1  }
0x8c: {  	s14 =	sshll.u32 s0, $0xA;
	s2 =	sadd.s32 s3, s2  }
0x8d: {  	s2 =	sadd.s32 s2, s14  }
0x8e: {  	[smem:$0x3FC6] =	sst s2  }
0x8f: {  	_ = 	snop  }
0x90: {  	s2 =	sld [smem:$0x3FD0];
	_ =	sdelay $0x2  }
0x91: {  	s4 =	simm.s32 $0xA;
	s5 =	simm.s32 $0x10;
	s15 =	sld [smem:$0x3FC8]  }
0x92: {  	[smem:s5], [sflag:s4] =	dma.local [hbm:s2], $0x1  }
0x93: {  	_ =	swait.eq [sflag:s4], $0x1  }
0x94: {  	s16 =	sld [smem:$0x10];
	[sflag:s4] =	ssyncset.done $0x0  }
0x95: {  	s17 =	sld [smem:$0x11];
	[sflag:s4] =	ssyncadd.s32 $0xFFFFFFFF  }
0x96: {  	s18 =	sld [smem:$0x12];
	(tm) =	ssettm $0x1  }
0x97: {  	s6 =	sld [smem:$0x3FFB];
	_ =	sdelay $0x3  }
0x98: {  	_ =	strace s6  }
0x99: {  	s6 =	sld [smem:$0x3FFC];
	_ =	sdelay $0x3  }
0x9a: {  	_ =	strace s6  }
0x9b: {  	s6 =	sld [smem:$0x3FFD];
	_ =	sdelay $0x3  }
0x9c: {  	_ =	strace s6  }
0x9d: {  	_ =	strace $0x8FFFFFFF  }
0x9e: {  	s19 =	sld [smem:$0x3FDB];
	_ =	sdelay $0x1  }
0x9f: {  	s7 =	simm.s32 $_scs_section_size  }
0xa0: {  	s8 =	simm.s32 $_size__tile_overlayer_lowered;
	s9 =	simm.s32 $_tile_overlayer_lowered  }
0xa1: {  	s22 =	simm.s32 $0x1BFF;
	s21 =	sshll.u32 s9, $0x1;
	s6 =	sadd.s32 s7, s19  }
0xa2: {  	s10 =	simm.s32 $0x0;
	s20 =	sshll.u32 s8, $0x1;
	s8 =	sadd.s32 s21, s6  }
0xa3: {  	[timem:s10], [sflag:s22] =	dma.local [hbm:s8], s20  }
0xa4: {  	_ =	swait.ge [sflag:s22], s20  }
0xa5: {  	s7 =	ssub.s32 $0x0, s20;
	[sflag:s22] =	ssyncset.done $0x0  }
0xa6: {  	[sflag:s22] =	ssyncadd.s32 s7;
	_ =	sdelay $0x1  }
0xa7: {  	s23 =	simm.s32 $0x1B8B  }
0xa8: {  	_ =	swait.ge [sflag:s23], $0x1  }
0xa9: {  	[sflag:s23] =	ssyncset.done $0x0  }
0xaa: {  	s25 =	simm.s32 $0x1B8E;
	s24 =	sld [smem:$0x3FFE];
	[sflag:s23] =	ssyncadd.s32 $0xFFFFFFFF  }
0xab: {  	s26 =	simm.s32 $execute0_lowered;
	[smem:$0x3FD2] =	sst s25  }
0xac: {  	s8 =	sshll.u32 s26, $0x1;
	_ =	strace $0x80000046;
	[dreg:$0x1] =	wrdreg $0xFFFFFFFF  }
0xad: {  	s28 =	simm.s32 $_size_execute0_lowered;
	s6 =	sadd.s32 s6, s8;
	[dreg:$0x0] =	wrdreg $0x0  }
0xae: {  	s8 =	sshll.u32 s28, $0x1;
	[dreg:$0x2] =	wrdreg s6  }
0xaf: {  	[dreg:$0x3] =	wrdreg s8  }
0xb0: {  	[dreg:$0x4] =	wrdreg $0xC0  }
0xb1: {  	_ =	task [dreg:s10], $0x5FFFF  }
0xb2: {  	[dreg:$0x1] =	wrdreg $0xFFFFFFFF  }
0xb3: {  	[dreg:$0x0] =	wrdreg $0x60  }
0xb4: {  	[dreg:$0x2] =	wrdreg s15  }
0xb5: {  	[dreg:$0x3] =	wrdreg s24  }
0xb6: {  	[dreg:$0x4] =	wrdreg s18  }
0xb7: {  	[dreg:$0x5] =	wrdreg s16  }
0xb8: {  	[dreg:$0x6] =	wrdreg s17  }
0xb9: {  	[dreg:$0x7] =	wrdreg $0x9  }
0xba: {  	_ =	task.clear_ibuf [dreg:s10], $0x8FFFF;
	_ =	strace $0x90000046  }
0xbb: {  	s29 =	simm.s32 $0x9;
	_ =	strace $0x80000048  }
0xbc: {  	_ =	swait.ge [sflag:s29], $0x1  }
0xbd: {  	[sflag:s29] =	ssyncadd.s32 $0xFFFFFFFF  }
0xbe: {  	_ =	strace $0x90000048  }
0xbf: {  	_ =	sfence  }
0xc0: {  	s30 =	sld [smem:$0x0];
	_ =	sdelay $0x2  }
0xc1: {  	s31 =	sshll.u32 s1, $0xD;
	s1 =	sshrl.u32 s1, $0x2  }
0xc2: {  	s3 =	sand.u32 $0x4000, s31;
	s1 =	sadd.s32 s1, s30  }
0xc3: {  	s0 =	sor.u32 s3, s0;
	s1 =	sshll.u32 s1, $0x11  }
0xc4: {  	s0 =	sor.u32 s1, s0  }
0xc5: {  	s0 =	sadd.s32 $0x8F2B, s0  }
0xc6: {  	[sflag:s0] =	ssyncadd.remote.s32 $0x1  }
0xc7: {  	_ =	sfence.sel $0xFFFF  }
0xc8: {  	[dreg:$0x0] =	wrdreg $0xFFFFFFFF;
	(pc) =	sbr.abs _section_cstart, $3  }
0xc9: {  	[dreg:$0x1] =	wrdreg $0xFFFFFFFF  }
0xca: {  	_ =	task.clear_ibuf [dreg:s10], $0x2FFFF;
	_ =	strace $0x9FFFFFFF  }
0xcb: {  	(tm) =	ssettm $0x7FFFFFFF  }
tec
execute0_lowered:
.L_overlay_start_1:
0x0: {  	(tag) =	ssettag $0x1  }
0x1: {  	s16 =	rddreg [dreg:$0x0]  }
0x2: {  	s2 =	rddreg [dreg:$0x1]  }
0x3: {  	s0 =	srdreg.scid;
	s3 =	rddreg [dreg:$0x3]  }
0x4: {  	s15 =	stileid.u32;
	s6 =	rddreg [dreg:$0x4];
	s5 =	simm.s32 $0x1  }
0x5: {  	s4 =	simm.s32 $0x0;
	s29 =	simm.s32 $0x1080;
	s30 =	simm.s32 $0x1100  }
0x6: {  	s31 =	simm.s32 $0x1180;
	s28 =	simm.s32 $0x4;
	s0 =	sand.u32 $0x1, s0  }
0x7: {  	s1 =	sshll.u32 s15, $0x1;
	[smem:$0x7FF] =	sst s4;
	s8 =	sadd.s32 $0x4800, s2  }
0x8: {  	s1 =	sor.u32 s0, s1;
	p1 =	seq.s32 s0, $0x1;
	_ =	strace $0x80000047  }
0x9: {  	s11 =	ssub.s32 $0x2, s0;
	s14 =	sshll.u32 s0, $0x13;
	s0 =	sshll.u32 s0, $0x4  }
0xa: {  	p0 =	seq.s32 s1, $0x0;
	s10 =	sshll.u32 s1, $0x4;
	s12 =	sshll.u32 s1, $0x9  }
0xb: {  	s13 =	sshrl.u32 s11, $0x1;
	[dreg:$0x6] =	wrdreg s14;
	s17 =	sor.u32 $0x2, s0  }
0xc: {  	s0 =	sor.u32 $0x3, s0;
	p0 =	por !p0, !p1;
	[dreg:$0xa] =	wrdreg s17  }
0xd: {  	s10 =	sadd.s32 s10, s2;
	s11 =	ssub.s32 s11, s13;
	[dreg:$0xb] =	wrdreg s0  }
0xe: {  	s17 =	simm.s32 $0x1300;
	p0 =	por !p0, !p0;
	s22 =	sadd.s32 $0xA800, s10  }
0xf: {  	s26 =	smax.u32 s11, $0x1;
	s10 =	simm.s32 $0x9080;
	s5 =	simm.s32 @!p0 $0x0  }
0x10: {  	s11 =	simm.s32 $0x2000;
	[dreg:$0xf] =	wrdreg s22;
	s7 =	ssub.s32 s15, s5  }
0x11: {  	[dreg:$0x17] =	wrdreg s26;
	s5 =	sshll.u32 s7, $0x9;
	s7 =	sshll.u32 s7, $0x14  }
0x12: {  	p0 =	sgt.u32 s15, $0x7;
	s26 =	simm.s32 $0x9000;
	s14 =	sor.u32 s14, s7  }
0x13: {  	s15 =	simm.s32 $0x1200;
	s9 =	sand.u32 $0x1FFFFE00, s5;
	s13 =	sshrl.u32 s14, $0x3  }
0x14: {  	s5 =	simm.s32 $0x1;
	s9 =	sadd.s32 s9, s2;
	s14 =	sadd.s32 s16, s13  }
0x15: {  	s2 =	sadd.s32 s12, s2;
	s9 =	sadd.s32 $0x800, s9;
	[dreg:$0x7] =	wrdreg s14  }
0x16: {  	s16 =	smul.u32 $0x3000, s1;
	s2 =	sadd.s32 $0x2800, s2;
	[dreg:$0x9] =	wrdreg s9  }
0x17: {  	s1 =	smul.u32 $0x180, s1;
	s13 =	sadd.s32 $0x1000, s14;
	[dreg:$0x10] =	wrdreg s2  }
0x18: {  	s9 =	simm.s32 $0x3;
	s2 =	simm.s32 $0x9300;
	s14 =	simm.s32 $0x3000  }
0x19: {  	[dreg:$0x8] =	wrdreg s13;
	s18 =	sshrl.u32 s16, $0x3;
	s1 =	sshrl.u32 s1, $0x3  }
0x1a: {  	s13 =	simm.s32 $0x13000;
	s16 =	simm.s32 $0x1280;
	s19 =	sadd.s32 s8, s18  }
0x1b: {  	s20 =	sadd.s32 $0x200, s18;
	s1 =	sadd.s32 s3, s1;
	[dreg:$0xc] =	wrdreg s19  }
0x1c: {  	s12 =	sadd.s32 $0x400, s18;
	s0 =	sadd.s32 s6, s18;
	[dreg:$0x11] =	wrdreg s1  }
0x1d: {  	s18 =	simm.s32 $0x2;
	s21 =	sadd.s32 s8, s20;
	[dreg:$0x14] =	wrdreg s0  }
0x1e: {  	s3 =	simm.s32 $0x0;
	s8 =	sadd.s32 s8, s12;
	[dreg:$0xd] =	wrdreg s21  }
0x1f: {  	s23 =	sadd.s32 $0x10, s1;
	s1 =	sadd.s32 $0x20, s1;
	[dreg:$0xe] =	wrdreg s8  }
.Ltmp0:
0x20: {  	s24 =	sadd.s32 s6, s20;
	[dreg:$0x12] =	wrdreg s23;
	(pc) =	sbr.rel .LBB2_1-.Ltmp0, $4  }
0x21: {  	s25 =	sadd.s32 s6, s12;
	s19 =	simm.s32 $0x1380;
	[dreg:$0x13] =	wrdreg s1  }
0x22: {  	s12 =	simm.s32 $0x9280;
	s6 =	simm.s32 $0x9380;
	[dreg:$0x15] =	wrdreg s24  }
0x23: {  	[dreg:$0x16] =	wrdreg s25;
	s25 =	simm.s32 $0x1000;
	s21 =	simm.s32 $0x5  }
0x24: {  	s24 =	simm.s32 $0x9100;
	s8 =	simm.s32 $0x9180;
	s1 =	simm.s32 $0x9200  }
.LBB2_16:
0x25: {  	s3 =	sadd.s32 $0x1, s3;
	s0 =	rddreg [dreg:$0x17]  }
0x26: {  	p1 =	sne.s32 s3, s0  }
.Ltmp1:
0x27: {  	_ = 	snop;
	(pc) =	sbr.rel @!p1 .LBB2_17-.Ltmp1, $1  }
0x28: {  	_ =	sdelay $0x3  }
.LBB2_1:
0x29: {  	[dreg:$0x18] =	wrdreg s3  }
0x2a: {  	s0 =	rddreg [dreg:$0x7]  }
0x2b: {  	[tilespmem:s25], [sflag:$0x1] =	stream.linear.gather [hbm4b:s0+s4], $0x8000, $0x38;
	[tilespmem:$0x19200] =	vst v63  }
0x2c: {  	s22 =	rddreg [dreg:$0x8]  }
0x2d: {  	[tilespmem:s26], [sflag:$0x2] =	stream.linear.gather [hbm4b:s22+s4], $0x8000, $0x38;
	[tilespmem:$0x19200] =	vst v63  }
0x2e: {  	s23 =	rddreg [dreg:$0x9]  }
0x2f: {  	[tilespmem:s4], [sflag:$0x5] =	stream.linear.gather [hbm4b:s23+s4], $0x1000, $0x38;
	[tilespmem:$0x19200] =	vst v63  }
0x30: {  	_ =	swait.ge [sflag:s21], $0x1000  }
0x31: {  	[sflag:s21] =	ssyncset.done $0x0  }
0x32: {  	s20 =	simm.s32 $0x0;
	[sflag:s21] =	ssyncadd.s32 $0xFFFFF000  }
.LBB2_2:
0x33: {  	_ =	swait.ge [sflag:s5], $0x8000  }
0x34: {  	p1 =	seq.s32 s20, $0x0;
	[sflag:s5] =	ssyncset.done $0x0  }
0x35: {  	s0 =	simm.s32 @!p1 $0x3;
	[sflag:s5] =	ssyncadd.s32 $0xFFFF8000  }
0x36: {  	_ =	swait.ge @!p1 [sflag:s0], $0x1000  }
0x37: {  	[sflag:s0] =	ssyncset.done @!p1 $0x0  }
0x38: {  	[sflag:s0] =	ssyncadd.s32 @!p1 $0xFFFFF000  }
0x39: {  	_ =	swait.ge @!p1 [sflag:s0], $0x1000  }
0x3a: {  	[sflag:s0] =	ssyncset.done @!p1 $0x0  }
0x3b: {  	[sflag:s0] =	ssyncadd.s32 @!p1 $0xFFFFF000  }
0x3c: {  	_ =	swait.ge @!p1 [sflag:s0], $0x1000  }
0x3d: {  	[sflag:s0] =	ssyncset.done @!p1 $0x0  }
0x3e: {  	[sflag:s0] =	ssyncadd.s32 @!p1 $0xFFFFF000  }
0x3f: {  	_ =	swait.ge @!p1 [sflag:s0], $0x1000  }
0x40: {  	[sflag:s0] =	ssyncset.done @!p1 $0x0  }
0x41: {  	s23 =	simm.s32 $0x40;
	[sflag:s0] =	ssyncadd.s32 @!p1 $0xFFFFF000  }
0x42: {  	v0 =	vld [tilespmem:s23+$0x30]  }
0x43: {  	v1 =	vld [tilespmem:s23+$0xFFFFFFD0]  }
0x44: {  	v2 =	vld [tilespmem:s23+$0xFFFFFFE0]  }
0x45: {  	v3 =	vld [tilespmem:s23+$0xFFFFFFF0]  }
0x46: {  	v4 =	vld [tilespmem:s23+$0x0]  }
0x47: {  	v5 =	vld [tilespmem:s23+$0x10]  }
0x48: {  	v6 =	vld [tilespmem:s23+$0x20]  }
0x49: {  	v7 =	vld [tilespmem:s23+$0xFFFFFFC0]  }
0x4a: {  	v8 =	vld.idx.msk [tilespmem:v0+s25+$0x0], $0xffff  }
0x4b: {  	v9 =	vld.idx.msk [tilespmem:v1+s25+$0x0], $0xffff  }
0x4c: {  	v10 =	vld.idx.msk [tilespmem:v2+s25+$0x0], $0xffff  }
0x4d: {  	v11 =	vld.idx.msk [tilespmem:v3+s25+$0x0], $0xffff  }
0x4e: {  	v12 =	vld.idx.msk [tilespmem:v4+s25+$0x0], $0xffff  }
0x4f: {  	s22 =	simm.s32 $0x13000;
	v13 =	vld.idx.msk [tilespmem:v5+s25+$0x0], $0xffff  }
0x50: {  	v14 =	vld.idx.msk [tilespmem:v6+s25+$0x0], $0xffff;
	[tilespmem:s22+$0xFFFFE070] =	vst v8  }
0x51: {  	v50 =	vld.idx.msk [tilespmem:v7+s25+$0x0], $0xffff;
	[tilespmem:s22+$0xFFFFE010] =	vst v9  }
0x52: {  	[tilespmem:s22+$0xFFFFE020] =	vst v10;
	v8 =	vld.idx.msk [tilespmem:v0+s29+$0x0], $0xffff  }
0x53: {  	[tilespmem:s22+$0xFFFFE030] =	vst v11;
	v51 =	vld.idx.msk [tilespmem:v1+s29+$0x0], $0xffff  }
0x54: {  	[tilespmem:s22+$0xFFFFE040] =	vst v12;
	v52 =	vld.idx.msk [tilespmem:v2+s29+$0x0], $0xffff  }
0x55: {  	[tilespmem:s22+$0xFFFFE050] =	vst v13;
	v53 =	vld.idx.msk [tilespmem:v3+s29+$0x0], $0xffff  }
0x56: {  	[tilespmem:s22+$0xFFFFE060] =	vst v14;
	v54 =	vld.idx.msk [tilespmem:v4+s29+$0x0], $0xffff  }
0x57: {  	[tilespmem:s22+$0xFFFFE000] =	vst v50;
	v55 =	vld.idx.msk [tilespmem:v5+s29+$0x0], $0xffff  }
0x58: {  	v9 =	vld.idx.msk [tilespmem:v7+s29+$0x0], $0xffff;
	[tilespmem:s22+$0xFFFFF070] =	vst v8  }
0x59: {  	v56 =	vld.idx.msk [tilespmem:v6+s29+$0x0], $0xffff;
	[tilespmem:s22+$0xFFFFF010] =	vst v51  }
0x5a: {  	[tilespmem:s22+$0xFFFFF020] =	vst v52;
	v8 =	vld.idx.msk [tilespmem:v0+s30+$0x0], $0xffff  }
0x5b: {  	[tilespmem:s22+$0xFFFFF030] =	vst v53;
	v57 =	vld.idx.msk [tilespmem:v1+s30+$0x0], $0xffff  }
0x5c: {  	[tilespmem:s22+$0xFFFFF040] =	vst v54;
	v58 =	vld.idx.msk [tilespmem:v2+s30+$0x0], $0xffff  }
0x5d: {  	[tilespmem:s22+$0xFFFFF050] =	vst v55;
	v59 =	vld.idx.msk [tilespmem:v3+s30+$0x0], $0xffff  }
0x5e: {  	[tilespmem:s22+$0xFFFFF000] =	vst v9;
	v60 =	vld.idx.msk [tilespmem:v4+s30+$0x0], $0xffff  }
0x5f: {  	[tilespmem:s22+$0xFFFFF060] =	vst v56;
	v9 =	vld.idx.msk [tilespmem:v7+s30+$0x0], $0xffff  }
0x60: {  	v61 =	vld.idx.msk [tilespmem:v5+s30+$0x0], $0xffff;
	[tilespmem:s22+$0x70] =	vst v8  }
0x61: {  	v62 =	vld.idx.msk [tilespmem:v6+s30+$0x0], $0xffff;
	[tilespmem:s22+$0x10] =	vst v57  }
0x62: {  	[tilespmem:s22+$0x20] =	vst v58;
	v8 =	vld.idx.msk [tilespmem:v0+s31+$0x0], $0xffff  }
0x63: {  	[tilespmem:s22+$0x30] =	vst v59;
	v63 =	vld.idx.msk [tilespmem:v1+s31+$0x0], $0xffff  }
0x64: {  	[tilespmem:s22+$0x40] =	vst v60;
	v0 =	vld.idx.msk [tilespmem:v2+s31+$0x0], $0xffff  }
0x65: {  	[tilespmem:s22+$0x0] =	vst v9;
	v1 =	vld.idx.msk [tilespmem:v3+s31+$0x0], $0xffff  }
0x66: {  	[tilespmem:s22+$0x50] =	vst v61;
	v4 =	vld.idx.msk [tilespmem:v4+s31+$0x0], $0xffff  }
0x67: {  	[tilespmem:s22+$0x60] =	vst v62;
	v2 =	vld.idx.msk [tilespmem:v7+s31+$0x0], $0xffff  }
0x68: {  	v3 =	vld.idx.msk [tilespmem:v5+s31+$0x0], $0xffff;
	[tilespmem:s22+$0x1070] =	vst v8  }
0x69: {  	s21 =	sshll.u32 s20, $0x1;
	s3 =	simm.s32 $0x0;
	s0 =	simm.s32 $0xC0;
	v5 =	vld.idx.msk [tilespmem:v6+s31+$0x0], $0xffff;
	[tilespmem:s22+$0x1010] =	vst v63  }
.LBB2_3:
0x6a: {  	v6 =	vld [tilespmem:s0+$0x30];
	s3 =	sadd.s32 $0x8, s3;
	[tilespmem:s22+$0x1020] =	vst v0  }
0x6b: {  	v0 =	vld [tilespmem:s0+$0xFFFFFFD0];
	p2 =	slt.u32 s3, $0xF8;
	[tilespmem:s22+$0x1030] =	vst v1  }
0x6c: {  	v1 =	vld [tilespmem:s0+$0xFFFFFFE0];
	[tilespmem:s22+$0x1040] =	vst v4  }
0x6d: {  	v4 =	vld [tilespmem:s0+$0xFFFFFFF0];
	[tilespmem:s22+$0x1000] =	vst v2  }
0x6e: {  	v2 =	vld [tilespmem:s0+$0x0];
	[tilespmem:s22+$0x1050] =	vst v3  }
0x6f: {  	v3 =	vld [tilespmem:s0+$0x10];
	[tilespmem:s22+$0x1060] =	vst v5  }
0x70: {  	v5 =	vld [tilespmem:s0+$0x20]  }
0x71: {  	v7 =	vld [tilespmem:s0+$0xFFFFFFC0]  }
0x72: {  	v8 =	vld.idx.msk [tilespmem:v6+s25+$0x0], $0xffff  }
0x73: {  	v9 =	vld.idx.msk [tilespmem:v0+s25+$0x0], $0xffff  }
0x74: {  	v10 =	vld.idx.msk [tilespmem:v1+s25+$0x0], $0xffff  }
0x75: {  	v11 =	vld.idx.msk [tilespmem:v4+s25+$0x0], $0xffff  }
0x76: {  	v12 =	vld.idx.msk [tilespmem:v2+s25+$0x0], $0xffff  }
0x77: {  	s22 =	sadd.s32 $0x80, s22;
	v13 =	vld.idx.msk [tilespmem:v3+s25+$0x0], $0xffff  }
0x78: {  	v14 =	vld.idx.msk [tilespmem:v5+s25+$0x0], $0xffff;
	[tilespmem:s22+$0xFFFFE070] =	vst v8  }
0x79: {  	[tilespmem:s22+$0xFFFFE010] =	vst v9;
	v8 =	vld.idx.msk [tilespmem:v6+s29+$0x0], $0xffff  }
0x7a: {  	v9 =	vld.idx.msk [tilespmem:v7+s25+$0x0], $0xffff;
	[tilespmem:s22+$0xFFFFE020] =	vst v10  }
0x7b: {  	v10 =	vld.idx.msk [tilespmem:v0+s29+$0x0], $0xffff;
	[tilespmem:s22+$0xFFFFE030] =	vst v11  }
0x7c: {  	v11 =	vld.idx.msk [tilespmem:v1+s29+$0x0], $0xffff;
	[tilespmem:s22+$0xFFFFE040] =	vst v12  }
0x7d: {  	v12 =	vld.idx.msk [tilespmem:v4+s29+$0x0], $0xffff;
	[tilespmem:s22+$0xFFFFE050] =	vst v13  }
0x7e: {  	v13 =	vld.idx.msk [tilespmem:v2+s29+$0x0], $0xffff;
	[tilespmem:s22+$0xFFFFE060] =	vst v14  }
0x7f: {  	v14 =	vld.idx.msk [tilespmem:v3+s29+$0x0], $0xffff;
	[tilespmem:s22+$0xFFFFF070] =	vst v8  }
0x80: {  	[tilespmem:s22+$0xFFFFE000] =	vst v9;
	v8 =	vld.idx.msk [tilespmem:v6+s30+$0x0], $0xffff  }
0x81: {  	v9 =	vld.idx.msk [tilespmem:v7+s29+$0x0], $0xffff;
	[tilespmem:s22+$0xFFFFF010] =	vst v10  }
0x82: {  	[tilespmem:s22+$0xFFFFF020] =	vst v11;
	v10 =	vld.idx.msk [tilespmem:v5+s29+$0x0], $0xffff  }
0x83: {  	v11 =	vld.idx.msk [tilespmem:v0+s30+$0x0], $0xffff;
	[tilespmem:s22+$0xFFFFF030] =	vst v12  }
0x84: {  	v12 =	vld.idx.msk [tilespmem:v1+s30+$0x0], $0xffff;
	[tilespmem:s22+$0xFFFFF040] =	vst v13  }
0x85: {  	v13 =	vld.idx.msk [tilespmem:v4+s30+$0x0], $0xffff;
	[tilespmem:s22+$0xFFFFF050] =	vst v14  }
0x86: {  	v14 =	vld.idx.msk [tilespmem:v2+s30+$0x0], $0xffff;
	[tilespmem:s22+$0x70] =	vst v8  }
0x87: {  	[tilespmem:s22+$0xFFFFF000] =	vst v9;
	v6 =	vld.idx.msk [tilespmem:v6+s31+$0x0], $0xffff  }
0x88: {  	v8 =	vld.idx.msk [tilespmem:v7+s30+$0x0], $0xffff;
	[tilespmem:s22+$0xFFFFF060] =	vst v10  }
0x89: {  	[tilespmem:s22+$0x10] =	vst v11;
	v9 =	vld.idx.msk [tilespmem:v3+s30+$0x0], $0xffff  }
0x8a: {  	[tilespmem:s22+$0x20] =	vst v12;
	v10 =	vld.idx.msk [tilespmem:v5+s30+$0x0], $0xffff  }
0x8b: {  	v11 =	vld.idx.msk [tilespmem:v0+s31+$0x0], $0xffff;
	[tilespmem:s22+$0x30] =	vst v13  }
0x8c: {  	v0 =	vld.idx.msk [tilespmem:v1+s31+$0x0], $0xffff;
	[tilespmem:s22+$0x40] =	vst v14  }
.Ltmp2:
0x8d: {  	v1 =	vld.idx.msk [tilespmem:v4+s31+$0x0], $0xffff;
	[tilespmem:s22+$0x1070] =	vst v6;
	(pc) =	sbr.rel @p2 .LBB2_3-.Ltmp2, $4  }
0x8e: {  	[tilespmem:s22+$0x0] =	vst v8;
	v4 =	vld.idx.msk [tilespmem:v2+s31+$0x0], $0xffff  }
0x8f: {  	v2 =	vld.idx.msk [tilespmem:v7+s31+$0x0], $0xffff;
	[tilespmem:s22+$0x50] =	vst v9  }
0x90: {  	v3 =	vld.idx.msk [tilespmem:v3+s31+$0x0], $0xffff;
	[tilespmem:s22+$0x60] =	vst v10  }
0x91: {  	s0 =	sadd.s32 $0x80, s0;
	[tilespmem:s22+$0x1010] =	vst v11;
	v5 =	vld.idx.msk [tilespmem:v5+s31+$0x0], $0xffff  }
0x92: {  	[tilespmem:s22+$0x1020] =	vst v0  }
0x93: {  	[tilespmem:s22+$0x1030] =	vst v1  }
0x94: {  	[tilespmem:s22+$0x1040] =	vst v4  }
0x95: {  	s0 =	sshll.u32 s20, $0x10;
	s3 =	rddreg [dreg:$0x6]  }
0x96: {  	[tilespmem:s22+$0x1000] =	vst v2;
	s0 =	sor.u32 s3, s0  }
0x97: {  	[tilespmem:s22+$0x1050] =	vst v3;
	s0 =	sor.u32 s7, s0  }
0x98: {  	[tilespmem:s22+$0x1060] =	vst v5;
	s22 =	rddreg [dreg:$0x2];
	s3 =	sshrl.u32 s0, $0x3  }
0x99: {  	s23 =	simm.s32 $0x11000;
	s0 =	sadd.s32 s22, s3  }
0x9a: {  	[hbm4b:s0+s4] =	stream.linear.scatter [tilespmem:s23], [sflag:$0x3], $0x1000, $0x38;
	[tilespmem:$0x19200] =	vst v63  }
0x9b: {  	s22 =	sadd.s32 $0x200, s0;
	s23 =	simm.s32 $0x12000  }
0x9c: {  	[hbm4b:s22+s4] =	stream.linear.scatter [tilespmem:s23], [sflag:$0x3], $0x1000, $0x38;
	[tilespmem:$0x19200] =	vst v63  }
0x9d: {  	s23 =	sadd.s32 $0x400, s0  }
0x9e: {  	[hbm4b:s23+s4] =	stream.linear.scatter [tilespmem:s13], [sflag:$0x3], $0x1000, $0x38;
	[tilespmem:$0x19200] =	vst v63  }
0x9f: {  	s0 =	sadd.s32 $0x600, s0;
	s23 =	simm.s32 $0x14000  }
0xa0: {  	[hbm4b:s0+s4] =	stream.linear.scatter [tilespmem:s23], [sflag:$0x3], $0x1000, $0x38;
	[tilespmem:$0x19200] =	vst v63  }
0xa1: {  	s0 =	simm.s32 @!p1 $0x4  }
0xa2: {  	_ =	swait.ge @!p1 [sflag:s0], $0x1000  }
0xa3: {  	[sflag:s0] =	ssyncset.done @!p1 $0x0  }
0xa4: {  	[sflag:s0] =	ssyncadd.s32 @!p1 $0xFFFFF000  }
0xa5: {  	_ =	swait.ge @!p1 [sflag:s0], $0x1000  }
0xa6: {  	[sflag:s0] =	ssyncset.done @!p1 $0x0  }
0xa7: {  	[sflag:s0] =	ssyncadd.s32 @!p1 $0xFFFFF000  }
0xa8: {  	_ =	swait.ge @!p1 [sflag:s0], $0x1000  }
0xa9: {  	[sflag:s0] =	ssyncset.done @!p1 $0x0  }
0xaa: {  	[sflag:s0] =	ssyncadd.s32 @!p1 $0xFFFFF000  }
0xab: {  	_ =	swait.ge @!p1 [sflag:s0], $0x1000  }
0xac: {  	[sflag:s0] =	ssyncset.done @!p1 $0x0  }
0xad: {  	s23 =	simm.s32 $0x40;
	[sflag:s0] =	ssyncadd.s32 @!p1 $0xFFFFF000  }
0xae: {  	v0 =	vld [tilespmem:s23+$0x30]  }
0xaf: {  	v1 =	vld [tilespmem:s23+$0xFFFFFFD0]  }
0xb0: {  	v2 =	vld [tilespmem:s23+$0xFFFFFFE0]  }
0xb1: {  	v3 =	vld [tilespmem:s23+$0xFFFFFFF0]  }
0xb2: {  	v4 =	vld [tilespmem:s23+$0x0]  }
0xb3: {  	v5 =	vld [tilespmem:s23+$0x10]  }
0xb4: {  	v6 =	vld [tilespmem:s23+$0x20]  }
0xb5: {  	v7 =	vld [tilespmem:s23+$0xFFFFFFC0]  }
0xb6: {  	v8 =	vld.idx.msk [tilespmem:v0+s15+$0x0], $0xffff  }
0xb7: {  	v9 =	vld.idx.msk [tilespmem:v1+s15+$0x0], $0xffff  }
0xb8: {  	v10 =	vld.idx.msk [tilespmem:v2+s15+$0x0], $0xffff  }
0xb9: {  	v11 =	vld.idx.msk [tilespmem:v3+s15+$0x0], $0xffff  }
0xba: {  	v12 =	vld.idx.msk [tilespmem:v4+s15+$0x0], $0xffff  }
0xbb: {  	s22 =	simm.s32 $0x17000;
	v13 =	vld.idx.msk [tilespmem:v5+s15+$0x0], $0xffff  }
0xbc: {  	v14 =	vld.idx.msk [tilespmem:v6+s15+$0x0], $0xffff;
	[tilespmem:s22+$0xFFFFE070] =	vst v8  }
0xbd: {  	v50 =	vld.idx.msk [tilespmem:v7+s15+$0x0], $0xffff;
	[tilespmem:s22+$0xFFFFE010] =	vst v9  }
0xbe: {  	[tilespmem:s22+$0xFFFFE020] =	vst v10;
	v8 =	vld.idx.msk [tilespmem:v0+s16+$0x0], $0xffff  }
0xbf: {  	[tilespmem:s22+$0xFFFFE030] =	vst v11;
	v51 =	vld.idx.msk [tilespmem:v1+s16+$0x0], $0xffff  }
0xc0: {  	[tilespmem:s22+$0xFFFFE040] =	vst v12;
	v52 =	vld.idx.msk [tilespmem:v2+s16+$0x0], $0xffff  }
0xc1: {  	[tilespmem:s22+$0xFFFFE050] =	vst v13;
	v53 =	vld.idx.msk [tilespmem:v3+s16+$0x0], $0xffff  }
0xc2: {  	[tilespmem:s22+$0xFFFFE060] =	vst v14;
	v54 =	vld.idx.msk [tilespmem:v4+s16+$0x0], $0xffff  }
0xc3: {  	[tilespmem:s22+$0xFFFFE000] =	vst v50;
	v55 =	vld.idx.msk [tilespmem:v5+s16+$0x0], $0xffff  }
0xc4: {  	v9 =	vld.idx.msk [tilespmem:v7+s16+$0x0], $0xffff;
	[tilespmem:s22+$0xFFFFF070] =	vst v8  }
0xc5: {  	v56 =	vld.idx.msk [tilespmem:v6+s16+$0x0], $0xffff;
	[tilespmem:s22+$0xFFFFF010] =	vst v51  }
0xc6: {  	[tilespmem:s22+$0xFFFFF020] =	vst v52;
	v8 =	vld.idx.msk [tilespmem:v0+s17+$0x0], $0xffff  }
0xc7: {  	[tilespmem:s22+$0xFFFFF030] =	vst v53;
	v57 =	vld.idx.msk [tilespmem:v1+s17+$0x0], $0xffff  }
0xc8: {  	[tilespmem:s22+$0xFFFFF040] =	vst v54;
	v58 =	vld.idx.msk [tilespmem:v2+s17+$0x0], $0xffff  }
0xc9: {  	[tilespmem:s22+$0xFFFFF050] =	vst v55;
	v59 =	vld.idx.msk [tilespmem:v3+s17+$0x0], $0xffff  }
0xca: {  	[tilespmem:s22+$0xFFFFF000] =	vst v9;
	v60 =	vld.idx.msk [tilespmem:v4+s17+$0x0], $0xffff  }
0xcb: {  	[tilespmem:s22+$0xFFFFF060] =	vst v56;
	v9 =	vld.idx.msk [tilespmem:v7+s17+$0x0], $0xffff  }
0xcc: {  	v61 =	vld.idx.msk [tilespmem:v5+s17+$0x0], $0xffff;
	[tilespmem:s22+$0x70] =	vst v8  }
0xcd: {  	v62 =	vld.idx.msk [tilespmem:v6+s17+$0x0], $0xffff;
	[tilespmem:s22+$0x10] =	vst v57  }
0xce: {  	[tilespmem:s22+$0x20] =	vst v58;
	v8 =	vld.idx.msk [tilespmem:v0+s19+$0x0], $0xffff  }
0xcf: {  	[tilespmem:s22+$0x30] =	vst v59;
	v63 =	vld.idx.msk [tilespmem:v1+s19+$0x0], $0xffff  }
0xd0: {  	[tilespmem:s22+$0x40] =	vst v60;
	v0 =	vld.idx.msk [tilespmem:v2+s19+$0x0], $0xffff  }
0xd1: {  	[tilespmem:s22+$0x0] =	vst v9;
	v1 =	vld.idx.msk [tilespmem:v3+s19+$0x0], $0xffff  }
0xd2: {  	[tilespmem:s22+$0x50] =	vst v61;
	v3 =	vld.idx.msk [tilespmem:v4+s19+$0x0], $0xffff  }
0xd3: {  	[tilespmem:s22+$0x60] =	vst v62;
	v2 =	vld.idx.msk [tilespmem:v7+s19+$0x0], $0xffff  }
0xd4: {  	v4 =	vld.idx.msk [tilespmem:v5+s19+$0x0], $0xffff;
	[tilespmem:s22+$0x1070] =	vst v8  }
0xd5: {  	s0 =	simm.s32 $0x0;
	s23 =	simm.s32 $0xC0;
	v5 =	vld.idx.msk [tilespmem:v6+s19+$0x0], $0xffff;
	[tilespmem:s22+$0x1010] =	vst v63  }
.LBB2_5:
0xd6: {  	v6 =	vld [tilespmem:s23+$0x30];
	s0 =	sadd.s32 $0x8, s0;
	[tilespmem:s22+$0x1020] =	vst v0  }
0xd7: {  	v0 =	vld [tilespmem:s23+$0xFFFFFFD0];
	p1 =	slt.u32 s0, $0xF8;
	[tilespmem:s22+$0x1030] =	vst v1  }
0xd8: {  	v1 =	vld [tilespmem:s23+$0xFFFFFFE0];
	[tilespmem:s22+$0x1040] =	vst v3  }
0xd9: {  	v3 =	vld [tilespmem:s23+$0xFFFFFFF0];
	[tilespmem:s22+$0x1000] =	vst v2  }
0xda: {  	v2 =	vld [tilespmem:s23+$0x0];
	[tilespmem:s22+$0x1050] =	vst v4  }
0xdb: {  	v4 =	vld [tilespmem:s23+$0x10];
	[tilespmem:s22+$0x1060] =	vst v5  }
0xdc: {  	v5 =	vld [tilespmem:s23+$0x20]  }
0xdd: {  	v7 =	vld [tilespmem:s23+$0xFFFFFFC0]  }
0xde: {  	v8 =	vld.idx.msk [tilespmem:v6+s15+$0x0], $0xffff  }
0xdf: {  	v9 =	vld.idx.msk [tilespmem:v0+s15+$0x0], $0xffff  }
0xe0: {  	v10 =	vld.idx.msk [tilespmem:v1+s15+$0x0], $0xffff  }
0xe1: {  	v11 =	vld.idx.msk [tilespmem:v3+s15+$0x0], $0xffff  }
0xe2: {  	v12 =	vld.idx.msk [tilespmem:v2+s15+$0x0], $0xffff  }
0xe3: {  	s22 =	sadd.s32 $0x80, s22;
	v13 =	vld.idx.msk [tilespmem:v4+s15+$0x0], $0xffff  }
0xe4: {  	v14 =	vld.idx.msk [tilespmem:v5+s15+$0x0], $0xffff;
	[tilespmem:s22+$0xFFFFE070] =	vst v8  }
0xe5: {  	[tilespmem:s22+$0xFFFFE010] =	vst v9;
	v8 =	vld.idx.msk [tilespmem:v6+s16+$0x0], $0xffff  }
0xe6: {  	v9 =	vld.idx.msk [tilespmem:v7+s15+$0x0], $0xffff;
	[tilespmem:s22+$0xFFFFE020] =	vst v10  }
0xe7: {  	v10 =	vld.idx.msk [tilespmem:v0+s16+$0x0], $0xffff;
	[tilespmem:s22+$0xFFFFE030] =	vst v11  }
0xe8: {  	v11 =	vld.idx.msk [tilespmem:v1+s16+$0x0], $0xffff;
	[tilespmem:s22+$0xFFFFE040] =	vst v12  }
0xe9: {  	v12 =	vld.idx.msk [tilespmem:v3+s16+$0x0], $0xffff;
	[tilespmem:s22+$0xFFFFE050] =	vst v13  }
0xea: {  	v13 =	vld.idx.msk [tilespmem:v2+s16+$0x0], $0xffff;
	[tilespmem:s22+$0xFFFFE060] =	vst v14  }
0xeb: {  	v14 =	vld.idx.msk [tilespmem:v4+s16+$0x0], $0xffff;
	[tilespmem:s22+$0xFFFFF070] =	vst v8  }
0xec: {  	[tilespmem:s22+$0xFFFFE000] =	vst v9;
	v8 =	vld.idx.msk [tilespmem:v6+s17+$0x0], $0xffff  }
0xed: {  	v9 =	vld.idx.msk [tilespmem:v7+s16+$0x0], $0xffff;
	[tilespmem:s22+$0xFFFFF010] =	vst v10  }
0xee: {  	[tilespmem:s22+$0xFFFFF020] =	vst v11;
	v10 =	vld.idx.msk [tilespmem:v5+s16+$0x0], $0xffff  }
0xef: {  	v11 =	vld.idx.msk [tilespmem:v0+s17+$0x0], $0xffff;
	[tilespmem:s22+$0xFFFFF030] =	vst v12  }
0xf0: {  	v12 =	vld.idx.msk [tilespmem:v1+s17+$0x0], $0xffff;
	[tilespmem:s22+$0xFFFFF040] =	vst v13  }
0xf1: {  	v13 =	vld.idx.msk [tilespmem:v3+s17+$0x0], $0xffff;
	[tilespmem:s22+$0xFFFFF050] =	vst v14  }
0xf2: {  	v14 =	vld.idx.msk [tilespmem:v2+s17+$0x0], $0xffff;
	[tilespmem:s22+$0x70] =	vst v8  }
0xf3: {  	[tilespmem:s22+$0xFFFFF000] =	vst v9;
	v6 =	vld.idx.msk [tilespmem:v6+s19+$0x0], $0xffff  }
0xf4: {  	v8 =	vld.idx.msk [tilespmem:v7+s17+$0x0], $0xffff;
	[tilespmem:s22+$0xFFFFF060] =	vst v10  }
0xf5: {  	[tilespmem:s22+$0x10] =	vst v11;
	v9 =	vld.idx.msk [tilespmem:v4+s17+$0x0], $0xffff  }
0xf6: {  	[tilespmem:s22+$0x20] =	vst v12;
	v10 =	vld.idx.msk [tilespmem:v5+s17+$0x0], $0xffff  }
0xf7: {  	v11 =	vld.idx.msk [tilespmem:v0+s19+$0x0], $0xffff;
	[tilespmem:s22+$0x30] =	vst v13  }
0xf8: {  	v0 =	vld.idx.msk [tilespmem:v1+s19+$0x0], $0xffff;
	[tilespmem:s22+$0x40] =	vst v14  }
.Ltmp3:
0xf9: {  	v1 =	vld.idx.msk [tilespmem:v3+s19+$0x0], $0xffff;
	[tilespmem:s22+$0x1070] =	vst v6;
	(pc) =	sbr.rel @p1 .LBB2_5-.Ltmp3, $4  }
0xfa: {  	[tilespmem:s22+$0x0] =	vst v8;
	v3 =	vld.idx.msk [tilespmem:v2+s19+$0x0], $0xffff  }
0xfb: {  	v2 =	vld.idx.msk [tilespmem:v7+s19+$0x0], $0xffff;
	[tilespmem:s22+$0x50] =	vst v9  }
0xfc: {  	v4 =	vld.idx.msk [tilespmem:v4+s19+$0x0], $0xffff;
	[tilespmem:s22+$0x60] =	vst v10  }
0xfd: {  	s23 =	sadd.s32 $0x80, s23;
	[tilespmem:s22+$0x1010] =	vst v11;
	v5 =	vld.idx.msk [tilespmem:v5+s19+$0x0], $0xffff  }
0xfe: {  	[tilespmem:s22+$0x1020] =	vst v0  }
0xff: {  	[tilespmem:s22+$0x1030] =	vst v1  }
0x100: {  	[tilespmem:s22+$0x1040] =	vst v3  }
0x101: {  	s0 =	rddreg [dreg:$0x2];
	[tilespmem:s22+$0x1000] =	vst v2  }
0x102: {  	s3 =	sadd.s32 s3, s0;
	[tilespmem:s22+$0x1050] =	vst v4  }
0x103: {  	s23 =	simm.s32 $0x15000;
	s0 =	sadd.s32 $0x800, s3;
	[tilespmem:s22+$0x1060] =	vst v5  }
0x104: {  	[hbm4b:s0+s4] =	stream.linear.scatter [tilespmem:s23], [sflag:$0x4], $0x1000, $0x38;
	[tilespmem:$0x19200] =	vst v63  }
0x105: {  	p1 =	seq.s32 s20, $0x7;
	s0 =	rddreg [dreg:$0xa]  }
0x106: {  	s22 =	sadd.s32 $0xA00, s3;
	s23 =	simm.s32 $0x16000;
	s0 =	sadd.s32 @!p1 s21, s0  }
0x107: {  	[hbm4b:s22+s4] =	stream.linear.scatter [tilespmem:s23], [sflag:$0x4], $0x1000, $0x38;
	[tilespmem:$0x19200] =	vst v63  }
0x108: {  	s22 =	sadd.s32 $0xC00, s3;
	s23 =	simm.s32 $0x17000;
	s0 =	sshll.u32 @!p1 s0, $0xF  }
0x109: {  	[hbm4b:s22+s4] =	stream.linear.scatter [tilespmem:s23], [sflag:$0x4], $0x1000, $0x38;
	[tilespmem:$0x19200] =	vst v63  }
0x10a: {  	s0 =	sadd.s32 @!p1 s7, s0;
	s22 =	sadd.s32 $0xE00, s3;
	s23 =	simm.s32 $0x18000  }
0x10b: {  	[hbm4b:s22+s4] =	stream.linear.scatter [tilespmem:s23], [sflag:$0x4], $0x1000, $0x38;
	[tilespmem:$0x19200] =	vst v63  }
0x10c: {  	s0 =	sshrl.u32 @!p1 s0, $0x3;
	s22 =	rddreg [dreg:$0x0]  }
0x10d: {  	s23 =	simm.s32 @!p1 $0x1000;
	s0 =	sadd.s32 @!p1 s22, s0;
	s22 =	simm.s32 @!p1 $0x0  }
0x10e: {  	[tilespmem:s23], [sflag:$0x1] =	stream.linear.gather @!p1 [hbm4b:s0+s22], $0x8000, $0x38;
	[tilespmem:$0x19200] =	vst v63  }
0x10f: {  	_ =	swait.ge [sflag:s18], $0x8000  }
0x110: {  	[sflag:s18] =	ssyncset.done $0x0  }
0x111: {  	[sflag:s18] =	ssyncadd.s32 $0xFFFF8000  }
0x112: {  	_ =	swait.ge [sflag:s9], $0x1000  }
0x113: {  	[sflag:s9] =	ssyncset.done $0x0  }
0x114: {  	[sflag:s9] =	ssyncadd.s32 $0xFFFFF000  }
0x115: {  	_ =	swait.ge [sflag:s9], $0x1000  }
0x116: {  	[sflag:s9] =	ssyncset.done $0x0  }
0x117: {  	[sflag:s9] =	ssyncadd.s32 $0xFFFFF000  }
0x118: {  	_ =	swait.ge [sflag:s9], $0x1000  }
0x119: {  	[sflag:s9] =	ssyncset.done $0x0  }
0x11a: {  	[sflag:s9] =	ssyncadd.s32 $0xFFFFF000  }
0x11b: {  	_ =	swait.ge [sflag:s9], $0x1000  }
0x11c: {  	[sflag:s9] =	ssyncset.done $0x0  }
0x11d: {  	s23 =	simm.s32 $0x40;
	[sflag:s9] =	ssyncadd.s32 $0xFFFFF000  }
0x11e: {  	v0 =	vld [tilespmem:s23+$0x30]  }
0x11f: {  	v1 =	vld [tilespmem:s23+$0xFFFFFFD0]  }
0x120: {  	v2 =	vld [tilespmem:s23+$0xFFFFFFE0]  }
0x121: {  	v3 =	vld [tilespmem:s23+$0xFFFFFFF0]  }
0x122: {  	v4 =	vld [tilespmem:s23+$0x0]  }
0x123: {  	v5 =	vld [tilespmem:s23+$0x10]  }
0x124: {  	v6 =	vld [tilespmem:s23+$0x20]  }
0x125: {  	v7 =	vld [tilespmem:s23+$0xFFFFFFC0]  }
0x126: {  	v8 =	vld.idx.msk [tilespmem:v0+s26+$0x0], $0xffff  }
0x127: {  	v9 =	vld.idx.msk [tilespmem:v1+s26+$0x0], $0xffff  }
0x128: {  	v10 =	vld.idx.msk [tilespmem:v2+s26+$0x0], $0xffff  }
0x129: {  	v11 =	vld.idx.msk [tilespmem:v3+s26+$0x0], $0xffff  }
0x12a: {  	v12 =	vld.idx.msk [tilespmem:v4+s26+$0x0], $0xffff  }
0x12b: {  	s22 =	simm.s32 $0x13000;
	v13 =	vld.idx.msk [tilespmem:v5+s26+$0x0], $0xffff  }
0x12c: {  	v14 =	vld.idx.msk [tilespmem:v6+s26+$0x0], $0xffff;
	[tilespmem:s22+$0xFFFFE070] =	vst v8  }
0x12d: {  	v50 =	vld.idx.msk [tilespmem:v7+s26+$0x0], $0xffff;
	[tilespmem:s22+$0xFFFFE010] =	vst v9  }
0x12e: {  	[tilespmem:s22+$0xFFFFE020] =	vst v10;
	v8 =	vld.idx.msk [tilespmem:v0+s10+$0x0], $0xffff  }
0x12f: {  	[tilespmem:s22+$0xFFFFE030] =	vst v11;
	v51 =	vld.idx.msk [tilespmem:v1+s10+$0x0], $0xffff  }
0x130: {  	[tilespmem:s22+$0xFFFFE040] =	vst v12;
	v52 =	vld.idx.msk [tilespmem:v2+s10+$0x0], $0xffff  }
0x131: {  	[tilespmem:s22+$0xFFFFE050] =	vst v13;
	v53 =	vld.idx.msk [tilespmem:v3+s10+$0x0], $0xffff  }
0x132: {  	[tilespmem:s22+$0xFFFFE060] =	vst v14;
	v54 =	vld.idx.msk [tilespmem:v4+s10+$0x0], $0xffff  }
0x133: {  	[tilespmem:s22+$0xFFFFE000] =	vst v50;
	v55 =	vld.idx.msk [tilespmem:v5+s10+$0x0], $0xffff  }
0x134: {  	v9 =	vld.idx.msk [tilespmem:v7+s10+$0x0], $0xffff;
	[tilespmem:s22+$0xFFFFF070] =	vst v8  }
0x135: {  	v56 =	vld.idx.msk [tilespmem:v6+s10+$0x0], $0xffff;
	[tilespmem:s22+$0xFFFFF010] =	vst v51  }
0x136: {  	[tilespmem:s22+$0xFFFFF020] =	vst v52;
	v8 =	vld.idx.msk [tilespmem:v0+s24+$0x0], $0xffff  }
0x137: {  	[tilespmem:s22+$0xFFFFF030] =	vst v53;
	v57 =	vld.idx.msk [tilespmem:v1+s24+$0x0], $0xffff  }
0x138: {  	[tilespmem:s22+$0xFFFFF040] =	vst v54;
	v58 =	vld.idx.msk [tilespmem:v2+s24+$0x0], $0xffff  }
0x139: {  	[tilespmem:s22+$0xFFFFF050] =	vst v55;
	v59 =	vld.idx.msk [tilespmem:v3+s24+$0x0], $0xffff  }
0x13a: {  	[tilespmem:s22+$0xFFFFF000] =	vst v9;
	v60 =	vld.idx.msk [tilespmem:v4+s24+$0x0], $0xffff  }
0x13b: {  	[tilespmem:s22+$0xFFFFF060] =	vst v56;
	v9 =	vld.idx.msk [tilespmem:v7+s24+$0x0], $0xffff  }
0x13c: {  	v61 =	vld.idx.msk [tilespmem:v5+s24+$0x0], $0xffff;
	[tilespmem:s22+$0x70] =	vst v8  }
0x13d: {  	v62 =	vld.idx.msk [tilespmem:v6+s24+$0x0], $0xffff;
	[tilespmem:s22+$0x10] =	vst v57  }
0x13e: {  	[tilespmem:s22+$0x20] =	vst v58;
	v8 =	vld.idx.msk [tilespmem:v0+s8+$0x0], $0xffff  }
0x13f: {  	[tilespmem:s22+$0x30] =	vst v59;
	v63 =	vld.idx.msk [tilespmem:v1+s8+$0x0], $0xffff  }
0x140: {  	[tilespmem:s22+$0x40] =	vst v60;
	v0 =	vld.idx.msk [tilespmem:v2+s8+$0x0], $0xffff  }
0x141: {  	[tilespmem:s22+$0x0] =	vst v9;
	v1 =	vld.idx.msk [tilespmem:v3+s8+$0x0], $0xffff  }
0x142: {  	[tilespmem:s22+$0x50] =	vst v61;
	v3 =	vld.idx.msk [tilespmem:v4+s8+$0x0], $0xffff  }
0x143: {  	[tilespmem:s22+$0x60] =	vst v62;
	v2 =	vld.idx.msk [tilespmem:v7+s8+$0x0], $0xffff  }
0x144: {  	v4 =	vld.idx.msk [tilespmem:v5+s8+$0x0], $0xffff;
	[tilespmem:s22+$0x1070] =	vst v8  }
0x145: {  	s0 =	simm.s32 $0x0;
	s23 =	simm.s32 $0xC0;
	v5 =	vld.idx.msk [tilespmem:v6+s8+$0x0], $0xffff;
	[tilespmem:s22+$0x1010] =	vst v63  }
.LBB2_7:
0x146: {  	v6 =	vld [tilespmem:s23+$0x30];
	s0 =	sadd.s32 $0x8, s0;
	[tilespmem:s22+$0x1020] =	vst v0  }
0x147: {  	v0 =	vld [tilespmem:s23+$0xFFFFFFD0];
	p2 =	slt.u32 s0, $0xF8;
	[tilespmem:s22+$0x1030] =	vst v1  }
0x148: {  	v1 =	vld [tilespmem:s23+$0xFFFFFFE0];
	[tilespmem:s22+$0x1040] =	vst v3  }
0x149: {  	v3 =	vld [tilespmem:s23+$0xFFFFFFF0];
	[tilespmem:s22+$0x1000] =	vst v2  }
0x14a: {  	v2 =	vld [tilespmem:s23+$0x0];
	[tilespmem:s22+$0x1050] =	vst v4  }
0x14b: {  	v4 =	vld [tilespmem:s23+$0x10];
	[tilespmem:s22+$0x1060] =	vst v5  }
0x14c: {  	v5 =	vld [tilespmem:s23+$0x20]  }
0x14d: {  	v7 =	vld [tilespmem:s23+$0xFFFFFFC0]  }
0x14e: {  	v8 =	vld.idx.msk [tilespmem:v6+s26+$0x0], $0xffff  }
0x14f: {  	v9 =	vld.idx.msk [tilespmem:v0+s26+$0x0], $0xffff  }
0x150: {  	v10 =	vld.idx.msk [tilespmem:v1+s26+$0x0], $0xffff  }
0x151: {  	v11 =	vld.idx.msk [tilespmem:v3+s26+$0x0], $0xffff  }
0x152: {  	v12 =	vld.idx.msk [tilespmem:v2+s26+$0x0], $0xffff  }
0x153: {  	s22 =	sadd.s32 $0x80, s22;
	v13 =	vld.idx.msk [tilespmem:v4+s26+$0x0], $0xffff  }
0x154: {  	v14 =	vld.idx.msk [tilespmem:v5+s26+$0x0], $0xffff;
	[tilespmem:s22+$0xFFFFE070] =	vst v8  }
0x155: {  	[tilespmem:s22+$0xFFFFE010] =	vst v9;
	v8 =	vld.idx.msk [tilespmem:v6+s10+$0x0], $0xffff  }
0x156: {  	v9 =	vld.idx.msk [tilespmem:v7+s26+$0x0], $0xffff;
	[tilespmem:s22+$0xFFFFE020] =	vst v10  }
0x157: {  	v10 =	vld.idx.msk [tilespmem:v0+s10+$0x0], $0xffff;
	[tilespmem:s22+$0xFFFFE030] =	vst v11  }
0x158: {  	v11 =	vld.idx.msk [tilespmem:v1+s10+$0x0], $0xffff;
	[tilespmem:s22+$0xFFFFE040] =	vst v12  }
0x159: {  	v12 =	vld.idx.msk [tilespmem:v3+s10+$0x0], $0xffff;
	[tilespmem:s22+$0xFFFFE050] =	vst v13  }
0x15a: {  	v13 =	vld.idx.msk [tilespmem:v2+s10+$0x0], $0xffff;
	[tilespmem:s22+$0xFFFFE060] =	vst v14  }
0x15b: {  	v14 =	vld.idx.msk [tilespmem:v4+s10+$0x0], $0xffff;
	[tilespmem:s22+$0xFFFFF070] =	vst v8  }
0x15c: {  	[tilespmem:s22+$0xFFFFE000] =	vst v9;
	v8 =	vld.idx.msk [tilespmem:v6+s24+$0x0], $0xffff  }
0x15d: {  	v9 =	vld.idx.msk [tilespmem:v7+s10+$0x0], $0xffff;
	[tilespmem:s22+$0xFFFFF010] =	vst v10  }
0x15e: {  	[tilespmem:s22+$0xFFFFF020] =	vst v11;
	v10 =	vld.idx.msk [tilespmem:v5+s10+$0x0], $0xffff  }
0x15f: {  	v11 =	vld.idx.msk [tilespmem:v0+s24+$0x0], $0xffff;
	[tilespmem:s22+$0xFFFFF030] =	vst v12  }
0x160: {  	v12 =	vld.idx.msk [tilespmem:v1+s24+$0x0], $0xffff;
	[tilespmem:s22+$0xFFFFF040] =	vst v13  }
0x161: {  	v13 =	vld.idx.msk [tilespmem:v3+s24+$0x0], $0xffff;
	[tilespmem:s22+$0xFFFFF050] =	vst v14  }
0x162: {  	v14 =	vld.idx.msk [tilespmem:v2+s24+$0x0], $0xffff;
	[tilespmem:s22+$0x70] =	vst v8  }
0x163: {  	[tilespmem:s22+$0xFFFFF000] =	vst v9;
	v6 =	vld.idx.msk [tilespmem:v6+s8+$0x0], $0xffff  }
0x164: {  	v8 =	vld.idx.msk [tilespmem:v7+s24+$0x0], $0xffff;
	[tilespmem:s22+$0xFFFFF060] =	vst v10  }
0x165: {  	[tilespmem:s22+$0x10] =	vst v11;
	v9 =	vld.idx.msk [tilespmem:v4+s24+$0x0], $0xffff  }
0x166: {  	[tilespmem:s22+$0x20] =	vst v12;
	v10 =	vld.idx.msk [tilespmem:v5+s24+$0x0], $0xffff  }
0x167: {  	v11 =	vld.idx.msk [tilespmem:v0+s8+$0x0], $0xffff;
	[tilespmem:s22+$0x30] =	vst v13  }
0x168: {  	v0 =	vld.idx.msk [tilespmem:v1+s8+$0x0], $0xffff;
	[tilespmem:s22+$0x40] =	vst v14  }
.Ltmp4:
0x169: {  	v1 =	vld.idx.msk [tilespmem:v3+s8+$0x0], $0xffff;
	[tilespmem:s22+$0x1070] =	vst v6;
	(pc) =	sbr.rel @p2 .LBB2_7-.Ltmp4, $4  }
0x16a: {  	[tilespmem:s22+$0x0] =	vst v8;
	v3 =	vld.idx.msk [tilespmem:v2+s8+$0x0], $0xffff  }
0x16b: {  	v2 =	vld.idx.msk [tilespmem:v7+s8+$0x0], $0xffff;
	[tilespmem:s22+$0x50] =	vst v9  }
0x16c: {  	v4 =	vld.idx.msk [tilespmem:v4+s8+$0x0], $0xffff;
	[tilespmem:s22+$0x60] =	vst v10  }
0x16d: {  	s23 =	sadd.s32 $0x80, s23;
	[tilespmem:s22+$0x1010] =	vst v11;
	v5 =	vld.idx.msk [tilespmem:v5+s8+$0x0], $0xffff  }
0x16e: {  	[tilespmem:s22+$0x1020] =	vst v0  }
0x16f: {  	[tilespmem:s22+$0x1030] =	vst v1  }
0x170: {  	[tilespmem:s22+$0x1040] =	vst v3  }
0x171: {  	[tilespmem:s22+$0x1000] =	vst v2  }
0x172: {  	[tilespmem:s22+$0x1050] =	vst v4  }
0x173: {  	s0 =	sadd.s32 $0x1000, s3;
	s23 =	simm.s32 $0x11000;
	[tilespmem:s22+$0x1060] =	vst v5  }
0x174: {  	[hbm4b:s0+s4] =	stream.linear.scatter [tilespmem:s23], [sflag:$0x3], $0x1000, $0x38;
	[tilespmem:$0x19200] =	vst v63  }
0x175: {  	s22 =	sadd.s32 $0x1200, s3;
	s23 =	simm.s32 $0x12000  }
0x176: {  	[hbm4b:s22+s4] =	stream.linear.scatter [tilespmem:s23], [sflag:$0x3], $0x1000, $0x38;
	[tilespmem:$0x19200] =	vst v63  }
0x177: {  	s23 =	sadd.s32 $0x1400, s3  }
0x178: {  	[hbm4b:s23+s4] =	stream.linear.scatter [tilespmem:s13], [sflag:$0x3], $0x1000, $0x38;
	[tilespmem:$0x19200] =	vst v63  }
0x179: {  	s22 =	sadd.s32 $0x1600, s3;
	s23 =	simm.s32 $0x14000  }
0x17a: {  	[hbm4b:s22+s4] =	stream.linear.scatter [tilespmem:s23], [sflag:$0x3], $0x1000, $0x38;
	[tilespmem:$0x19200] =	vst v63  }
0x17b: {  	_ =	swait.ge [sflag:s28], $0x1000  }
0x17c: {  	[sflag:s28] =	ssyncset.done $0x0  }
0x17d: {  	[sflag:s28] =	ssyncadd.s32 $0xFFFFF000  }
0x17e: {  	_ =	swait.ge [sflag:s28], $0x1000  }
0x17f: {  	[sflag:s28] =	ssyncset.done $0x0  }
0x180: {  	[sflag:s28] =	ssyncadd.s32 $0xFFFFF000  }
0x181: {  	_ =	swait.ge [sflag:s28], $0x1000  }
0x182: {  	[sflag:s28] =	ssyncset.done $0x0  }
0x183: {  	[sflag:s28] =	ssyncadd.s32 $0xFFFFF000  }
0x184: {  	_ =	swait.ge [sflag:s28], $0x1000  }
0x185: {  	[sflag:s28] =	ssyncset.done $0x0  }
0x186: {  	s23 =	simm.s32 $0x40;
	[sflag:s28] =	ssyncadd.s32 $0xFFFFF000  }
0x187: {  	v0 =	vld [tilespmem:s23+$0x30]  }
0x188: {  	v1 =	vld [tilespmem:s23+$0xFFFFFFD0]  }
0x189: {  	v2 =	vld [tilespmem:s23+$0xFFFFFFE0]  }
0x18a: {  	v3 =	vld [tilespmem:s23+$0xFFFFFFF0]  }
0x18b: {  	v4 =	vld [tilespmem:s23+$0x0]  }
0x18c: {  	v5 =	vld [tilespmem:s23+$0x10]  }
0x18d: {  	v6 =	vld [tilespmem:s23+$0x20]  }
0x18e: {  	v7 =	vld [tilespmem:s23+$0xFFFFFFC0]  }
0x18f: {  	v8 =	vld.idx.msk [tilespmem:v0+s1+$0x0], $0xffff  }
0x190: {  	v9 =	vld.idx.msk [tilespmem:v1+s1+$0x0], $0xffff  }
0x191: {  	v10 =	vld.idx.msk [tilespmem:v2+s1+$0x0], $0xffff  }
0x192: {  	v11 =	vld.idx.msk [tilespmem:v3+s1+$0x0], $0xffff  }
0x193: {  	v12 =	vld.idx.msk [tilespmem:v4+s1+$0x0], $0xffff  }
0x194: {  	s22 =	simm.s32 $0x17000;
	v13 =	vld.idx.msk [tilespmem:v5+s1+$0x0], $0xffff  }
0x195: {  	v14 =	vld.idx.msk [tilespmem:v6+s1+$0x0], $0xffff;
	[tilespmem:s22+$0xFFFFE070] =	vst v8  }
0x196: {  	v50 =	vld.idx.msk [tilespmem:v7+s1+$0x0], $0xffff;
	[tilespmem:s22+$0xFFFFE010] =	vst v9  }
0x197: {  	[tilespmem:s22+$0xFFFFE020] =	vst v10;
	v8 =	vld.idx.msk [tilespmem:v0+s12+$0x0], $0xffff  }
0x198: {  	[tilespmem:s22+$0xFFFFE030] =	vst v11;
	v51 =	vld.idx.msk [tilespmem:v1+s12+$0x0], $0xffff  }
0x199: {  	[tilespmem:s22+$0xFFFFE040] =	vst v12;
	v52 =	vld.idx.msk [tilespmem:v2+s12+$0x0], $0xffff  }
0x19a: {  	[tilespmem:s22+$0xFFFFE050] =	vst v13;
	v53 =	vld.idx.msk [tilespmem:v3+s12+$0x0], $0xffff  }
0x19b: {  	[tilespmem:s22+$0xFFFFE060] =	vst v14;
	v54 =	vld.idx.msk [tilespmem:v4+s12+$0x0], $0xffff  }
0x19c: {  	[tilespmem:s22+$0xFFFFE000] =	vst v50;
	v55 =	vld.idx.msk [tilespmem:v5+s12+$0x0], $0xffff  }
0x19d: {  	v9 =	vld.idx.msk [tilespmem:v7+s12+$0x0], $0xffff;
	[tilespmem:s22+$0xFFFFF070] =	vst v8  }
0x19e: {  	v56 =	vld.idx.msk [tilespmem:v6+s12+$0x0], $0xffff;
	[tilespmem:s22+$0xFFFFF010] =	vst v51  }
0x19f: {  	[tilespmem:s22+$0xFFFFF020] =	vst v52;
	v8 =	vld.idx.msk [tilespmem:v0+s2+$0x0], $0xffff  }
0x1a0: {  	[tilespmem:s22+$0xFFFFF030] =	vst v53;
	v57 =	vld.idx.msk [tilespmem:v1+s2+$0x0], $0xffff  }
0x1a1: {  	[tilespmem:s22+$0xFFFFF040] =	vst v54;
	v58 =	vld.idx.msk [tilespmem:v2+s2+$0x0], $0xffff  }
0x1a2: {  	[tilespmem:s22+$0xFFFFF050] =	vst v55;
	v59 =	vld.idx.msk [tilespmem:v3+s2+$0x0], $0xffff  }
0x1a3: {  	[tilespmem:s22+$0xFFFFF000] =	vst v9;
	v60 =	vld.idx.msk [tilespmem:v4+s2+$0x0], $0xffff  }
0x1a4: {  	[tilespmem:s22+$0xFFFFF060] =	vst v56;
	v9 =	vld.idx.msk [tilespmem:v7+s2+$0x0], $0xffff  }
0x1a5: {  	v61 =	vld.idx.msk [tilespmem:v5+s2+$0x0], $0xffff;
	[tilespmem:s22+$0x70] =	vst v8  }
0x1a6: {  	v62 =	vld.idx.msk [tilespmem:v6+s2+$0x0], $0xffff;
	[tilespmem:s22+$0x10] =	vst v57  }
0x1a7: {  	[tilespmem:s22+$0x20] =	vst v58;
	v8 =	vld.idx.msk [tilespmem:v0+s6+$0x0], $0xffff  }
0x1a8: {  	[tilespmem:s22+$0x30] =	vst v59;
	v63 =	vld.idx.msk [tilespmem:v1+s6+$0x0], $0xffff  }
0x1a9: {  	[tilespmem:s22+$0x40] =	vst v60;
	v0 =	vld.idx.msk [tilespmem:v2+s6+$0x0], $0xffff  }
0x1aa: {  	[tilespmem:s22+$0x0] =	vst v9;
	v1 =	vld.idx.msk [tilespmem:v3+s6+$0x0], $0xffff  }
0x1ab: {  	[tilespmem:s22+$0x50] =	vst v61;
	v3 =	vld.idx.msk [tilespmem:v4+s6+$0x0], $0xffff  }
0x1ac: {  	[tilespmem:s22+$0x60] =	vst v62;
	v2 =	vld.idx.msk [tilespmem:v7+s6+$0x0], $0xffff  }
0x1ad: {  	v4 =	vld.idx.msk [tilespmem:v5+s6+$0x0], $0xffff;
	[tilespmem:s22+$0x1070] =	vst v8  }
0x1ae: {  	s0 =	simm.s32 $0x0;
	s23 =	simm.s32 $0xC0;
	v5 =	vld.idx.msk [tilespmem:v6+s6+$0x0], $0xffff;
	[tilespmem:s22+$0x1010] =	vst v63  }
.LBB2_9:
0x1af: {  	v6 =	vld [tilespmem:s23+$0x30];
	s0 =	sadd.s32 $0x8, s0;
	[tilespmem:s22+$0x1020] =	vst v0  }
0x1b0: {  	v0 =	vld [tilespmem:s23+$0xFFFFFFD0];
	p2 =	slt.u32 s0, $0xF8;
	[tilespmem:s22+$0x1030] =	vst v1  }
0x1b1: {  	v1 =	vld [tilespmem:s23+$0xFFFFFFE0];
	[tilespmem:s22+$0x1040] =	vst v3  }
0x1b2: {  	v3 =	vld [tilespmem:s23+$0xFFFFFFF0];
	[tilespmem:s22+$0x1000] =	vst v2  }
0x1b3: {  	v2 =	vld [tilespmem:s23+$0x0];
	[tilespmem:s22+$0x1050] =	vst v4  }
0x1b4: {  	v4 =	vld [tilespmem:s23+$0x10];
	[tilespmem:s22+$0x1060] =	vst v5  }
0x1b5: {  	v5 =	vld [tilespmem:s23+$0x20]  }
0x1b6: {  	v7 =	vld [tilespmem:s23+$0xFFFFFFC0]  }
0x1b7: {  	v8 =	vld.idx.msk [tilespmem:v6+s1+$0x0], $0xffff  }
0x1b8: {  	v9 =	vld.idx.msk [tilespmem:v0+s1+$0x0], $0xffff  }
0x1b9: {  	v10 =	vld.idx.msk [tilespmem:v1+s1+$0x0], $0xffff  }
0x1ba: {  	v11 =	vld.idx.msk [tilespmem:v3+s1+$0x0], $0xffff  }
0x1bb: {  	v12 =	vld.idx.msk [tilespmem:v2+s1+$0x0], $0xffff  }
0x1bc: {  	s22 =	sadd.s32 $0x80, s22;
	v13 =	vld.idx.msk [tilespmem:v4+s1+$0x0], $0xffff  }
0x1bd: {  	v14 =	vld.idx.msk [tilespmem:v5+s1+$0x0], $0xffff;
	[tilespmem:s22+$0xFFFFE070] =	vst v8  }
0x1be: {  	[tilespmem:s22+$0xFFFFE010] =	vst v9;
	v8 =	vld.idx.msk [tilespmem:v6+s12+$0x0], $0xffff  }
0x1bf: {  	v9 =	vld.idx.msk [tilespmem:v7+s1+$0x0], $0xffff;
	[tilespmem:s22+$0xFFFFE020] =	vst v10  }
0x1c0: {  	v10 =	vld.idx.msk [tilespmem:v0+s12+$0x0], $0xffff;
	[tilespmem:s22+$0xFFFFE030] =	vst v11  }
0x1c1: {  	v11 =	vld.idx.msk [tilespmem:v1+s12+$0x0], $0xffff;
	[tilespmem:s22+$0xFFFFE040] =	vst v12  }
0x1c2: {  	v12 =	vld.idx.msk [tilespmem:v3+s12+$0x0], $0xffff;
	[tilespmem:s22+$0xFFFFE050] =	vst v13  }
0x1c3: {  	v13 =	vld.idx.msk [tilespmem:v2+s12+$0x0], $0xffff;
	[tilespmem:s22+$0xFFFFE060] =	vst v14  }
0x1c4: {  	v14 =	vld.idx.msk [tilespmem:v4+s12+$0x0], $0xffff;
	[tilespmem:s22+$0xFFFFF070] =	vst v8  }
0x1c5: {  	[tilespmem:s22+$0xFFFFE000] =	vst v9;
	v8 =	vld.idx.msk [tilespmem:v6+s2+$0x0], $0xffff  }
0x1c6: {  	v9 =	vld.idx.msk [tilespmem:v7+s12+$0x0], $0xffff;
	[tilespmem:s22+$0xFFFFF010] =	vst v10  }
0x1c7: {  	[tilespmem:s22+$0xFFFFF020] =	vst v11;
	v10 =	vld.idx.msk [tilespmem:v5+s12+$0x0], $0xffff  }
0x1c8: {  	v11 =	vld.idx.msk [tilespmem:v0+s2+$0x0], $0xffff;
	[tilespmem:s22+$0xFFFFF030] =	vst v12  }
0x1c9: {  	v12 =	vld.idx.msk [tilespmem:v1+s2+$0x0], $0xffff;
	[tilespmem:s22+$0xFFFFF040] =	vst v13  }
0x1ca: {  	v13 =	vld.idx.msk [tilespmem:v3+s2+$0x0], $0xffff;
	[tilespmem:s22+$0xFFFFF050] =	vst v14  }
0x1cb: {  	v14 =	vld.idx.msk [tilespmem:v2+s2+$0x0], $0xffff;
	[tilespmem:s22+$0x70] =	vst v8  }
0x1cc: {  	[tilespmem:s22+$0xFFFFF000] =	vst v9;
	v6 =	vld.idx.msk [tilespmem:v6+s6+$0x0], $0xffff  }
0x1cd: {  	v8 =	vld.idx.msk [tilespmem:v7+s2+$0x0], $0xffff;
	[tilespmem:s22+$0xFFFFF060] =	vst v10  }
0x1ce: {  	[tilespmem:s22+$0x10] =	vst v11;
	v9 =	vld.idx.msk [tilespmem:v4+s2+$0x0], $0xffff  }
0x1cf: {  	[tilespmem:s22+$0x20] =	vst v12;
	v10 =	vld.idx.msk [tilespmem:v5+s2+$0x0], $0xffff  }
0x1d0: {  	v11 =	vld.idx.msk [tilespmem:v0+s6+$0x0], $0xffff;
	[tilespmem:s22+$0x30] =	vst v13  }
0x1d1: {  	v0 =	vld.idx.msk [tilespmem:v1+s6+$0x0], $0xffff;
	[tilespmem:s22+$0x40] =	vst v14  }
.Ltmp5:
0x1d2: {  	v1 =	vld.idx.msk [tilespmem:v3+s6+$0x0], $0xffff;
	[tilespmem:s22+$0x1070] =	vst v6;
	(pc) =	sbr.rel @p2 .LBB2_9-.Ltmp5, $4  }
0x1d3: {  	[tilespmem:s22+$0x0] =	vst v8;
	v3 =	vld.idx.msk [tilespmem:v2+s6+$0x0], $0xffff  }
0x1d4: {  	v2 =	vld.idx.msk [tilespmem:v7+s6+$0x0], $0xffff;
	[tilespmem:s22+$0x50] =	vst v9  }
0x1d5: {  	v4 =	vld.idx.msk [tilespmem:v4+s6+$0x0], $0xffff;
	[tilespmem:s22+$0x60] =	vst v10  }
0x1d6: {  	s23 =	sadd.s32 $0x80, s23;
	[tilespmem:s22+$0x1010] =	vst v11;
	v5 =	vld.idx.msk [tilespmem:v5+s6+$0x0], $0xffff  }
0x1d7: {  	[tilespmem:s22+$0x1020] =	vst v0  }
0x1d8: {  	[tilespmem:s22+$0x1030] =	vst v1  }
0x1d9: {  	[tilespmem:s22+$0x1040] =	vst v3  }
0x1da: {  	[tilespmem:s22+$0x1000] =	vst v2  }
0x1db: {  	[tilespmem:s22+$0x1050] =	vst v4  }
0x1dc: {  	s0 =	sadd.s32 $0x1800, s3;
	s23 =	simm.s32 $0x15000;
	[tilespmem:s22+$0x1060] =	vst v5  }
0x1dd: {  	[hbm4b:s0+s4] =	stream.linear.scatter [tilespmem:s23], [sflag:$0x4], $0x1000, $0x38;
	[tilespmem:$0x19200] =	vst v63  }
0x1de: {  	s22 =	sadd.s32 $0x1A00, s3;
	s23 =	simm.s32 $0x16000  }
0x1df: {  	[hbm4b:s22+s4] =	stream.linear.scatter [tilespmem:s23], [sflag:$0x4], $0x1000, $0x38;
	[tilespmem:$0x19200] =	vst v63  }
.Ltmp6:
0x1e0: {  	_ = 	snop;
	(pc) =	sbr.rel @p1 .LBB2_12-.Ltmp6, $4  }
0x1e1: {  	s22 =	sadd.s32 $0x1C00, s3;
	s23 =	simm.s32 $0x17000  }
0x1e2: {  	[hbm4b:s22+s4] =	stream.linear.scatter [tilespmem:s23], [sflag:$0x4], $0x1000, $0x38;
	[tilespmem:$0x19200] =	vst v63  }
0x1e3: {  	s22 =	sadd.s32 $0x1E00, s3;
	s23 =	simm.s32 $0x18000  }
0x1e4: {  	[hbm4b:s22+s4] =	stream.linear.scatter [tilespmem:s23], [sflag:$0x4], $0x1000, $0x38;
	[tilespmem:$0x19200] =	vst v63  }
0x1e5: {  	s0 =	rddreg [dreg:$0xb]  }
0x1e6: {  	s0 =	sadd.s32 s21, s0  }
.Ltmp7:
0x1e7: {  	s0 =	sshll.u32 s0, $0xF;
	(pc) =	sbr.rel .LBB2_2-.Ltmp7, $4  }
0x1e8: {  	s0 =	sadd.s32 s7, s0  }
0x1e9: {  	s3 =	rddreg [dreg:$0x0];
	s0 =	sshrl.u32 s0, $0x3  }
0x1ea: {  	s20 =	sadd.s32 $0x1, s20;
	s0 =	sadd.s32 s3, s0  }
0x1eb: {  	[tilespmem:s26], [sflag:$0x2] =	stream.linear.gather [hbm4b:s0+s4], $0x8000, $0x38;
	[tilespmem:$0x19200] =	vst v63  }
.LBB2_12:
0x1ec: {  	_ =	swait.ge [sflag:s9], $0x1000  }
0x1ed: {  	[sflag:s9] =	ssyncset.done $0x0  }
0x1ee: {  	[sflag:s9] =	ssyncadd.s32 $0xFFFFF000  }
0x1ef: {  	_ =	swait.ge [sflag:s9], $0x1000  }
0x1f0: {  	[sflag:s9] =	ssyncset.done $0x0  }
0x1f1: {  	[sflag:s9] =	ssyncadd.s32 $0xFFFFF000  }
0x1f2: {  	_ =	swait.ge [sflag:s9], $0x1000  }
0x1f3: {  	[sflag:s9] =	ssyncset.done $0x0  }
0x1f4: {  	[sflag:s9] =	ssyncadd.s32 $0xFFFFF000  }
0x1f5: {  	_ =	swait.ge [sflag:s9], $0x1000  }
0x1f6: {  	[sflag:s9] =	ssyncset.done $0x0  }
0x1f7: {  	[sflag:s9] =	ssyncadd.s32 $0xFFFFF000  }
0x1f8: {  	_ =	swait.ge [sflag:s28], $0x1000  }
0x1f9: {  	[sflag:s28] =	ssyncset.done $0x0  }
0x1fa: {  	[sflag:s28] =	ssyncadd.s32 $0xFFFFF000  }
0x1fb: {  	_ =	swait.ge [sflag:s28], $0x1000  }
0x1fc: {  	[sflag:s28] =	ssyncset.done $0x0  }
0x1fd: {  	[sflag:s28] =	ssyncadd.s32 $0xFFFFF000  }
0x1fe: {  	_ =	swait.ge [sflag:s28], $0x1000  }
.Ltmp8:
0x1ff: {  	[sflag:s28] =	ssyncset.done $0x0;
	(pc) =	sbr.rel @p0 .LBB2_16-.Ltmp8, $4  }
0x200: {  	[sflag:s28] =	ssyncadd.s32 $0xFFFFF000  }
0x201: {  	_ =	swait.ge [sflag:s28], $0x1000  }
0x202: {  	[sflag:s28] =	ssyncset.done $0x0  }
0x203: {  	s21 =	simm.s32 $0x5;
	s3 =	rddreg [dreg:$0x18];
	[sflag:s28] =	ssyncadd.s32 $0xFFFFF000  }
0x204: {  	s0 =	rddreg [dreg:$0xc]  }
0x205: {  	[tilespmem:s25], [sflag:$0x5] =	stream.linear.gather [hbm4b:s0+s4], $0x1000, $0x38;
	[tilespmem:$0x19200] =	vst v63  }
0x206: {  	_ =	swait.ge [sflag:s21], $0x1000  }
0x207: {  	[sflag:s21] =	ssyncset.done $0x0  }
0x208: {  	s3 =	rddreg [dreg:$0xd];
	[sflag:s21] =	ssyncadd.s32 $0xFFFFF000  }
0x209: {  	[tilespmem:s11], [sflag:$0x5] =	stream.linear.gather [hbm4b:s3+s4], $0x1000, $0x38;
	[tilespmem:$0x19200] =	vst v63  }
0x20a: {  	_ =	swait.ge [sflag:s21], $0x1000  }
0x20b: {  	[sflag:s21] =	ssyncset.done $0x0  }
0x20c: {  	s20 =	rddreg [dreg:$0xe];
	[sflag:s21] =	ssyncadd.s32 $0xFFFFF000  }
0x20d: {  	[tilespmem:s14], [sflag:$0x5] =	stream.linear.gather [hbm4b:s20+s4], $0x1000, $0x38;
	[tilespmem:$0x19200] =	vst v63  }
0x20e: {  	_ =	swait.ge [sflag:s21], $0x1000  }
0x20f: {  	[sflag:s21] =	ssyncset.done $0x0  }
0x210: {  	s3 =	simm.s32 $0x19000;
	s22 =	rddreg [dreg:$0xf];
	[sflag:s21] =	ssyncadd.s32 $0xFFFFF000  }
0x211: {  	[tilespmem:s3], [sflag:$0x5] =	stream.linear.gather [hbm4b:s22+s4], $0x80, $0x38;
	[tilespmem:$0x19200] =	vst v63  }
0x212: {  	_ =	swait.ge [sflag:s21], $0x80  }
0x213: {  	[sflag:s21] =	ssyncset.done $0x0  }
0x214: {  	s23 =	rddreg [dreg:$0x10];
	[sflag:s21] =	ssyncadd.s32 $0xFFFFFF80  }
0x215: {  	[tilespmem:s4], [sflag:$0x5] =	stream.linear.gather [hbm4b:s23+s4], $0x1000, $0x38;
	[tilespmem:$0x19200] =	vst v63  }
0x216: {  	_ =	swait.ge [sflag:s21], $0x1000  }
0x217: {  	[sflag:s21] =	ssyncset.done $0x0  }
0x218: {  	[sflag:s21] =	ssyncadd.s32 $0xFFFFF000  }
0x219: {  	v0 =	vld [tilespmem:$0x19000];
	_ =	sdelay $0x7  }
0x21a: {  	v1 =	vld.idx.msk [tilespmem:v0+s25+$0x0], $0xffff;
	_ =	sdelay $0x4  }
0x21b: {  	[tilespmem:$0x19080] =	vst v1  }
0x21c: {  	v1 =	vld.idx.msk [tilespmem:v0+s11+$0x0], $0xffff;
	_ =	sdelay $0x3  }
0x21d: {  	v2 =	vld [tilespmem:$0x19010]  }
0x21e: {  	[tilespmem:$0x19100] =	vst v1  }
0x21f: {  	v0 =	vld.idx.msk [tilespmem:v0+s14+$0x0], $0xffff;
	_ =	sdelay $0x4  }
0x220: {  	[tilespmem:$0x19180] =	vst v0  }
0x221: {  	v0 =	vld.idx.msk [tilespmem:v2+s25+$0x0], $0xffff;
	_ =	sdelay $0x4  }
0x222: {  	[tilespmem:$0x19090] =	vst v0  }
0x223: {  	v0 =	vld.idx.msk [tilespmem:v2+s11+$0x0], $0xffff;
	_ =	sdelay $0x3  }
0x224: {  	v1 =	vld [tilespmem:$0x19020]  }
0x225: {  	[tilespmem:$0x19110] =	vst v0  }
0x226: {  	v0 =	vld.idx.msk [tilespmem:v2+s14+$0x0], $0xffff;
	_ =	sdelay $0x4  }
0x227: {  	[tilespmem:$0x19190] =	vst v0  }
0x228: {  	v0 =	vld.idx.msk [tilespmem:v1+s25+$0x0], $0xffff;
	_ =	sdelay $0x4  }
0x229: {  	[tilespmem:$0x190A0] =	vst v0  }
0x22a: {  	v0 =	vld.idx.msk [tilespmem:v1+s11+$0x0], $0xffff;
	_ =	sdelay $0x3  }
0x22b: {  	v2 =	vld [tilespmem:$0x19030]  }
0x22c: {  	[tilespmem:$0x19120] =	vst v0  }
0x22d: {  	v0 =	vld.idx.msk [tilespmem:v1+s14+$0x0], $0xffff;
	_ =	sdelay $0x4  }
0x22e: {  	[tilespmem:$0x191A0] =	vst v0  }
0x22f: {  	v0 =	vld.idx.msk [tilespmem:v2+s25+$0x0], $0xffff;
	_ =	sdelay $0x4  }
0x230: {  	[tilespmem:$0x190B0] =	vst v0  }
0x231: {  	v0 =	vld.idx.msk [tilespmem:v2+s11+$0x0], $0xffff;
	_ =	sdelay $0x3  }
0x232: {  	v1 =	vld [tilespmem:$0x19040]  }
0x233: {  	[tilespmem:$0x19130] =	vst v0  }
0x234: {  	v0 =	vld.idx.msk [tilespmem:v2+s14+$0x0], $0xffff;
	_ =	sdelay $0x4  }
0x235: {  	[tilespmem:$0x191B0] =	vst v0  }
0x236: {  	v0 =	vld.idx.msk [tilespmem:v1+s25+$0x0], $0xffff;
	_ =	sdelay $0x4  }
0x237: {  	[tilespmem:$0x190C0] =	vst v0  }
0x238: {  	v0 =	vld.idx.msk [tilespmem:v1+s11+$0x0], $0xffff;
	_ =	sdelay $0x3  }
0x239: {  	v2 =	vld [tilespmem:$0x19050]  }
0x23a: {  	[tilespmem:$0x19140] =	vst v0  }
0x23b: {  	v0 =	vld.idx.msk [tilespmem:v1+s14+$0x0], $0xffff;
	_ =	sdelay $0x4  }
0x23c: {  	[tilespmem:$0x191C0] =	vst v0  }
0x23d: {  	v0 =	vld.idx.msk [tilespmem:v2+s25+$0x0], $0xffff;
	_ =	sdelay $0x4  }
0x23e: {  	[tilespmem:$0x190D0] =	vst v0  }
0x23f: {  	v0 =	vld.idx.msk [tilespmem:v2+s11+$0x0], $0xffff;
	_ =	sdelay $0x3  }
0x240: {  	v1 =	vld [tilespmem:$0x19060]  }
0x241: {  	[tilespmem:$0x19150] =	vst v0  }
0x242: {  	v0 =	vld.idx.msk [tilespmem:v2+s14+$0x0], $0xffff;
	_ =	sdelay $0x4  }
0x243: {  	[tilespmem:$0x191D0] =	vst v0  }
0x244: {  	v0 =	vld.idx.msk [tilespmem:v1+s25+$0x0], $0xffff;
	_ =	sdelay $0x4  }
0x245: {  	[tilespmem:$0x190E0] =	vst v0  }
0x246: {  	v0 =	vld.idx.msk [tilespmem:v1+s11+$0x0], $0xffff;
	_ =	sdelay $0x3  }
0x247: {  	v2 =	vld [tilespmem:$0x19070]  }
0x248: {  	[tilespmem:$0x19160] =	vst v0  }
0x249: {  	v0 =	vld.idx.msk [tilespmem:v1+s14+$0x0], $0xffff;
	_ =	sdelay $0x4  }
0x24a: {  	[tilespmem:$0x191E0] =	vst v0  }
0x24b: {  	v0 =	vld.idx.msk [tilespmem:v2+s25+$0x0], $0xffff;
	_ =	sdelay $0x4  }
0x24c: {  	[tilespmem:$0x190F0] =	vst v0  }
0x24d: {  	v0 =	vld.idx.msk [tilespmem:v2+s11+$0x0], $0xffff;
	_ =	sdelay $0x4  }
0x24e: {  	[tilespmem:$0x19170] =	vst v0  }
0x24f: {  	v0 =	vld.idx.msk [tilespmem:v2+s14+$0x0], $0xffff;
	_ =	sdelay $0x4  }
0x250: {  	s20 =	simm.s32 $0x19080;
	s3 =	rddreg [dreg:$0x11];
	[tilespmem:$0x191F0] =	vst v0  }
0x251: {  	[hbm4b:s3+s4] =	stream.linear.scatter [tilespmem:s20], [sflag:$0x5], $0x80, $0x38;
	[tilespmem:$0x19200] =	vst v63  }
0x252: {  	_ =	swait.ge [sflag:s21], $0x80  }
0x253: {  	[sflag:s21] =	ssyncset.done $0x0  }
0x254: {  	s23 =	simm.s32 $0x19100;
	s22 =	rddreg [dreg:$0x12];
	[sflag:s21] =	ssyncadd.s32 $0xFFFFFF80  }
0x255: {  	[hbm4b:s22+s4] =	stream.linear.scatter [tilespmem:s23], [sflag:$0x5], $0x80, $0x38;
	[tilespmem:$0x19200] =	vst v63  }
0x256: {  	_ =	swait.ge [sflag:s21], $0x80  }
0x257: {  	[sflag:s21] =	ssyncset.done $0x0  }
0x258: {  	s22 =	simm.s32 $0x19180;
	s20 =	rddreg [dreg:$0x13];
	[sflag:s21] =	ssyncadd.s32 $0xFFFFFF80  }
0x259: {  	[hbm4b:s20+s4] =	stream.linear.scatter [tilespmem:s22], [sflag:$0x5], $0x80, $0x38;
	[tilespmem:$0x19200] =	vst v63  }
0x25a: {  	_ =	swait.ge [sflag:s21], $0x80  }
0x25b: {  	[sflag:s21] =	ssyncset.done $0x0  }
0x25c: {  	s23 =	simm.s32 $0x40;
	[sflag:s21] =	ssyncadd.s32 $0xFFFFFF80  }
0x25d: {  	v0 =	vld [tilespmem:s23+$0x30]  }
0x25e: {  	v1 =	vld [tilespmem:s23+$0xFFFFFFD0]  }
0x25f: {  	v2 =	vld [tilespmem:s23+$0xFFFFFFE0]  }
0x260: {  	v3 =	vld [tilespmem:s23+$0xFFFFFFF0]  }
0x261: {  	v4 =	vld [tilespmem:s23+$0x0]  }
0x262: {  	v5 =	vld [tilespmem:s23+$0x10]  }
0x263: {  	v6 =	vld [tilespmem:s23+$0x20]  }
0x264: {  	v7 =	vld [tilespmem:s23+$0xFFFFFFC0]  }
0x265: {  	v8 =	vld.idx.msk [tilespmem:v0+s25+$0x0], $0xffff  }
0x266: {  	v9 =	vld.idx.msk [tilespmem:v1+s25+$0x0], $0xffff  }
0x267: {  	v10 =	vld.idx.msk [tilespmem:v2+s25+$0x0], $0xffff  }
0x268: {  	v11 =	vld.idx.msk [tilespmem:v3+s25+$0x0], $0xffff  }
0x269: {  	v12 =	vld.idx.msk [tilespmem:v4+s25+$0x0], $0xffff  }
0x26a: {  	s3 =	simm.s32 $0x12040;
	v13 =	vld.idx.msk [tilespmem:v5+s25+$0x0], $0xffff  }
0x26b: {  	v14 =	vld.idx.msk [tilespmem:v6+s25+$0x0], $0xffff;
	[tilespmem:s3+$0xFFFFF030] =	vst v8  }
0x26c: {  	v56 =	vld.idx.msk [tilespmem:v7+s25+$0x0], $0xffff;
	[tilespmem:s3+$0xFFFFEFD0] =	vst v9  }
0x26d: {  	[tilespmem:s3+$0xFFFFEFE0] =	vst v10;
	v8 =	vld.idx.msk [tilespmem:v0+s11+$0x0], $0xffff  }
0x26e: {  	[tilespmem:s3+$0xFFFFEFF0] =	vst v11;
	v57 =	vld.idx.msk [tilespmem:v1+s11+$0x0], $0xffff  }
0x26f: {  	[tilespmem:s3+$0xFFFFF000] =	vst v12;
	v58 =	vld.idx.msk [tilespmem:v2+s11+$0x0], $0xffff  }
0x270: {  	[tilespmem:s3+$0xFFFFF010] =	vst v13;
	v59 =	vld.idx.msk [tilespmem:v3+s11+$0x0], $0xffff  }
0x271: {  	[tilespmem:s3+$0xFFFFF020] =	vst v14;
	v60 =	vld.idx.msk [tilespmem:v4+s11+$0x0], $0xffff  }
0x272: {  	[tilespmem:s3+$0xFFFFEFC0] =	vst v56;
	v61 =	vld.idx.msk [tilespmem:v5+s11+$0x0], $0xffff  }
0x273: {  	v9 =	vld.idx.msk [tilespmem:v7+s11+$0x0], $0xffff;
	[tilespmem:s3+$0x30] =	vst v8  }
0x274: {  	v62 =	vld.idx.msk [tilespmem:v6+s11+$0x0], $0xffff;
	[tilespmem:s3+$0xFFFFFFD0] =	vst v57  }
0x275: {  	[tilespmem:s3+$0xFFFFFFE0] =	vst v58;
	v8 =	vld.idx.msk [tilespmem:v0+s14+$0x0], $0xffff  }
0x276: {  	[tilespmem:s3+$0xFFFFFFF0] =	vst v59;
	v63 =	vld.idx.msk [tilespmem:v1+s14+$0x0], $0xffff  }
0x277: {  	[tilespmem:s3+$0x0] =	vst v60;
	v0 =	vld.idx.msk [tilespmem:v2+s14+$0x0], $0xffff  }
0x278: {  	[tilespmem:s3+$0x10] =	vst v61;
	v1 =	vld.idx.msk [tilespmem:v3+s14+$0x0], $0xffff  }
0x279: {  	[tilespmem:s3+$0xFFFFFFC0] =	vst v9;
	v2 =	vld.idx.msk [tilespmem:v4+s14+$0x0], $0xffff  }
0x27a: {  	[tilespmem:s3+$0x20] =	vst v62;
	v4 =	vld.idx.msk [tilespmem:v5+s14+$0x0], $0xffff  }
0x27b: {  	v3 =	vld.idx.msk [tilespmem:v7+s14+$0x0], $0xffff;
	[tilespmem:s3+$0x1030] =	vst v8  }
0x27c: {  	s0 =	simm.s32 $0x0;
	s20 =	simm.s32 $0xC0;
	v5 =	vld.idx.msk [tilespmem:v6+s14+$0x0], $0xffff;
	[tilespmem:s3+$0xFD0] =	vst v63  }
.LBB2_14:
0x27d: {  	v6 =	vld [tilespmem:s20+$0x30];
	s0 =	sadd.s32 $0x8, s0;
	[tilespmem:s3+$0xFE0] =	vst v0  }
0x27e: {  	v0 =	vld [tilespmem:s20+$0xFFFFFFD0];
	p1 =	slt.u32 s0, $0xF8;
	[tilespmem:s3+$0xFF0] =	vst v1  }
0x27f: {  	v1 =	vld [tilespmem:s20+$0xFFFFFFE0];
	[tilespmem:s3+$0x1000] =	vst v2  }
0x280: {  	v2 =	vld [tilespmem:s20+$0xFFFFFFF0];
	[tilespmem:s3+$0x1010] =	vst v4  }
0x281: {  	v4 =	vld [tilespmem:s20+$0x0];
	[tilespmem:s3+$0xFC0] =	vst v3  }
0x282: {  	v3 =	vld [tilespmem:s20+$0x10];
	[tilespmem:s3+$0x1020] =	vst v5  }
0x283: {  	v5 =	vld [tilespmem:s20+$0x20]  }
0x284: {  	v7 =	vld [tilespmem:s20+$0xFFFFFFC0]  }
0x285: {  	v8 =	vld.idx.msk [tilespmem:v6+s25+$0x0], $0xffff  }
0x286: {  	v9 =	vld.idx.msk [tilespmem:v0+s25+$0x0], $0xffff  }
0x287: {  	v10 =	vld.idx.msk [tilespmem:v1+s25+$0x0], $0xffff  }
0x288: {  	v11 =	vld.idx.msk [tilespmem:v2+s25+$0x0], $0xffff  }
0x289: {  	v12 =	vld.idx.msk [tilespmem:v4+s25+$0x0], $0xffff  }
0x28a: {  	s3 =	sadd.s32 $0x80, s3;
	v13 =	vld.idx.msk [tilespmem:v3+s25+$0x0], $0xffff  }
0x28b: {  	v14 =	vld.idx.msk [tilespmem:v5+s25+$0x0], $0xffff;
	[tilespmem:s3+$0xFFFFF030] =	vst v8  }
0x28c: {  	[tilespmem:s3+$0xFFFFEFD0] =	vst v9;
	v8 =	vld.idx.msk [tilespmem:v6+s11+$0x0], $0xffff  }
0x28d: {  	v9 =	vld.idx.msk [tilespmem:v7+s25+$0x0], $0xffff;
	[tilespmem:s3+$0xFFFFEFE0] =	vst v10  }
0x28e: {  	v10 =	vld.idx.msk [tilespmem:v0+s11+$0x0], $0xffff;
	[tilespmem:s3+$0xFFFFEFF0] =	vst v11  }
0x28f: {  	v11 =	vld.idx.msk [tilespmem:v1+s11+$0x0], $0xffff;
	[tilespmem:s3+$0xFFFFF000] =	vst v12  }
0x290: {  	v12 =	vld.idx.msk [tilespmem:v2+s11+$0x0], $0xffff;
	[tilespmem:s3+$0xFFFFF010] =	vst v13  }
0x291: {  	v13 =	vld.idx.msk [tilespmem:v4+s11+$0x0], $0xffff;
	[tilespmem:s3+$0xFFFFF020] =	vst v14  }
0x292: {  	v14 =	vld.idx.msk [tilespmem:v3+s11+$0x0], $0xffff;
	[tilespmem:s3+$0x30] =	vst v8  }
0x293: {  	[tilespmem:s3+$0xFFFFEFC0] =	vst v9;
	v6 =	vld.idx.msk [tilespmem:v6+s14+$0x0], $0xffff  }
0x294: {  	v8 =	vld.idx.msk [tilespmem:v7+s11+$0x0], $0xffff;
	[tilespmem:s3+$0xFFFFFFD0] =	vst v10  }
0x295: {  	[tilespmem:s3+$0xFFFFFFE0] =	vst v11;
	v9 =	vld.idx.msk [tilespmem:v5+s11+$0x0], $0xffff  }
0x296: {  	v10 =	vld.idx.msk [tilespmem:v0+s14+$0x0], $0xffff;
	[tilespmem:s3+$0xFFFFFFF0] =	vst v12  }
0x297: {  	v0 =	vld.idx.msk [tilespmem:v1+s14+$0x0], $0xffff;
	[tilespmem:s3+$0x0] =	vst v13  }
.Ltmp9:
0x298: {  	v1 =	vld.idx.msk [tilespmem:v2+s14+$0x0], $0xffff;
	[tilespmem:s3+$0x10] =	vst v14;
	(pc) =	sbr.rel @p1 .LBB2_14-.Ltmp9, $4  }
0x299: {  	v2 =	vld.idx.msk [tilespmem:v4+s14+$0x0], $0xffff;
	[tilespmem:s3+$0x1030] =	vst v6  }
0x29a: {  	[tilespmem:s3+$0xFFFFFFC0] =	vst v8;
	v4 =	vld.idx.msk [tilespmem:v3+s14+$0x0], $0xffff  }
0x29b: {  	v3 =	vld.idx.msk [tilespmem:v7+s14+$0x0], $0xffff;
	[tilespmem:s3+$0x20] =	vst v9  }
0x29c: {  	s20 =	sadd.s32 $0x80, s20;
	[tilespmem:s3+$0xFD0] =	vst v10;
	v5 =	vld.idx.msk [tilespmem:v5+s14+$0x0], $0xffff  }
0x29d: {  	[tilespmem:s3+$0xFE0] =	vst v0  }
0x29e: {  	[tilespmem:s3+$0xFF0] =	vst v1  }
0x29f: {  	[tilespmem:s3+$0x1000] =	vst v2  }
0x2a0: {  	[tilespmem:s3+$0x1010] =	vst v4  }
0x2a1: {  	[tilespmem:s3+$0xFC0] =	vst v3  }
0x2a2: {  	[tilespmem:s3+$0x1020] =	vst v5  }
0x2a3: {  	s23 =	simm.s32 $0x11000;
	s0 =	rddreg [dreg:$0x14]  }
0x2a4: {  	[hbm4b:s0+s4] =	stream.linear.scatter [tilespmem:s23], [sflag:$0x5], $0x1000, $0x38;
	[tilespmem:$0x19200] =	vst v63  }
0x2a5: {  	_ =	swait.ge [sflag:s21], $0x1000  }
0x2a6: {  	[sflag:s21] =	ssyncset.done $0x0  }
0x2a7: {  	s22 =	simm.s32 $0x12000;
	s20 =	rddreg [dreg:$0x15];
	[sflag:s21] =	ssyncadd.s32 $0xFFFFF000  }
0x2a8: {  	[hbm4b:s20+s4] =	stream.linear.scatter [tilespmem:s22], [sflag:$0x5], $0x1000, $0x38;
	[tilespmem:$0x19200] =	vst v63  }
0x2a9: {  	_ =	swait.ge [sflag:s21], $0x1000  }
0x2aa: {  	[sflag:s21] =	ssyncset.done $0x0  }
.Ltmp10:
0x2ab: {  	s23 =	rddreg [dreg:$0x16];
	[sflag:s21] =	ssyncadd.s32 $0xFFFFF000;
	(pc) =	sbr.rel .LBB2_16-.Ltmp10, $4  }
0x2ac: {  	[hbm4b:s23+s4] =	stream.linear.scatter [tilespmem:s13], [sflag:$0x5], $0x1000, $0x38;
	[tilespmem:$0x19200] =	vst v63  }
0x2ad: {  	_ =	swait.ge [sflag:s21], $0x1000  }
0x2ae: {  	[sflag:s21] =	ssyncset.done $0x0  }
0x2af: {  	s3 =	rddreg [dreg:$0x18];
	[sflag:s21] =	ssyncadd.s32 $0xFFFFF000  }
.LBB2_17:
0x2b0: {  	_ =	sfence.sel $0x180000  }
0x2b1: {  	[bflag:$0x0] =	sbarrier.arrive $0xFFFF  }
0x2b2: {  	_ =	strace $0x90000047  }
0x2b3: {  	s0 =	stileid.u32;
	[bflag:$0x2] =	sbarrier.arrive $0xFFFF  }
0x2b4: {  	p0 =	sne.s32 s0, $0x0;
	s0 =	rddreg [dreg:$0x5]  }
0x2b5: {  	s0 =	sadd.s32 @!p0 $0x100000, s0  }
0x2b6: {  	[sflag:s0] =	ssyncadd.tile.s32 @!p0 $0x1;
	_ =	shalt  }
.Lfunc_end2:
_tile_overlayer_lowered:
.L_overlay_start_2:
0x2b7: {  	(tag) =	ssettag $0x2  }
0x2b8: {  	s0 =	rddreg [dreg:$0x0];
	s2 =	stileid.u32  }
0x2b9: {  	s1 =	rddreg [dreg:$0x1];
	p0 =	sne.s32 s2, $0x0  }
0x2ba: {  	s3 =	rddreg [dreg:$0x2];
	[bflag:$0x3] =	sbarrier.arrive $0xFFFF;
	s2 =	simm.s32 @!p0 $0x1C05  }
0x2bb: {  	[timem:s3], [sflag:s2] =	dma.local @!p0 [hbm:s0], s1  }
0x2bc: {  	s0 =	simm.s32 @!p0 $0x5  }
0x2bd: {  	_ =	swait.ge @!p0 [sflag:s0], s1  }
0x2be: {  	s1 =	ssub.s32 @!p0 $0x0, s1;
	[sflag:s0] =	ssyncset.done @!p0 $0x0  }
0x2bf: {  	[sflag:s0] =	ssyncadd.s32 @!p0 s1  }
0x2c0: {  	[bflag:$0x3] =	sbarrier.arrive $0xFFFF  }
0x2c1: {  	_ =	shalt  }

</sc_bundles>
